<compile_context>
chip_gen: v7x
topology: tpu7x:2x2x1
jax: 0.10.2.dev20260603
libtpu: 0.0.44.dev20260713+nightly
codegen_flags: <defaults>
</compile_context>

<pallas_src>
import functools

import jax
import jax.numpy as jnp
from jax import lax
from jax.experimental import pallas as pl
from jax.experimental.pallas import tpu as pltpu
from jax.experimental.pallas import tpu_sc as plsc

NUM_VOCAB = 5008
MAX_SEQ_LEN = 5
MIN_OCC = 2
NODES_PER_GRAPH = 32
VOCAB_BITS = 13
VOCAB_MASK = (1 << VOCAB_BITS) - 1


def _sc_packed_ranks(xcol, attr2vocab, num_graphs):
    info = plsc.get_sparse_core_info()
    NC, NS, L = info.num_cores, info.num_subcores, info.num_lanes
    NW = NC * NS
    graphs_per_w = num_graphs // NW
    nodes_per_w = graphs_per_w * NODES_PER_GRAPH
    n = num_graphs * NODES_PER_GRAPH

    mesh = plsc.VectorSubcoreMesh(core_axis_name="c", subcore_axis_name="s")

    @functools.partial(
        pl.kernel,
        mesh=mesh,
        out_type=jax.ShapeDtypeStruct((n,), jnp.int32),
        scratch_types=[
            pltpu.VMEM((nodes_per_w,), jnp.int32),
            pltpu.VMEM((nodes_per_w,), jnp.int32),
            pltpu.VMEM((nodes_per_w,), jnp.int32),
            pltpu.SemaphoreType.DMA,
        ],
    )
    def k(xcol_hbm, tbl_hbm, out_hbm, xv, vv, pk_v, sem):
        wid = lax.axis_index("s") * NC + lax.axis_index("c")
        base_node = wid * nodes_per_w
        pltpu.sync_copy(xcol_hbm.at[pl.ds(base_node, nodes_per_w)], xv)

        CH = 128
        copies = [
            pltpu.async_copy(
                tbl_hbm.at[xv.at[pl.ds(c * CH, CH)]],
                vv.at[pl.ds(c * CH, CH)],
                sem,
            )
            for c in range(nodes_per_w // CH)
        ]
        for cp in copies:
            cp.wait()

        lanes = lax.iota(jnp.int32, L)

        def graph_body(g, carry):
            gbase = g * NODES_PER_GRAPH
            a = vv[pl.ds(gbase, L)]
            b = vv[pl.ds(gbase + L, L)]

            zeros = jnp.zeros((L,), jnp.int32)
            big = jnp.full((L,), 2 * NODES_PER_GRAPH, jnp.int32)
            cnt_a, cnt_b, first_a, first_b = zeros, zeros, big, big
            for e in range(NODES_PER_GRAPH):
                sv = a[e] if e < L else b[e - L]
                ma = a == sv
                mb = b == sv
                cnt_a = cnt_a + jnp.where(ma, 1, 0)
                cnt_b = cnt_b + jnp.where(mb, 1, 0)
                first_a = jnp.minimum(first_a, jnp.where(ma, e, 2 * NODES_PER_GRAPH))
                first_b = jnp.minimum(first_b, jnp.where(mb, e, 2 * NODES_PER_GRAPH))

            va = jnp.logical_and(first_a == lanes, a != NUM_VOCAB)
            vb = jnp.logical_and(first_b == lanes + L, b != NUM_VOCAB)
            ka = jnp.where(va, (cnt_a << VOCAB_BITS) + (VOCAB_MASK - a), 0)
            kb = jnp.where(vb, (cnt_b << VOCAB_BITS) + (VOCAB_MASK - b), 0)

            rank_a, rank_b = zeros, zeros
            for e in range(NODES_PER_GRAPH):
                sk = ka[e] if e < L else kb[e - L]
                rank_a = rank_a + jnp.where(sk > ka, 1, 0)
                rank_b = rank_b + jnp.where(sk > kb, 1, 0)

            min_key = MIN_OCC << VOCAB_BITS
            pa = jnp.where(
                jnp.logical_and(ka >= min_key, rank_a < MAX_SEQ_LEN),
                (rank_a << VOCAB_BITS) + (VOCAB_MASK - (ka & VOCAB_MASK)) + 1,
                0,
            )
            pb = jnp.where(
                jnp.logical_and(kb >= min_key, rank_b < MAX_SEQ_LEN),
                (rank_b << VOCAB_BITS) + (VOCAB_MASK - (kb & VOCAB_MASK)) + 1,
                0,
            )
            pk_v[pl.ds(gbase, L)] = pa
            pk_v[pl.ds(gbase + L, L)] = pb
            return carry

        lax.fori_loop(0, graphs_per_w, graph_body, 0)
        pltpu.sync_copy(pk_v, out_hbm.at[pl.ds(base_node, nodes_per_w)])

    return k(xcol, attr2vocab)


def _tc_emit_preds(packed, num_graphs):
    BR = 128
    nb = num_graphs // BR

    def body(pk_ref, *out_refs):
        p = pk_ref[...] - 1
        rank = p >> VOCAB_BITS
        tok1 = (p & VOCAB_MASK) + 1
        cols = lax.broadcasted_iota(jnp.int32, (BR, NUM_VOCAB), 1)
        for j in range(MAX_SEQ_LEN):
            tj = jnp.sum(jnp.where(rank == j, tok1, 0), axis=1, keepdims=True) - 1
            out_refs[j][...] = jnp.where(cols == tj, 1, -1)

    return pl.pallas_call(
        body,
        grid=(nb,),
        in_specs=[pl.BlockSpec((BR, NODES_PER_GRAPH), lambda i: (i, 0))],
        out_specs=[
            pl.BlockSpec((BR, NUM_VOCAB), lambda i: (i, 0))
            for _ in range(MAX_SEQ_LEN)
        ],
        out_shape=[
            jax.ShapeDtypeStruct((num_graphs, NUM_VOCAB), jnp.int32)
            for _ in range(MAX_SEQ_LEN)
        ],
    )(packed)


def kernel(x, node_depth, attr2vocab):
    num_graphs = node_depth.shape[0] // NODES_PER_GRAPH
    xcol = x[:, 1]
    packed = _sc_packed_ranks(xcol, attr2vocab, num_graphs)
    packed = packed.reshape(num_graphs, NODES_PER_GRAPH)
    return tuple(_tc_emit_preds(packed, num_graphs))

# --- scband reference (transcript-rebuilt; emitter-appended) ---
"""Pipeline reference for scband-guess-tokens-by-occurrence-26036091748795 (READ-ONLY COPY).

The authoritative reference and input builder live on the scoring server;
editing this copy changes nothing except your own understanding.
"""

import jax, jax.numpy as jnp
import numpy as np

NUM_VOCAB = 5008
NUM_ATTRS = 10000
MAX_SEQ_LEN = 5
MIN_OCC = 2
NODES_PER_GRAPH = 32
NUM_GRAPHS = 1024
N = NODES_PER_GRAPH * NUM_GRAPHS


def setup_inputs(seed: int = 0) -> dict:
    key = jax.random.key(seed)
    k1, k2 = jax.random.split(key)
    # node feature matrix; column 1 holds the node-attribute index
    x = jax.random.randint(k1, (N, 2), 0, NUM_ATTRS, dtype=jnp.int32)
    # node_depth == 0 exactly at the root (first node) of each graph, >0 elsewhere
    pos = jnp.arange(N)
    node_depth = jnp.where(pos % NODES_PER_GRAPH == 0, 0, 1 + (pos % NODES_PER_GRAPH) % 7).astype(jnp.int32)
    # dense lookup table encoding attridx2vocabidx; value NUM_VOCAB means 'attr not in vocab' (OOV)
    attr2vocab = jax.random.randint(k2, (NUM_ATTRS,), 0, NUM_VOCAB + 1, dtype=jnp.int32)
    return {"x": x, "node_depth": node_depth, "attr2vocab": attr2vocab}


def reference(x, node_depth, attr2vocab):
    # segment each node to its graph using root positions (node_depth == 0),
    # equivalent to slicing x[idx[i]:idx[i+1]] in the original
    is_root = (node_depth == 0)
    num_graphs = node_depth.shape[0] // NODES_PER_GRAPH
    seg = jnp.cumsum(is_root.astype(jnp.int32)) - 1  # graph id per node
    # map attribute index -> vocab index (OOV -> NUM_VOCAB)
    idx1 = x[:, 1]
    vocabidx = jnp.take(attr2vocab, idx1, axis=0)
    # per-graph occurrence counts via bincount (scatter-add of ones), drop OOV column
    flat = seg * (NUM_VOCAB + 1) + vocabidx
    z = jnp.bincount(flat, length=num_graphs * (NUM_VOCAB + 1)).reshape(num_graphs, NUM_VOCAB + 1)[:, :NUM_VOCAB]
    z = z.astype(jnp.int32)
    rows = jnp.arange(num_graphs)
    preds = []
    for j in range(MAX_SEQ_LEN):
        tokidx = jnp.argmax(z, axis=1)
        ct = z[rows, tokidx]
        pred = jnp.full((num_graphs, NUM_VOCAB), -1, dtype=jnp.int32)
        pred = pred.at[rows, tokidx].set(jnp.where(ct >= MIN_OCC, 1, -1))
        preds.append(pred)
        z = z.at[rows, tokidx].set(0)
    return tuple(preds)

if __name__ == "__main__":
    import jax
    _d = setup_inputs()
    print(jax.jit(kernel)(*tuple(_d.values())))

</pallas_src>

<mosaic_0001>
#map = affine_map<(d0, d1) -> (0)>
module attributes {stable_mosaic.version = 14 : i64} {
  func.func @k(%arg0: i32, %arg1: i32, %arg2: memref<32768xi32, #tpu.memory_space<hbm>>, %arg3: memref<10000xi32, #tpu.memory_space<hbm>>, %arg4: memref<32768xi32, #tpu.memory_space<hbm>>, %arg5: memref<1024xi32, #tpu.memory_space<vmem>>, %arg6: memref<1024xi32, #tpu.memory_space<vmem>>, %arg7: memref<1024xi32, #tpu.memory_space<vmem>>, %arg8: memref<!tpu.dma_semaphore, #tpu.memory_space<semaphore_mem>>) attributes {dimension_semantics = [#tpu.dimension_semantics<core_parallel>, #tpu.dimension_semantics<subcore_parallel>], iteration_bounds = array<i64: 2, 16>, scalar_prefetch = 0 : i64, scratch_operands = 4 : i64, tpu.core_type = #tpu.core_type<sc_vector_subcore>, window_params = [{transform_indices = #map}, {transform_indices = #map}, {transform_indices = #map}]} {
    %mul3A = arith.constant 2 : i32
    %mul3A_0 = arith.muli %arg1, %mul3A : i32
    %add3A = arith.addi %mul3A_0, %arg0 : i32
    %mul3A_1 = arith.constant 1024 : i32
    %mul3A_2 = arith.muli %add3A, %mul3A_1 : i32
    "tpu.region"() ({
      %run_scoped3A = tpu.sem_alloc : memref<!tpu.dma_semaphore, #tpu.memory_space<semaphore_mem>>
      %dma_start3A_102 = tpu.memref_slice %arg2[%mul3A_2] : memref<32768xi32, #tpu.memory_space<hbm>> -> memref<1024xi32, #tpu.memory_space<hbm>>
      %dma_start3A_103 = tpu.memref_slice %arg2[%mul3A_2] : memref<32768xi32, #tpu.memory_space<hbm>> -> memref<1024xi32, #tpu.memory_space<hbm>>
      tpu.enqueue_dma source(%dma_start3A_103 : memref<1024xi32, #tpu.memory_space<hbm>>) target(%arg5 : memref<1024xi32, #tpu.memory_space<vmem>>) target_semaphore(%run_scoped3A : memref<!tpu.dma_semaphore, #tpu.memory_space<semaphore_mem>>)
      %dma_wait3A_104 = tpu.memref_slice %arg2[%mul3A_2] : memref<32768xi32, #tpu.memory_space<hbm>> -> memref<1024xi32, #tpu.memory_space<hbm>>
      %dma_wait3A_105 = tpu.memref_slice %arg2[%mul3A_2] : memref<32768xi32, #tpu.memory_space<hbm>> -> memref<1024xi32, #tpu.memory_space<hbm>>
      tpu.wait_dma2 semaphore(%run_scoped3A : memref<!tpu.dma_semaphore, #tpu.memory_space<semaphore_mem>>) src(%dma_wait3A_105 : memref<1024xi32, #tpu.memory_space<hbm>>) dst(%arg5 : memref<1024xi32, #tpu.memory_space<vmem>>)
      tpu.yield
    }) : () -> ()
    %dma_start3A = arith.constant 0 : i32
    %dma_start3A_3 = tpu.memref_slice %arg6[%dma_start3A] : memref<1024xi32, #tpu.memory_space<vmem>> -> memref<128xi32, #tpu.memory_space<vmem>>
    %dma_start3A_4 = arith.constant 0 : i32
    %dma_start3A_5 = tpu.memref_slice %arg5[%dma_start3A_4] : memref<1024xi32, #tpu.memory_space<vmem>> -> memref<128xi32, #tpu.memory_space<vmem>>
    %dma_start3A_6 = arith.constant 0 : i32
    %dma_start3A_7 = tpu.memref_slice %arg3[%dma_start3A_6] : memref<10000xi32, #tpu.memory_space<hbm>> -> memref<10000xi32, #tpu.memory_space<hbm>>
    tpu.enqueue_indirect_dma source(%dma_start3A_7 : memref<10000xi32, #tpu.memory_space<hbm>>) target(%dma_start3A_3 : memref<128xi32, #tpu.memory_space<vmem>>) offsets(%dma_start3A_5 : memref<128xi32, #tpu.memory_space<vmem>>) semaphore(%arg8 : memref<!tpu.dma_semaphore, #tpu.memory_space<semaphore_mem>>)
    %dma_start3A_8 = arith.constant 128 : i32
    %dma_start3A_9 = tpu.memref_slice %arg6[%dma_start3A_8] : memref<1024xi32, #tpu.memory_space<vmem>> -> memref<128xi32, #tpu.memory_space<vmem>>
    %dma_start3A_10 = arith.constant 128 : i32
    %dma_start3A_11 = tpu.memref_slice %arg5[%dma_start3A_10] : memref<1024xi32, #tpu.memory_space<vmem>> -> memref<128xi32, #tpu.memory_space<vmem>>
    %dma_start3A_12 = arith.constant 0 : i32
    %dma_start3A_13 = tpu.memref_slice %arg3[%dma_start3A_12] : memref<10000xi32, #tpu.memory_space<hbm>> -> memref<10000xi32, #tpu.memory_space<hbm>>
    tpu.enqueue_indirect_dma source(%dma_start3A_13 : memref<10000xi32, #tpu.memory_space<hbm>>) target(%dma_start3A_9 : memref<128xi32, #tpu.memory_space<vmem>>) offsets(%dma_start3A_11 : memref<128xi32, #tpu.memory_space<vmem>>) semaphore(%arg8 : memref<!tpu.dma_semaphore, #tpu.memory_space<semaphore_mem>>)
    %dma_start3A_14 = arith.constant 256 : i32
    %dma_start3A_15 = tpu.memref_slice %arg6[%dma_start3A_14] : memref<1024xi32, #tpu.memory_space<vmem>> -> memref<128xi32, #tpu.memory_space<vmem>>
    %dma_start3A_16 = arith.constant 256 : i32
    %dma_start3A_17 = tpu.memref_slice %arg5[%dma_start3A_16] : memref<1024xi32, #tpu.memory_space<vmem>> -> memref<128xi32, #tpu.memory_space<vmem>>
    %dma_start3A_18 = arith.constant 0 : i32
    %dma_start3A_19 = tpu.memref_slice %arg3[%dma_start3A_18] : memref<10000xi32, #tpu.memory_space<hbm>> -> memref<10000xi32, #tpu.memory_space<hbm>>
    tpu.enqueue_indirect_dma source(%dma_start3A_19 : memref<10000xi32, #tpu.memory_space<hbm>>) target(%dma_start3A_15 : memref<128xi32, #tpu.memory_space<vmem>>) offsets(%dma_start3A_17 : memref<128xi32, #tpu.memory_space<vmem>>) semaphore(%arg8 : memref<!tpu.dma_semaphore, #tpu.memory_space<semaphore_mem>>)
    %dma_start3A_20 = arith.constant 384 : i32
    %dma_start3A_21 = tpu.memref_slice %arg6[%dma_start3A_20] : memref<1024xi32, #tpu.memory_space<vmem>> -> memref<128xi32, #tpu.memory_space<vmem>>
    %dma_start3A_22 = arith.constant 384 : i32
    %dma_start3A_23 = tpu.memref_slice %arg5[%dma_start3A_22] : memref<1024xi32, #tpu.memory_space<vmem>> -> memref<128xi32, #tpu.memory_space<vmem>>
    %dma_start3A_24 = arith.constant 0 : i32
    %dma_start3A_25 = tpu.memref_slice %arg3[%dma_start3A_24] : memref<10000xi32, #tpu.memory_space<hbm>> -> memref<10000xi32, #tpu.memory_space<hbm>>
    tpu.enqueue_indirect_dma source(%dma_start3A_25 : memref<10000xi32, #tpu.memory_space<hbm>>) target(%dma_start3A_21 : memref<128xi32, #tpu.memory_space<vmem>>) offsets(%dma_start3A_23 : memref<128xi32, #tpu.memory_space<vmem>>) semaphore(%arg8 : memref<!tpu.dma_semaphore, #tpu.memory_space<semaphore_mem>>)
    %dma_start3A_26 = arith.constant 512 : i32
    %dma_start3A_27 = tpu.memref_slice %arg6[%dma_start3A_26] : memref<1024xi32, #tpu.memory_space<vmem>> -> memref<128xi32, #tpu.memory_space<vmem>>
    %dma_start3A_28 = arith.constant 512 : i32
    %dma_start3A_29 = tpu.memref_slice %arg5[%dma_start3A_28] : memref<1024xi32, #tpu.memory_space<vmem>> -> memref<128xi32, #tpu.memory_space<vmem>>
    %dma_start3A_30 = arith.constant 0 : i32
    %dma_start3A_31 = tpu.memref_slice %arg3[%dma_start3A_30] : memref<10000xi32, #tpu.memory_space<hbm>> -> memref<10000xi32, #tpu.memory_space<hbm>>
    tpu.enqueue_indirect_dma source(%dma_start3A_31 : memref<10000xi32, #tpu.memory_space<hbm>>) target(%dma_start3A_27 : memref<128xi32, #tpu.memory_space<vmem>>) offsets(%dma_start3A_29 : memref<128xi32, #tpu.memory_space<vmem>>) semaphore(%arg8 : memref<!tpu.dma_semaphore, #tpu.memory_space<semaphore_mem>>)
    %dma_start3A_32 = arith.constant 640 : i32
    %dma_start3A_33 = tpu.memref_slice %arg6[%dma_start3A_32] : memref<1024xi32, #tpu.memory_space<vmem>> -> memref<128xi32, #tpu.memory_space<vmem>>
    %dma_start3A_34 = arith.constant 640 : i32
    %dma_start3A_35 = tpu.memref_slice %arg5[%dma_start3A_34] : memref<1024xi32, #tpu.memory_space<vmem>> -> memref<128xi32, #tpu.memory_space<vmem>>
    %dma_start3A_36 = arith.constant 0 : i32
    %dma_start3A_37 = tpu.memref_slice %arg3[%dma_start3A_36] : memref<10000xi32, #tpu.memory_space<hbm>> -> memref<10000xi32, #tpu.memory_space<hbm>>
    tpu.enqueue_indirect_dma source(%dma_start3A_37 : memref<10000xi32, #tpu.memory_space<hbm>>) target(%dma_start3A_33 : memref<128xi32, #tpu.memory_space<vmem>>) offsets(%dma_start3A_35 : memref<128xi32, #tpu.memory_space<vmem>>) semaphore(%arg8 : memref<!tpu.dma_semaphore, #tpu.memory_space<semaphore_mem>>)
    %dma_start3A_38 = arith.constant 768 : i32
    %dma_start3A_39 = tpu.memref_slice %arg6[%dma_start3A_38] : memref<1024xi32, #tpu.memory_space<vmem>> -> memref<128xi32, #tpu.memory_space<vmem>>
    %dma_start3A_40 = arith.constant 768 : i32
    %dma_start3A_41 = tpu.memref_slice %arg5[%dma_start3A_40] : memref<1024xi32, #tpu.memory_space<vmem>> -> memref<128xi32, #tpu.memory_space<vmem>>
    %dma_start3A_42 = arith.constant 0 : i32
    %dma_start3A_43 = tpu.memref_slice %arg3[%dma_start3A_42] : memref<10000xi32, #tpu.memory_space<hbm>> -> memref<10000xi32, #tpu.memory_space<hbm>>
    tpu.enqueue_indirect_dma source(%dma_start3A_43 : memref<10000xi32, #tpu.memory_space<hbm>>) target(%dma_start3A_39 : memref<128xi32, #tpu.memory_space<vmem>>) offsets(%dma_start3A_41 : memref<128xi32, #tpu.memory_space<vmem>>) semaphore(%arg8 : memref<!tpu.dma_semaphore, #tpu.memory_space<semaphore_mem>>)
    %dma_start3A_44 = arith.constant 896 : i32
    %dma_start3A_45 = tpu.memref_slice %arg6[%dma_start3A_44] : memref<1024xi32, #tpu.memory_space<vmem>> -> memref<128xi32, #tpu.memory_space<vmem>>
    %dma_start3A_46 = arith.constant 896 : i32
    %dma_start3A_47 = tpu.memref_slice %arg5[%dma_start3A_46] : memref<1024xi32, #tpu.memory_space<vmem>> -> memref<128xi32, #tpu.memory_space<vmem>>
    %dma_start3A_48 = arith.constant 0 : i32
    %dma_start3A_49 = tpu.memref_slice %arg3[%dma_start3A_48] : memref<10000xi32, #tpu.memory_space<hbm>> -> memref<10000xi32, #tpu.memory_space<hbm>>
    tpu.enqueue_indirect_dma source(%dma_start3A_49 : memref<10000xi32, #tpu.memory_space<hbm>>) target(%dma_start3A_45 : memref<128xi32, #tpu.memory_space<vmem>>) offsets(%dma_start3A_47 : memref<128xi32, #tpu.memory_space<vmem>>) semaphore(%arg8 : memref<!tpu.dma_semaphore, #tpu.memory_space<semaphore_mem>>)
    %dma_wait3A = arith.constant 0 : i32
    %dma_wait3A_50 = tpu.memref_slice %arg6[%dma_wait3A] : memref<1024xi32, #tpu.memory_space<vmem>> -> memref<128xi32, #tpu.memory_space<vmem>>
    %dma_wait3A_51 = arith.constant 0 : i32
    %dma_wait3A_52 = tpu.memref_slice %arg5[%dma_wait3A_51] : memref<1024xi32, #tpu.memory_space<vmem>> -> memref<128xi32, #tpu.memory_space<vmem>>
    %dma_wait3A_53 = arith.constant 0 : i32
    %dma_wait3A_54 = tpu.memref_slice %arg3[%dma_wait3A_53] : memref<10000xi32, #tpu.memory_space<hbm>> -> memref<10000xi32, #tpu.memory_space<hbm>>
    tpu.wait_indirect_dma semaphore(%arg8 : memref<!tpu.dma_semaphore, #tpu.memory_space<semaphore_mem>>) src(%dma_wait3A_54 : memref<10000xi32, #tpu.memory_space<hbm>>) dst(%dma_wait3A_50 : memref<128xi32, #tpu.memory_space<vmem>>)
    %dma_wait3A_55 = arith.constant 128 : i32
    %dma_wait3A_56 = tpu.memref_slice %arg6[%dma_wait3A_55] : memref<1024xi32, #tpu.memory_space<vmem>> -> memref<128xi32, #tpu.memory_space<vmem>>
    %dma_wait3A_57 = arith.constant 128 : i32
    %dma_wait3A_58 = tpu.memref_slice %arg5[%dma_wait3A_57] : memref<1024xi32, #tpu.memory_space<vmem>> -> memref<128xi32, #tpu.memory_space<vmem>>
    %dma_wait3A_59 = arith.constant 0 : i32
    %dma_wait3A_60 = tpu.memref_slice %arg3[%dma_wait3A_59] : memref<10000xi32, #tpu.memory_space<hbm>> -> memref<10000xi32, #tpu.memory_space<hbm>>
    tpu.wait_indirect_dma semaphore(%arg8 : memref<!tpu.dma_semaphore, #tpu.memory_space<semaphore_mem>>) src(%dma_wait3A_60 : memref<10000xi32, #tpu.memory_space<hbm>>) dst(%dma_wait3A_56 : memref<128xi32, #tpu.memory_space<vmem>>)
    %dma_wait3A_61 = arith.constant 256 : i32
    %dma_wait3A_62 = tpu.memref_slice %arg6[%dma_wait3A_61] : memref<1024xi32, #tpu.memory_space<vmem>> -> memref<128xi32, #tpu.memory_space<vmem>>
    %dma_wait3A_63 = arith.constant 256 : i32
    %dma_wait3A_64 = tpu.memref_slice %arg5[%dma_wait3A_63] : memref<1024xi32, #tpu.memory_space<vmem>> -> memref<128xi32, #tpu.memory_space<vmem>>
    %dma_wait3A_65 = arith.constant 0 : i32
    %dma_wait3A_66 = tpu.memref_slice %arg3[%dma_wait3A_65] : memref<10000xi32, #tpu.memory_space<hbm>> -> memref<10000xi32, #tpu.memory_space<hbm>>
    tpu.wait_indirect_dma semaphore(%arg8 : memref<!tpu.dma_semaphore, #tpu.memory_space<semaphore_mem>>) src(%dma_wait3A_66 : memref<10000xi32, #tpu.memory_space<hbm>>) dst(%dma_wait3A_62 : memref<128xi32, #tpu.memory_space<vmem>>)
    %dma_wait3A_67 = arith.constant 384 : i32
    %dma_wait3A_68 = tpu.memref_slice %arg6[%dma_wait3A_67] : memref<1024xi32, #tpu.memory_space<vmem>> -> memref<128xi32, #tpu.memory_space<vmem>>
    %dma_wait3A_69 = arith.constant 384 : i32
    %dma_wait3A_70 = tpu.memref_slice %arg5[%dma_wait3A_69] : memref<1024xi32, #tpu.memory_space<vmem>> -> memref<128xi32, #tpu.memory_space<vmem>>
    %dma_wait3A_71 = arith.constant 0 : i32
    %dma_wait3A_72 = tpu.memref_slice %arg3[%dma_wait3A_71] : memref<10000xi32, #tpu.memory_space<hbm>> -> memref<10000xi32, #tpu.memory_space<hbm>>
    tpu.wait_indirect_dma semaphore(%arg8 : memref<!tpu.dma_semaphore, #tpu.memory_space<semaphore_mem>>) src(%dma_wait3A_72 : memref<10000xi32, #tpu.memory_space<hbm>>) dst(%dma_wait3A_68 : memref<128xi32, #tpu.memory_space<vmem>>)
    %dma_wait3A_73 = arith.constant 512 : i32
    %dma_wait3A_74 = tpu.memref_slice %arg6[%dma_wait3A_73] : memref<1024xi32, #tpu.memory_space<vmem>> -> memref<128xi32, #tpu.memory_space<vmem>>
    %dma_wait3A_75 = arith.constant 512 : i32
    %dma_wait3A_76 = tpu.memref_slice %arg5[%dma_wait3A_75] : memref<1024xi32, #tpu.memory_space<vmem>> -> memref<128xi32, #tpu.memory_space<vmem>>
    %dma_wait3A_77 = arith.constant 0 : i32
    %dma_wait3A_78 = tpu.memref_slice %arg3[%dma_wait3A_77] : memref<10000xi32, #tpu.memory_space<hbm>> -> memref<10000xi32, #tpu.memory_space<hbm>>
    tpu.wait_indirect_dma semaphore(%arg8 : memref<!tpu.dma_semaphore, #tpu.memory_space<semaphore_mem>>) src(%dma_wait3A_78 : memref<10000xi32, #tpu.memory_space<hbm>>) dst(%dma_wait3A_74 : memref<128xi32, #tpu.memory_space<vmem>>)
    %dma_wait3A_79 = arith.constant 640 : i32
    %dma_wait3A_80 = tpu.memref_slice %arg6[%dma_wait3A_79] : memref<1024xi32, #tpu.memory_space<vmem>> -> memref<128xi32, #tpu.memory_space<vmem>>
    %dma_wait3A_81 = arith.constant 640 : i32
    %dma_wait3A_82 = tpu.memref_slice %arg5[%dma_wait3A_81] : memref<1024xi32, #tpu.memory_space<vmem>> -> memref<128xi32, #tpu.memory_space<vmem>>
    %dma_wait3A_83 = arith.constant 0 : i32
    %dma_wait3A_84 = tpu.memref_slice %arg3[%dma_wait3A_83] : memref<10000xi32, #tpu.memory_space<hbm>> -> memref<10000xi32, #tpu.memory_space<hbm>>
    tpu.wait_indirect_dma semaphore(%arg8 : memref<!tpu.dma_semaphore, #tpu.memory_space<semaphore_mem>>) src(%dma_wait3A_84 : memref<10000xi32, #tpu.memory_space<hbm>>) dst(%dma_wait3A_80 : memref<128xi32, #tpu.memory_space<vmem>>)
    %dma_wait3A_85 = arith.constant 768 : i32
    %dma_wait3A_86 = tpu.memref_slice %arg6[%dma_wait3A_85] : memref<1024xi32, #tpu.memory_space<vmem>> -> memref<128xi32, #tpu.memory_space<vmem>>
    %dma_wait3A_87 = arith.constant 768 : i32
    %dma_wait3A_88 = tpu.memref_slice %arg5[%dma_wait3A_87] : memref<1024xi32, #tpu.memory_space<vmem>> -> memref<128xi32, #tpu.memory_space<vmem>>
    %dma_wait3A_89 = arith.constant 0 : i32
    %dma_wait3A_90 = tpu.memref_slice %arg3[%dma_wait3A_89] : memref<10000xi32, #tpu.memory_space<hbm>> -> memref<10000xi32, #tpu.memory_space<hbm>>
    tpu.wait_indirect_dma semaphore(%arg8 : memref<!tpu.dma_semaphore, #tpu.memory_space<semaphore_mem>>) src(%dma_wait3A_90 : memref<10000xi32, #tpu.memory_space<hbm>>) dst(%dma_wait3A_86 : memref<128xi32, #tpu.memory_space<vmem>>)
    %dma_wait3A_91 = arith.constant 896 : i32
    %dma_wait3A_92 = tpu.memref_slice %arg6[%dma_wait3A_91] : memref<1024xi32, #tpu.memory_space<vmem>> -> memref<128xi32, #tpu.memory_space<vmem>>
    %dma_wait3A_93 = arith.constant 896 : i32
    %dma_wait3A_94 = tpu.memref_slice %arg5[%dma_wait3A_93] : memref<1024xi32, #tpu.memory_space<vmem>> -> memref<128xi32, #tpu.memory_space<vmem>>
    %dma_wait3A_95 = arith.constant 0 : i32
    %dma_wait3A_96 = tpu.memref_slice %arg3[%dma_wait3A_95] : memref<10000xi32, #tpu.memory_space<hbm>> -> memref<10000xi32, #tpu.memory_space<hbm>>
    tpu.wait_indirect_dma semaphore(%arg8 : memref<!tpu.dma_semaphore, #tpu.memory_space<semaphore_mem>>) src(%dma_wait3A_96 : memref<10000xi32, #tpu.memory_space<hbm>>) dst(%dma_wait3A_92 : memref<128xi32, #tpu.memory_space<vmem>>)
    %iota3A = tpu.iota {dimensions = array<i32: 0>} : vector<16xi32>
    %scan3A = arith.constant 0 : i32
    %scan3A_97 = arith.constant 0 : i32
    %scan3A_98 = arith.constant 32 : i32
    %scan3A_99 = arith.addi %scan3A_97, %scan3A_98 : i32
    %scan3A_100 = arith.constant 1 : i32
    scf.for %scan3A_102 = %scan3A_97 to %scan3A_99 step %scan3A_100  : i32 {
      %mul3A_103 = arith.constant 32 : i32
      %mul3A_104 = arith.muli %scan3A_102, %mul3A_103 : i32
      %get3A = arith.index_cast %mul3A_104 : i32 to index
      %get3A_105 = tpu.vector_load %arg6[%get3A] {strides = array<i32>} : memref<1024xi32, #tpu.memory_space<vmem>>, vector<16xi32>,
      %get3A_106 = vector.shape_cast %get3A_105 : vector<16xi32> to vector<16xi32>
      %add3A_107 = arith.constant 16 : i32
      %add3A_108 = arith.addi %mul3A_104, %add3A_107 : i32
      %get3A_109 = arith.index_cast %add3A_108 : i32 to index
      %get3A_110 = tpu.vector_load %arg6[%get3A_109] {strides = array<i32>} : memref<1024xi32, #tpu.memory_space<vmem>>, vector<16xi32>,
      %get3A_111 = vector.shape_cast %get3A_110 : vector<16xi32> to vector<16xi32>
      %broadcast_in_dim3A = arith.constant 0 : i32
      %broadcast_in_dim3A_112 = vector.broadcast %broadcast_in_dim3A : i32 to vector<16xi32>
      %broadcast_in_dim3A_113 = arith.constant 64 : i32
      %broadcast_in_dim3A_114 = vector.broadcast %broadcast_in_dim3A_113 : i32 to vector<16xi32>
      %slice3A = vector.extract_strided_slice %get3A_106 {offsets = [0], sizes = [1], strides = [1]} : vector<16xi32> to vector<1xi32>
      %squeeze3A = vector.extract %slice3A[0] : i32 from vector<1xi32>
      %eq3A = vector.broadcast %squeeze3A : i32 to vector<16xi32>
      %eq3A_115 = arith.cmpi eq, %get3A_106, %eq3A : vector<16xi32>
      %eq3A_116 = vector.broadcast %squeeze3A : i32 to vector<16xi32>
      %eq3A_117 = arith.cmpi eq, %get3A_111, %eq3A_116 : vector<16xi32>
      %jit3A = arith.constant 1 : i32
      %jit3A_118 = arith.constant 0 : i32
      %broadcast_in_dim3A_119 = vector.broadcast %jit3A : i32 to vector<16xi32>
      %broadcast_in_dim3A_120 = vector.broadcast %jit3A_118 : i32 to vector<16xi32>
      %select_n3A = arith.select %eq3A_115, %broadcast_in_dim3A_119, %broadcast_in_dim3A_120 : vector<16xi1>, vector<16xi32>
      %add3A_121 = arith.addi %broadcast_in_dim3A_112, %select_n3A : vector<16xi32>
      %jit3A_122 = arith.constant 1 : i32
      %jit3A_123 = arith.constant 0 : i32
      %broadcast_in_dim3A_124 = vector.broadcast %jit3A_122 : i32 to vector<16xi32>
      %broadcast_in_dim3A_125 = vector.broadcast %jit3A_123 : i32 to vector<16xi32>
      %select_n3A_126 = arith.select %eq3A_117, %broadcast_in_dim3A_124, %broadcast_in_dim3A_125 : vector<16xi1>, vector<16xi32>
      %add3A_127 = arith.addi %broadcast_in_dim3A_112, %select_n3A_126 : vector<16xi32>
      %jit3A_128 = arith.constant 0 : i32
      %jit3A_129 = arith.constant 64 : i32
      %broadcast_in_dim3A_130 = vector.broadcast %jit3A_128 : i32 to vector<16xi32>
      %broadcast_in_dim3A_131 = vector.broadcast %jit3A_129 : i32 to vector<16xi32>
      %select_n3A_132 = arith.select %eq3A_115, %broadcast_in_dim3A_130, %broadcast_in_dim3A_131 : vector<16xi1>, vector<16xi32>
      %min3A = arith.minsi %broadcast_in_dim3A_114, %select_n3A_132 : vector<16xi32>
      %jit3A_133 = arith.constant 0 : i32
      %jit3A_134 = arith.constant 64 : i32
      %broadcast_in_dim3A_135 = vector.broadcast %jit3A_133 : i32 to vector<16xi32>
      %broadcast_in_dim3A_136 = vector.broadcast %jit3A_134 : i32 to vector<16xi32>
      %select_n3A_137 = arith.select %eq3A_117, %broadcast_in_dim3A_135, %broadcast_in_dim3A_136 : vector<16xi1>, vector<16xi32>
      %min3A_138 = arith.minsi %broadcast_in_dim3A_114, %select_n3A_137 : vector<16xi32>
      %slice3A_139 = vector.extract_strided_slice %get3A_106 {offsets = [1], sizes = [1], strides = [1]} : vector<16xi32> to vector<1xi32>
      %squeeze3A_140 = vector.extract %slice3A_139[0] : i32 from vector<1xi32>
      %eq3A_141 = vector.broadcast %squeeze3A_140 : i32 to vector<16xi32>
      %eq3A_142 = arith.cmpi eq, %get3A_106, %eq3A_141 : vector<16xi32>
      %eq3A_143 = vector.broadcast %squeeze3A_140 : i32 to vector<16xi32>
      %eq3A_144 = arith.cmpi eq, %get3A_111, %eq3A_143 : vector<16xi32>
      %jit3A_145 = arith.constant 1 : i32
      %jit3A_146 = arith.constant 0 : i32
      %broadcast_in_dim3A_147 = vector.broadcast %jit3A_145 : i32 to vector<16xi32>
      %broadcast_in_dim3A_148 = vector.broadcast %jit3A_146 : i32 to vector<16xi32>
      %select_n3A_149 = arith.select %eq3A_142, %broadcast_in_dim3A_147, %broadcast_in_dim3A_148 : vector<16xi1>, vector<16xi32>
      %add3A_150 = arith.addi %add3A_121, %select_n3A_149 : vector<16xi32>
      %jit3A_151 = arith.constant 1 : i32
      %jit3A_152 = arith.constant 0 : i32
      %broadcast_in_dim3A_153 = vector.broadcast %jit3A_151 : i32 to vector<16xi32>
      %broadcast_in_dim3A_154 = vector.broadcast %jit3A_152 : i32 to vector<16xi32>
      %select_n3A_155 = arith.select %eq3A_144, %broadcast_in_dim3A_153, %broadcast_in_dim3A_154 : vector<16xi1>, vector<16xi32>
      %add3A_156 = arith.addi %add3A_127, %select_n3A_155 : vector<16xi32>
      %jit3A_157 = arith.constant 1 : i32
      %jit3A_158 = arith.constant 64 : i32
      %broadcast_in_dim3A_159 = vector.broadcast %jit3A_157 : i32 to vector<16xi32>
      %broadcast_in_dim3A_160 = vector.broadcast %jit3A_158 : i32 to vector<16xi32>
      %select_n3A_161 = arith.select %eq3A_142, %broadcast_in_dim3A_159, %broadcast_in_dim3A_160 : vector<16xi1>, vector<16xi32>
      %min3A_162 = arith.minsi %min3A, %select_n3A_161 : vector<16xi32>
      %jit3A_163 = arith.constant 1 : i32
      %jit3A_164 = arith.constant 64 : i32
      %broadcast_in_dim3A_165 = vector.broadcast %jit3A_163 : i32 to vector<16xi32>
      %broadcast_in_dim3A_166 = vector.broadcast %jit3A_164 : i32 to vector<16xi32>
      %select_n3A_167 = arith.select %eq3A_144, %broadcast_in_dim3A_165, %broadcast_in_dim3A_166 : vector<16xi1>, vector<16xi32>
      %min3A_168 = arith.minsi %min3A_138, %select_n3A_167 : vector<16xi32>
      %slice3A_169 = vector.extract_strided_slice %get3A_106 {offsets = [2], sizes = [1], strides = [1]} : vector<16xi32> to vector<1xi32>
      %squeeze3A_170 = vector.extract %slice3A_169[0] : i32 from vector<1xi32>
      %eq3A_171 = vector.broadcast %squeeze3A_170 : i32 to vector<16xi32>
      %eq3A_172 = arith.cmpi eq, %get3A_106, %eq3A_171 : vector<16xi32>
      %eq3A_173 = vector.broadcast %squeeze3A_170 : i32 to vector<16xi32>
      %eq3A_174 = arith.cmpi eq, %get3A_111, %eq3A_173 : vector<16xi32>
      %jit3A_175 = arith.constant 1 : i32
      %jit3A_176 = arith.constant 0 : i32
      %broadcast_in_dim3A_177 = vector.broadcast %jit3A_175 : i32 to vector<16xi32>
      %broadcast_in_dim3A_178 = vector.broadcast %jit3A_176 : i32 to vector<16xi32>
      %select_n3A_179 = arith.select %eq3A_172, %broadcast_in_dim3A_177, %broadcast_in_dim3A_178 : vector<16xi1>, vector<16xi32>
      %add3A_180 = arith.addi %add3A_150, %select_n3A_179 : vector<16xi32>
      %jit3A_181 = arith.constant 1 : i32
      %jit3A_182 = arith.constant 0 : i32
      %broadcast_in_dim3A_183 = vector.broadcast %jit3A_181 : i32 to vector<16xi32>
      %broadcast_in_dim3A_184 = vector.broadcast %jit3A_182 : i32 to vector<16xi32>
      %select_n3A_185 = arith.select %eq3A_174, %broadcast_in_dim3A_183, %broadcast_in_dim3A_184 : vector<16xi1>, vector<16xi32>
      %add3A_186 = arith.addi %add3A_156, %select_n3A_185 : vector<16xi32>
      %jit3A_187 = arith.constant 2 : i32
      %jit3A_188 = arith.constant 64 : i32
      %broadcast_in_dim3A_189 = vector.broadcast %jit3A_187 : i32 to vector<16xi32>
      %broadcast_in_dim3A_190 = vector.broadcast %jit3A_188 : i32 to vector<16xi32>
      %select_n3A_191 = arith.select %eq3A_172, %broadcast_in_dim3A_189, %broadcast_in_dim3A_190 : vector<16xi1>, vector<16xi32>
      %min3A_192 = arith.minsi %min3A_162, %select_n3A_191 : vector<16xi32>
      %jit3A_193 = arith.constant 2 : i32
      %jit3A_194 = arith.constant 64 : i32
      %broadcast_in_dim3A_195 = vector.broadcast %jit3A_193 : i32 to vector<16xi32>
      %broadcast_in_dim3A_196 = vector.broadcast %jit3A_194 : i32 to vector<16xi32>
      %select_n3A_197 = arith.select %eq3A_174, %broadcast_in_dim3A_195, %broadcast_in_dim3A_196 : vector<16xi1>, vector<16xi32>
      %min3A_198 = arith.minsi %min3A_168, %select_n3A_197 : vector<16xi32>
      %slice3A_199 = vector.extract_strided_slice %get3A_106 {offsets = [3], sizes = [1], strides = [1]} : vector<16xi32> to vector<1xi32>
      %squeeze3A_200 = vector.extract %slice3A_199[0] : i32 from vector<1xi32>
      %eq3A_201 = vector.broadcast %squeeze3A_200 : i32 to vector<16xi32>
      %eq3A_202 = arith.cmpi eq, %get3A_106, %eq3A_201 : vector<16xi32>
      %eq3A_203 = vector.broadcast %squeeze3A_200 : i32 to vector<16xi32>
      %eq3A_204 = arith.cmpi eq, %get3A_111, %eq3A_203 : vector<16xi32>
      %jit3A_205 = arith.constant 1 : i32
      %jit3A_206 = arith.constant 0 : i32
      %broadcast_in_dim3A_207 = vector.broadcast %jit3A_205 : i32 to vector<16xi32>
      %broadcast_in_dim3A_208 = vector.broadcast %jit3A_206 : i32 to vector<16xi32>
      %select_n3A_209 = arith.select %eq3A_202, %broadcast_in_dim3A_207, %broadcast_in_dim3A_208 : vector<16xi1>, vector<16xi32>
      %add3A_210 = arith.addi %add3A_180, %select_n3A_209 : vector<16xi32>
      %jit3A_211 = arith.constant 1 : i32
      %jit3A_212 = arith.constant 0 : i32
      %broadcast_in_dim3A_213 = vector.broadcast %jit3A_211 : i32 to vector<16xi32>
      %broadcast_in_dim3A_214 = vector.broadcast %jit3A_212 : i32 to vector<16xi32>
      %select_n3A_215 = arith.select %eq3A_204, %broadcast_in_dim3A_213, %broadcast_in_dim3A_214 : vector<16xi1>, vector<16xi32>
      %add3A_216 = arith.addi %add3A_186, %select_n3A_215 : vector<16xi32>
      %jit3A_217 = arith.constant 3 : i32
      %jit3A_218 = arith.constant 64 : i32
      %broadcast_in_dim3A_219 = vector.broadcast %jit3A_217 : i32 to vector<16xi32>
      %broadcast_in_dim3A_220 = vector.broadcast %jit3A_218 : i32 to vector<16xi32>
      %select_n3A_221 = arith.select %eq3A_202, %broadcast_in_dim3A_219, %broadcast_in_dim3A_220 : vector<16xi1>, vector<16xi32>
      %min3A_222 = arith.minsi %min3A_192, %select_n3A_221 : vector<16xi32>
      %jit3A_223 = arith.constant 3 : i32
      %jit3A_224 = arith.constant 64 : i32
      %broadcast_in_dim3A_225 = vector.broadcast %jit3A_223 : i32 to vector<16xi32>
      %broadcast_in_dim3A_226 = vector.broadcast %jit3A_224 : i32 to vector<16xi32>
      %select_n3A_227 = arith.select %eq3A_204, %broadcast_in_dim3A_225, %broadcast_in_dim3A_226 : vector<16xi1>, vector<16xi32>
      %min3A_228 = arith.minsi %min3A_198, %select_n3A_227 : vector<16xi32>
      %slice3A_229 = vector.extract_strided_slice %get3A_106 {offsets = [4], sizes = [1], strides = [1]} : vector<16xi32> to vector<1xi32>
      %squeeze3A_230 = vector.extract %slice3A_229[0] : i32 from vector<1xi32>
      %eq3A_231 = vector.broadcast %squeeze3A_230 : i32 to vector<16xi32>
      %eq3A_232 = arith.cmpi eq, %get3A_106, %eq3A_231 : vector<16xi32>
      %eq3A_233 = vector.broadcast %squeeze3A_230 : i32 to vector<16xi32>
      %eq3A_234 = arith.cmpi eq, %get3A_111, %eq3A_233 : vector<16xi32>
      %jit3A_235 = arith.constant 1 : i32
      %jit3A_236 = arith.constant 0 : i32
      %broadcast_in_dim3A_237 = vector.broadcast %jit3A_235 : i32 to vector<16xi32>
      %broadcast_in_dim3A_238 = vector.broadcast %jit3A_236 : i32 to vector<16xi32>
      %select_n3A_239 = arith.select %eq3A_232, %broadcast_in_dim3A_237, %broadcast_in_dim3A_238 : vector<16xi1>, vector<16xi32>
      %add3A_240 = arith.addi %add3A_210, %select_n3A_239 : vector<16xi32>
      %jit3A_241 = arith.constant 1 : i32
      %jit3A_242 = arith.constant 0 : i32
      %broadcast_in_dim3A_243 = vector.broadcast %jit3A_241 : i32 to vector<16xi32>
      %broadcast_in_dim3A_244 = vector.broadcast %jit3A_242 : i32 to vector<16xi32>
      %select_n3A_245 = arith.select %eq3A_234, %broadcast_in_dim3A_243, %broadcast_in_dim3A_244 : vector<16xi1>, vector<16xi32>
      %add3A_246 = arith.addi %add3A_216, %select_n3A_245 : vector<16xi32>
      %jit3A_247 = arith.constant 4 : i32
      %jit3A_248 = arith.constant 64 : i32
      %broadcast_in_dim3A_249 = vector.broadcast %jit3A_247 : i32 to vector<16xi32>
      %broadcast_in_dim3A_250 = vector.broadcast %jit3A_248 : i32 to vector<16xi32>
      %select_n3A_251 = arith.select %eq3A_232, %broadcast_in_dim3A_249, %broadcast_in_dim3A_250 : vector<16xi1>, vector<16xi32>
      %min3A_252 = arith.minsi %min3A_222, %select_n3A_251 : vector<16xi32>
      %jit3A_253 = arith.constant 4 : i32
      %jit3A_254 = arith.constant 64 : i32
      %broadcast_in_dim3A_255 = vector.broadcast %jit3A_253 : i32 to vector<16xi32>
      %broadcast_in_dim3A_256 = vector.broadcast %jit3A_254 : i32 to vector<16xi32>
      %select_n3A_257 = arith.select %eq3A_234, %broadcast_in_dim3A_255, %broadcast_in_dim3A_256 : vector<16xi1>, vector<16xi32>
      %min3A_258 = arith.minsi %min3A_228, %select_n3A_257 : vector<16xi32>
      %slice3A_259 = vector.extract_strided_slice %get3A_106 {offsets = [5], sizes = [1], strides = [1]} : vector<16xi32> to vector<1xi32>
      %squeeze3A_260 = vector.extract %slice3A_259[0] : i32 from vector<1xi32>
      %eq3A_261 = vector.broadcast %squeeze3A_260 : i32 to vector<16xi32>
      %eq3A_262 = arith.cmpi eq, %get3A_106, %eq3A_261 : vector<16xi32>
      %eq3A_263 = vector.broadcast %squeeze3A_260 : i32 to vector<16xi32>
      %eq3A_264 = arith.cmpi eq, %get3A_111, %eq3A_263 : vector<16xi32>
      %jit3A_265 = arith.constant 1 : i32
      %jit3A_266 = arith.constant 0 : i32
      %broadcast_in_dim3A_267 = vector.broadcast %jit3A_265 : i32 to vector<16xi32>
      %broadcast_in_dim3A_268 = vector.broadcast %jit3A_266 : i32 to vector<16xi32>
      %select_n3A_269 = arith.select %eq3A_262, %broadcast_in_dim3A_267, %broadcast_in_dim3A_268 : vector<16xi1>, vector<16xi32>
      %add3A_270 = arith.addi %add3A_240, %select_n3A_269 : vector<16xi32>
      %jit3A_271 = arith.constant 1 : i32
      %jit3A_272 = arith.constant 0 : i32
      %broadcast_in_dim3A_273 = vector.broadcast %jit3A_271 : i32 to vector<16xi32>
      %broadcast_in_dim3A_274 = vector.broadcast %jit3A_272 : i32 to vector<16xi32>
      %select_n3A_275 = arith.select %eq3A_264, %broadcast_in_dim3A_273, %broadcast_in_dim3A_274 : vector<16xi1>, vector<16xi32>
      %add3A_276 = arith.addi %add3A_246, %select_n3A_275 : vector<16xi32>
      %jit3A_277 = arith.constant 5 : i32
      %jit3A_278 = arith.constant 64 : i32
      %broadcast_in_dim3A_279 = vector.broadcast %jit3A_277 : i32 to vector<16xi32>
      %broadcast_in_dim3A_280 = vector.broadcast %jit3A_278 : i32 to vector<16xi32>
      %select_n3A_281 = arith.select %eq3A_262, %broadcast_in_dim3A_279, %broadcast_in_dim3A_280 : vector<16xi1>, vector<16xi32>
      %min3A_282 = arith.minsi %min3A_252, %select_n3A_281 : vector<16xi32>
      %jit3A_283 = arith.constant 5 : i32
      %jit3A_284 = arith.constant 64 : i32
      %broadcast_in_dim3A_285 = vector.broadcast %jit3A_283 : i32 to vector<16xi32>
      %broadcast_in_dim3A_286 = vector.broadcast %jit3A_284 : i32 to vector<16xi32>
      %select_n3A_287 = arith.select %eq3A_264, %broadcast_in_dim3A_285, %broadcast_in_dim3A_286 : vector<16xi1>, vector<16xi32>
      %min3A_288 = arith.minsi %min3A_258, %select_n3A_287 : vector<16xi32>
      %slice3A_289 = vector.extract_strided_slice %get3A_106 {offsets = [6], sizes = [1], strides = [1]} : vector<16xi32> to vector<1xi32>
      %squeeze3A_290 = vector.extract %slice3A_289[0] : i32 from vector<1xi32>
      %eq3A_291 = vector.broadcast %squeeze3A_290 : i32 to vector<16xi32>
      %eq3A_292 = arith.cmpi eq, %get3A_106, %eq3A_291 : vector<16xi32>
      %eq3A_293 = vector.broadcast %squeeze3A_290 : i32 to vector<16xi32>
      %eq3A_294 = arith.cmpi eq, %get3A_111, %eq3A_293 : vector<16xi32>
      %jit3A_295 = arith.constant 1 : i32
      %jit3A_296 = arith.constant 0 : i32
      %broadcast_in_dim3A_297 = vector.broadcast %jit3A_295 : i32 to vector<16xi32>
      %broadcast_in_dim3A_298 = vector.broadcast %jit3A_296 : i32 to vector<16xi32>
      %select_n3A_299 = arith.select %eq3A_292, %broadcast_in_dim3A_297, %broadcast_in_dim3A_298 : vector<16xi1>, vector<16xi32>
      %add3A_300 = arith.addi %add3A_270, %select_n3A_299 : vector<16xi32>
      %jit3A_301 = arith.constant 1 : i32
      %jit3A_302 = arith.constant 0 : i32
      %broadcast_in_dim3A_303 = vector.broadcast %jit3A_301 : i32 to vector<16xi32>
      %broadcast_in_dim3A_304 = vector.broadcast %jit3A_302 : i32 to vector<16xi32>
      %select_n3A_305 = arith.select %eq3A_294, %broadcast_in_dim3A_303, %broadcast_in_dim3A_304 : vector<16xi1>, vector<16xi32>
      %add3A_306 = arith.addi %add3A_276, %select_n3A_305 : vector<16xi32>
      %jit3A_307 = arith.constant 6 : i32
      %jit3A_308 = arith.constant 64 : i32
      %broadcast_in_dim3A_309 = vector.broadcast %jit3A_307 : i32 to vector<16xi32>
      %broadcast_in_dim3A_310 = vector.broadcast %jit3A_308 : i32 to vector<16xi32>
      %select_n3A_311 = arith.select %eq3A_292, %broadcast_in_dim3A_309, %broadcast_in_dim3A_310 : vector<16xi1>, vector<16xi32>
      %min3A_312 = arith.minsi %min3A_282, %select_n3A_311 : vector<16xi32>
      %jit3A_313 = arith.constant 6 : i32
      %jit3A_314 = arith.constant 64 : i32
      %broadcast_in_dim3A_315 = vector.broadcast %jit3A_313 : i32 to vector<16xi32>
      %broadcast_in_dim3A_316 = vector.broadcast %jit3A_314 : i32 to vector<16xi32>
      %select_n3A_317 = arith.select %eq3A_294, %broadcast_in_dim3A_315, %broadcast_in_dim3A_316 : vector<16xi1>, vector<16xi32>
      %min3A_318 = arith.minsi %min3A_288, %select_n3A_317 : vector<16xi32>
      %slice3A_319 = vector.extract_strided_slice %get3A_106 {offsets = [7], sizes = [1], strides = [1]} : vector<16xi32> to vector<1xi32>
      %squeeze3A_320 = vector.extract %slice3A_319[0] : i32 from vector<1xi32>
      %eq3A_321 = vector.broadcast %squeeze3A_320 : i32 to vector<16xi32>
      %eq3A_322 = arith.cmpi eq, %get3A_106, %eq3A_321 : vector<16xi32>
      %eq3A_323 = vector.broadcast %squeeze3A_320 : i32 to vector<16xi32>
      %eq3A_324 = arith.cmpi eq, %get3A_111, %eq3A_323 : vector<16xi32>
      %jit3A_325 = arith.constant 1 : i32
      %jit3A_326 = arith.constant 0 : i32
      %broadcast_in_dim3A_327 = vector.broadcast %jit3A_325 : i32 to vector<16xi32>
      %broadcast_in_dim3A_328 = vector.broadcast %jit3A_326 : i32 to vector<16xi32>
      %select_n3A_329 = arith.select %eq3A_322, %broadcast_in_dim3A_327, %broadcast_in_dim3A_328 : vector<16xi1>, vector<16xi32>
      %add3A_330 = arith.addi %add3A_300, %select_n3A_329 : vector<16xi32>
      %jit3A_331 = arith.constant 1 : i32
      %jit3A_332 = arith.constant 0 : i32
      %broadcast_in_dim3A_333 = vector.broadcast %jit3A_331 : i32 to vector<16xi32>
      %broadcast_in_dim3A_334 = vector.broadcast %jit3A_332 : i32 to vector<16xi32>
      %select_n3A_335 = arith.select %eq3A_324, %broadcast_in_dim3A_333, %broadcast_in_dim3A_334 : vector<16xi1>, vector<16xi32>
      %add3A_336 = arith.addi %add3A_306, %select_n3A_335 : vector<16xi32>
      %jit3A_337 = arith.constant 7 : i32
      %jit3A_338 = arith.constant 64 : i32
      %broadcast_in_dim3A_339 = vector.broadcast %jit3A_337 : i32 to vector<16xi32>
      %broadcast_in_dim3A_340 = vector.broadcast %jit3A_338 : i32 to vector<16xi32>
      %select_n3A_341 = arith.select %eq3A_322, %broadcast_in_dim3A_339, %broadcast_in_dim3A_340 : vector<16xi1>, vector<16xi32>
      %min3A_342 = arith.minsi %min3A_312, %select_n3A_341 : vector<16xi32>
      %jit3A_343 = arith.constant 7 : i32
      %jit3A_344 = arith.constant 64 : i32
      %broadcast_in_dim3A_345 = vector.broadcast %jit3A_343 : i32 to vector<16xi32>
      %broadcast_in_dim3A_346 = vector.broadcast %jit3A_344 : i32 to vector<16xi32>
      %select_n3A_347 = arith.select %eq3A_324, %broadcast_in_dim3A_345, %broadcast_in_dim3A_346 : vector<16xi1>, vector<16xi32>
      %min3A_348 = arith.minsi %min3A_318, %select_n3A_347 : vector<16xi32>
      %slice3A_349 = vector.extract_strided_slice %get3A_106 {offsets = [8], sizes = [1], strides = [1]} : vector<16xi32> to vector<1xi32>
      %squeeze3A_350 = vector.extract %slice3A_349[0] : i32 from vector<1xi32>
      %eq3A_351 = vector.broadcast %squeeze3A_350 : i32 to vector<16xi32>
      %eq3A_352 = arith.cmpi eq, %get3A_106, %eq3A_351 : vector<16xi32>
      %eq3A_353 = vector.broadcast %squeeze3A_350 : i32 to vector<16xi32>
      %eq3A_354 = arith.cmpi eq, %get3A_111, %eq3A_353 : vector<16xi32>
      %jit3A_355 = arith.constant 1 : i32
      %jit3A_356 = arith.constant 0 : i32
      %broadcast_in_dim3A_357 = vector.broadcast %jit3A_355 : i32 to vector<16xi32>
      %broadcast_in_dim3A_358 = vector.broadcast %jit3A_356 : i32 to vector<16xi32>
      %select_n3A_359 = arith.select %eq3A_352, %broadcast_in_dim3A_357, %broadcast_in_dim3A_358 : vector<16xi1>, vector<16xi32>
      %add3A_360 = arith.addi %add3A_330, %select_n3A_359 : vector<16xi32>
      %jit3A_361 = arith.constant 1 : i32
      %jit3A_362 = arith.constant 0 : i32
      %broadcast_in_dim3A_363 = vector.broadcast %jit3A_361 : i32 to vector<16xi32>
      %broadcast_in_dim3A_364 = vector.broadcast %jit3A_362 : i32 to vector<16xi32>
      %select_n3A_365 = arith.select %eq3A_354, %broadcast_in_dim3A_363, %broadcast_in_dim3A_364 : vector<16xi1>, vector<16xi32>
      %add3A_366 = arith.addi %add3A_336, %select_n3A_365 : vector<16xi32>
      %jit3A_367 = arith.constant 8 : i32
      %jit3A_368 = arith.constant 64 : i32
      %broadcast_in_dim3A_369 = vector.broadcast %jit3A_367 : i32 to vector<16xi32>
      %broadcast_in_dim3A_370 = vector.broadcast %jit3A_368 : i32 to vector<16xi32>
      %select_n3A_371 = arith.select %eq3A_352, %broadcast_in_dim3A_369, %broadcast_in_dim3A_370 : vector<16xi1>, vector<16xi32>
      %min3A_372 = arith.minsi %min3A_342, %select_n3A_371 : vector<16xi32>
      %jit3A_373 = arith.constant 8 : i32
      %jit3A_374 = arith.constant 64 : i32
      %broadcast_in_dim3A_375 = vector.broadcast %jit3A_373 : i32 to vector<16xi32>
      %broadcast_in_dim3A_376 = vector.broadcast %jit3A_374 : i32 to vector<16xi32>
      %select_n3A_377 = arith.select %eq3A_354, %broadcast_in_dim3A_375, %broadcast_in_dim3A_376 : vector<16xi1>, vector<16xi32>
      %min3A_378 = arith.minsi %min3A_348, %select_n3A_377 : vector<16xi32>
      %slice3A_379 = vector.extract_strided_slice %get3A_106 {offsets = [9], sizes = [1], strides = [1]} : vector<16xi32> to vector<1xi32>
      %squeeze3A_380 = vector.extract %slice3A_379[0] : i32 from vector<1xi32>
      %eq3A_381 = vector.broadcast %squeeze3A_380 : i32 to vector<16xi32>
      %eq3A_382 = arith.cmpi eq, %get3A_106, %eq3A_381 : vector<16xi32>
      %eq3A_383 = vector.broadcast %squeeze3A_380 : i32 to vector<16xi32>
      %eq3A_384 = arith.cmpi eq, %get3A_111, %eq3A_383 : vector<16xi32>
      %jit3A_385 = arith.constant 1 : i32
      %jit3A_386 = arith.constant 0 : i32
      %broadcast_in_dim3A_387 = vector.broadcast %jit3A_385 : i32 to vector<16xi32>
      %broadcast_in_dim3A_388 = vector.broadcast %jit3A_386 : i32 to vector<16xi32>
      %select_n3A_389 = arith.select %eq3A_382, %broadcast_in_dim3A_387, %broadcast_in_dim3A_388 : vector<16xi1>, vector<16xi32>
      %add3A_390 = arith.addi %add3A_360, %select_n3A_389 : vector<16xi32>
      %jit3A_391 = arith.constant 1 : i32
      %jit3A_392 = arith.constant 0 : i32
      %broadcast_in_dim3A_393 = vector.broadcast %jit3A_391 : i32 to vector<16xi32>
      %broadcast_in_dim3A_394 = vector.broadcast %jit3A_392 : i32 to vector<16xi32>
      %select_n3A_395 = arith.select %eq3A_384, %broadcast_in_dim3A_393, %broadcast_in_dim3A_394 : vector<16xi1>, vector<16xi32>
      %add3A_396 = arith.addi %add3A_366, %select_n3A_395 : vector<16xi32>
      %jit3A_397 = arith.constant 9 : i32
      %jit3A_398 = arith.constant 64 : i32
      %broadcast_in_dim3A_399 = vector.broadcast %jit3A_397 : i32 to vector<16xi32>
      %broadcast_in_dim3A_400 = vector.broadcast %jit3A_398 : i32 to vector<16xi32>
      %select_n3A_401 = arith.select %eq3A_382, %broadcast_in_dim3A_399, %broadcast_in_dim3A_400 : vector<16xi1>, vector<16xi32>
      %min3A_402 = arith.minsi %min3A_372, %select_n3A_401 : vector<16xi32>
      %jit3A_403 = arith.constant 9 : i32
      %jit3A_404 = arith.constant 64 : i32
      %broadcast_in_dim3A_405 = vector.broadcast %jit3A_403 : i32 to vector<16xi32>
      %broadcast_in_dim3A_406 = vector.broadcast %jit3A_404 : i32 to vector<16xi32>
      %select_n3A_407 = arith.select %eq3A_384, %broadcast_in_dim3A_405, %broadcast_in_dim3A_406 : vector<16xi1>, vector<16xi32>
      %min3A_408 = arith.minsi %min3A_378, %select_n3A_407 : vector<16xi32>
      %slice3A_409 = vector.extract_strided_slice %get3A_106 {offsets = [10], sizes = [1], strides = [1]} : vector<16xi32> to vector<1xi32>
      %squeeze3A_410 = vector.extract %slice3A_409[0] : i32 from vector<1xi32>
      %eq3A_411 = vector.broadcast %squeeze3A_410 : i32 to vector<16xi32>
      %eq3A_412 = arith.cmpi eq, %get3A_106, %eq3A_411 : vector<16xi32>
      %eq3A_413 = vector.broadcast %squeeze3A_410 : i32 to vector<16xi32>
      %eq3A_414 = arith.cmpi eq, %get3A_111, %eq3A_413 : vector<16xi32>
      %jit3A_415 = arith.constant 1 : i32
      %jit3A_416 = arith.constant 0 : i32
      %broadcast_in_dim3A_417 = vector.broadcast %jit3A_415 : i32 to vector<16xi32>
      %broadcast_in_dim3A_418 = vector.broadcast %jit3A_416 : i32 to vector<16xi32>
      %select_n3A_419 = arith.select %eq3A_412, %broadcast_in_dim3A_417, %broadcast_in_dim3A_418 : vector<16xi1>, vector<16xi32>
      %add3A_420 = arith.addi %add3A_390, %select_n3A_419 : vector<16xi32>
      %jit3A_421 = arith.constant 1 : i32
      %jit3A_422 = arith.constant 0 : i32
      %broadcast_in_dim3A_423 = vector.broadcast %jit3A_421 : i32 to vector<16xi32>
      %broadcast_in_dim3A_424 = vector.broadcast %jit3A_422 : i32 to vector<16xi32>
      %select_n3A_425 = arith.select %eq3A_414, %broadcast_in_dim3A_423, %broadcast_in_dim3A_424 : vector<16xi1>, vector<16xi32>
      %add3A_426 = arith.addi %add3A_396, %select_n3A_425 : vector<16xi32>
      %jit3A_427 = arith.constant 10 : i32
      %jit3A_428 = arith.constant 64 : i32
      %broadcast_in_dim3A_429 = vector.broadcast %jit3A_427 : i32 to vector<16xi32>
      %broadcast_in_dim3A_430 = vector.broadcast %jit3A_428 : i32 to vector<16xi32>
      %select_n3A_431 = arith.select %eq3A_412, %broadcast_in_dim3A_429, %broadcast_in_dim3A_430 : vector<16xi1>, vector<16xi32>
      %min3A_432 = arith.minsi %min3A_402, %select_n3A_431 : vector<16xi32>
      %jit3A_433 = arith.constant 10 : i32
      %jit3A_434 = arith.constant 64 : i32
      %broadcast_in_dim3A_435 = vector.broadcast %jit3A_433 : i32 to vector<16xi32>
      %broadcast_in_dim3A_436 = vector.broadcast %jit3A_434 : i32 to vector<16xi32>
      %select_n3A_437 = arith.select %eq3A_414, %broadcast_in_dim3A_435, %broadcast_in_dim3A_436 : vector<16xi1>, vector<16xi32>
      %min3A_438 = arith.minsi %min3A_408, %select_n3A_437 : vector<16xi32>
      %slice3A_439 = vector.extract_strided_slice %get3A_106 {offsets = [11], sizes = [1], strides = [1]} : vector<16xi32> to vector<1xi32>
      %squeeze3A_440 = vector.extract %slice3A_439[0] : i32 from vector<1xi32>
      %eq3A_441 = vector.broadcast %squeeze3A_440 : i32 to vector<16xi32>
      %eq3A_442 = arith.cmpi eq, %get3A_106, %eq3A_441 : vector<16xi32>
      %eq3A_443 = vector.broadcast %squeeze3A_440 : i32 to vector<16xi32>
      %eq3A_444 = arith.cmpi eq, %get3A_111, %eq3A_443 : vector<16xi32>
      %jit3A_445 = arith.constant 1 : i32
      %jit3A_446 = arith.constant 0 : i32
      %broadcast_in_dim3A_447 = vector.broadcast %jit3A_445 : i32 to vector<16xi32>
      %broadcast_in_dim3A_448 = vector.broadcast %jit3A_446 : i32 to vector<16xi32>
      %select_n3A_449 = arith.select %eq3A_442, %broadcast_in_dim3A_447, %broadcast_in_dim3A_448 : vector<16xi1>, vector<16xi32>
      %add3A_450 = arith.addi %add3A_420, %select_n3A_449 : vector<16xi32>
      %jit3A_451 = arith.constant 1 : i32
      %jit3A_452 = arith.constant 0 : i32
      %broadcast_in_dim3A_453 = vector.broadcast %jit3A_451 : i32 to vector<16xi32>
      %broadcast_in_dim3A_454 = vector.broadcast %jit3A_452 : i32 to vector<16xi32>
      %select_n3A_455 = arith.select %eq3A_444, %broadcast_in_dim3A_453, %broadcast_in_dim3A_454 : vector<16xi1>, vector<16xi32>
      %add3A_456 = arith.addi %add3A_426, %select_n3A_455 : vector<16xi32>
      %jit3A_457 = arith.constant 11 : i32
      %jit3A_458 = arith.constant 64 : i32
      %broadcast_in_dim3A_459 = vector.broadcast %jit3A_457 : i32 to vector<16xi32>
      %broadcast_in_dim3A_460 = vector.broadcast %jit3A_458 : i32 to vector<16xi32>
      %select_n3A_461 = arith.select %eq3A_442, %broadcast_in_dim3A_459, %broadcast_in_dim3A_460 : vector<16xi1>, vector<16xi32>
      %min3A_462 = arith.minsi %min3A_432, %select_n3A_461 : vector<16xi32>
      %jit3A_463 = arith.constant 11 : i32
      %jit3A_464 = arith.constant 64 : i32
      %broadcast_in_dim3A_465 = vector.broadcast %jit3A_463 : i32 to vector<16xi32>
      %broadcast_in_dim3A_466 = vector.broadcast %jit3A_464 : i32 to vector<16xi32>
      %select_n3A_467 = arith.select %eq3A_444, %broadcast_in_dim3A_465, %broadcast_in_dim3A_466 : vector<16xi1>, vector<16xi32>
      %min3A_468 = arith.minsi %min3A_438, %select_n3A_467 : vector<16xi32>
      %slice3A_469 = vector.extract_strided_slice %get3A_106 {offsets = [12], sizes = [1], strides = [1]} : vector<16xi32> to vector<1xi32>
      %squeeze3A_470 = vector.extract %slice3A_469[0] : i32 from vector<1xi32>
      %eq3A_471 = vector.broadcast %squeeze3A_470 : i32 to vector<16xi32>
      %eq3A_472 = arith.cmpi eq, %get3A_106, %eq3A_471 : vector<16xi32>
      %eq3A_473 = vector.broadcast %squeeze3A_470 : i32 to vector<16xi32>
      %eq3A_474 = arith.cmpi eq, %get3A_111, %eq3A_473 : vector<16xi32>
      %jit3A_475 = arith.constant 1 : i32
      %jit3A_476 = arith.constant 0 : i32
      %broadcast_in_dim3A_477 = vector.broadcast %jit3A_475 : i32 to vector<16xi32>
      %broadcast_in_dim3A_478 = vector.broadcast %jit3A_476 : i32 to vector<16xi32>
      %select_n3A_479 = arith.select %eq3A_472, %broadcast_in_dim3A_477, %broadcast_in_dim3A_478 : vector<16xi1>, vector<16xi32>
      %add3A_480 = arith.addi %add3A_450, %select_n3A_479 : vector<16xi32>
      %jit3A_481 = arith.constant 1 : i32
      %jit3A_482 = arith.constant 0 : i32
      %broadcast_in_dim3A_483 = vector.broadcast %jit3A_481 : i32 to vector<16xi32>
      %broadcast_in_dim3A_484 = vector.broadcast %jit3A_482 : i32 to vector<16xi32>
      %select_n3A_485 = arith.select %eq3A_474, %broadcast_in_dim3A_483, %broadcast_in_dim3A_484 : vector<16xi1>, vector<16xi32>
      %add3A_486 = arith.addi %add3A_456, %select_n3A_485 : vector<16xi32>
      %jit3A_487 = arith.constant 12 : i32
      %jit3A_488 = arith.constant 64 : i32
      %broadcast_in_dim3A_489 = vector.broadcast %jit3A_487 : i32 to vector<16xi32>
      %broadcast_in_dim3A_490 = vector.broadcast %jit3A_488 : i32 to vector<16xi32>
      %select_n3A_491 = arith.select %eq3A_472, %broadcast_in_dim3A_489, %broadcast_in_dim3A_490 : vector<16xi1>, vector<16xi32>
      %min3A_492 = arith.minsi %min3A_462, %select_n3A_491 : vector<16xi32>
      %jit3A_493 = arith.constant 12 : i32
      %jit3A_494 = arith.constant 64 : i32
      %broadcast_in_dim3A_495 = vector.broadcast %jit3A_493 : i32 to vector<16xi32>
      %broadcast_in_dim3A_496 = vector.broadcast %jit3A_494 : i32 to vector<16xi32>
      %select_n3A_497 = arith.select %eq3A_474, %broadcast_in_dim3A_495, %broadcast_in_dim3A_496 : vector<16xi1>, vector<16xi32>
      %min3A_498 = arith.minsi %min3A_468, %select_n3A_497 : vector<16xi32>
      %slice3A_499 = vector.extract_strided_slice %get3A_106 {offsets = [13], sizes = [1], strides = [1]} : vector<16xi32> to vector<1xi32>
      %squeeze3A_500 = vector.extract %slice3A_499[0] : i32 from vector<1xi32>
      %eq3A_501 = vector.broadcast %squeeze3A_500 : i32 to vector<16xi32>
      %eq3A_502 = arith.cmpi eq, %get3A_106, %eq3A_501 : vector<16xi32>
      %eq3A_503 = vector.broadcast %squeeze3A_500 : i32 to vector<16xi32>
      %eq3A_504 = arith.cmpi eq, %get3A_111, %eq3A_503 : vector<16xi32>
      %jit3A_505 = arith.constant 1 : i32
      %jit3A_506 = arith.constant 0 : i32
      %broadcast_in_dim3A_507 = vector.broadcast %jit3A_505 : i32 to vector<16xi32>
      %broadcast_in_dim3A_508 = vector.broadcast %jit3A_506 : i32 to vector<16xi32>
      %select_n3A_509 = arith.select %eq3A_502, %broadcast_in_dim3A_507, %broadcast_in_dim3A_508 : vector<16xi1>, vector<16xi32>
      %add3A_510 = arith.addi %add3A_480, %select_n3A_509 : vector<16xi32>
      %jit3A_511 = arith.constant 1 : i32
      %jit3A_512 = arith.constant 0 : i32
      %broadcast_in_dim3A_513 = vector.broadcast %jit3A_511 : i32 to vector<16xi32>
      %broadcast_in_dim3A_514 = vector.broadcast %jit3A_512 : i32 to vector<16xi32>
      %select_n3A_515 = arith.select %eq3A_504, %broadcast_in_dim3A_513, %broadcast_in_dim3A_514 : vector<16xi1>, vector<16xi32>
      %add3A_516 = arith.addi %add3A_486, %select_n3A_515 : vector<16xi32>
      %jit3A_517 = arith.constant 13 : i32
      %jit3A_518 = arith.constant 64 : i32
      %broadcast_in_dim3A_519 = vector.broadcast %jit3A_517 : i32 to vector<16xi32>
      %broadcast_in_dim3A_520 = vector.broadcast %jit3A_518 : i32 to vector<16xi32>
      %select_n3A_521 = arith.select %eq3A_502, %broadcast_in_dim3A_519, %broadcast_in_dim3A_520 : vector<16xi1>, vector<16xi32>
      %min3A_522 = arith.minsi %min3A_492, %select_n3A_521 : vector<16xi32>
      %jit3A_523 = arith.constant 13 : i32
      %jit3A_524 = arith.constant 64 : i32
      %broadcast_in_dim3A_525 = vector.broadcast %jit3A_523 : i32 to vector<16xi32>
      %broadcast_in_dim3A_526 = vector.broadcast %jit3A_524 : i32 to vector<16xi32>
      %select_n3A_527 = arith.select %eq3A_504, %broadcast_in_dim3A_525, %broadcast_in_dim3A_526 : vector<16xi1>, vector<16xi32>
      %min3A_528 = arith.minsi %min3A_498, %select_n3A_527 : vector<16xi32>
      %slice3A_529 = vector.extract_strided_slice %get3A_106 {offsets = [14], sizes = [1], strides = [1]} : vector<16xi32> to vector<1xi32>
      %squeeze3A_530 = vector.extract %slice3A_529[0] : i32 from vector<1xi32>
      %eq3A_531 = vector.broadcast %squeeze3A_530 : i32 to vector<16xi32>
      %eq3A_532 = arith.cmpi eq, %get3A_106, %eq3A_531 : vector<16xi32>
      %eq3A_533 = vector.broadcast %squeeze3A_530 : i32 to vector<16xi32>
      %eq3A_534 = arith.cmpi eq, %get3A_111, %eq3A_533 : vector<16xi32>
      %jit3A_535 = arith.constant 1 : i32
      %jit3A_536 = arith.constant 0 : i32
      %broadcast_in_dim3A_537 = vector.broadcast %jit3A_535 : i32 to vector<16xi32>
      %broadcast_in_dim3A_538 = vector.broadcast %jit3A_536 : i32 to vector<16xi32>
      %select_n3A_539 = arith.select %eq3A_532, %broadcast_in_dim3A_537, %broadcast_in_dim3A_538 : vector<16xi1>, vector<16xi32>
      %add3A_540 = arith.addi %add3A_510, %select_n3A_539 : vector<16xi32>
      %jit3A_541 = arith.constant 1 : i32
      %jit3A_542 = arith.constant 0 : i32
      %broadcast_in_dim3A_543 = vector.broadcast %jit3A_541 : i32 to vector<16xi32>
      %broadcast_in_dim3A_544 = vector.broadcast %jit3A_542 : i32 to vector<16xi32>
      %select_n3A_545 = arith.select %eq3A_534, %broadcast_in_dim3A_543, %broadcast_in_dim3A_544 : vector<16xi1>, vector<16xi32>
      %add3A_546 = arith.addi %add3A_516, %select_n3A_545 : vector<16xi32>
      %jit3A_547 = arith.constant 14 : i32
      %jit3A_548 = arith.constant 64 : i32
      %broadcast_in_dim3A_549 = vector.broadcast %jit3A_547 : i32 to vector<16xi32>
      %broadcast_in_dim3A_550 = vector.broadcast %jit3A_548 : i32 to vector<16xi32>
      %select_n3A_551 = arith.select %eq3A_532, %broadcast_in_dim3A_549, %broadcast_in_dim3A_550 : vector<16xi1>, vector<16xi32>
      %min3A_552 = arith.minsi %min3A_522, %select_n3A_551 : vector<16xi32>
      %jit3A_553 = arith.constant 14 : i32
      %jit3A_554 = arith.constant 64 : i32
      %broadcast_in_dim3A_555 = vector.broadcast %jit3A_553 : i32 to vector<16xi32>
      %broadcast_in_dim3A_556 = vector.broadcast %jit3A_554 : i32 to vector<16xi32>
      %select_n3A_557 = arith.select %eq3A_534, %broadcast_in_dim3A_555, %broadcast_in_dim3A_556 : vector<16xi1>, vector<16xi32>
      %min3A_558 = arith.minsi %min3A_528, %select_n3A_557 : vector<16xi32>
      %slice3A_559 = vector.extract_strided_slice %get3A_106 {offsets = [15], sizes = [1], strides = [1]} : vector<16xi32> to vector<1xi32>
      %squeeze3A_560 = vector.extract %slice3A_559[0] : i32 from vector<1xi32>
      %eq3A_561 = vector.broadcast %squeeze3A_560 : i32 to vector<16xi32>
      %eq3A_562 = arith.cmpi eq, %get3A_106, %eq3A_561 : vector<16xi32>
      %eq3A_563 = vector.broadcast %squeeze3A_560 : i32 to vector<16xi32>
      %eq3A_564 = arith.cmpi eq, %get3A_111, %eq3A_563 : vector<16xi32>
      %jit3A_565 = arith.constant 1 : i32
      %jit3A_566 = arith.constant 0 : i32
      %broadcast_in_dim3A_567 = vector.broadcast %jit3A_565 : i32 to vector<16xi32>
      %broadcast_in_dim3A_568 = vector.broadcast %jit3A_566 : i32 to vector<16xi32>
      %select_n3A_569 = arith.select %eq3A_562, %broadcast_in_dim3A_567, %broadcast_in_dim3A_568 : vector<16xi1>, vector<16xi32>
      %add3A_570 = arith.addi %add3A_540, %select_n3A_569 : vector<16xi32>
      %jit3A_571 = arith.constant 1 : i32
      %jit3A_572 = arith.constant 0 : i32
      %broadcast_in_dim3A_573 = vector.broadcast %jit3A_571 : i32 to vector<16xi32>
      %broadcast_in_dim3A_574 = vector.broadcast %jit3A_572 : i32 to vector<16xi32>
      %select_n3A_575 = arith.select %eq3A_564, %broadcast_in_dim3A_573, %broadcast_in_dim3A_574 : vector<16xi1>, vector<16xi32>
      %add3A_576 = arith.addi %add3A_546, %select_n3A_575 : vector<16xi32>
      %jit3A_577 = arith.constant 15 : i32
      %jit3A_578 = arith.constant 64 : i32
      %broadcast_in_dim3A_579 = vector.broadcast %jit3A_577 : i32 to vector<16xi32>
      %broadcast_in_dim3A_580 = vector.broadcast %jit3A_578 : i32 to vector<16xi32>
      %select_n3A_581 = arith.select %eq3A_562, %broadcast_in_dim3A_579, %broadcast_in_dim3A_580 : vector<16xi1>, vector<16xi32>
      %min3A_582 = arith.minsi %min3A_552, %select_n3A_581 : vector<16xi32>
      %jit3A_583 = arith.constant 15 : i32
      %jit3A_584 = arith.constant 64 : i32
      %broadcast_in_dim3A_585 = vector.broadcast %jit3A_583 : i32 to vector<16xi32>
      %broadcast_in_dim3A_586 = vector.broadcast %jit3A_584 : i32 to vector<16xi32>
      %select_n3A_587 = arith.select %eq3A_564, %broadcast_in_dim3A_585, %broadcast_in_dim3A_586 : vector<16xi1>, vector<16xi32>
      %min3A_588 = arith.minsi %min3A_558, %select_n3A_587 : vector<16xi32>
      %slice3A_589 = vector.extract_strided_slice %get3A_111 {offsets = [0], sizes = [1], strides = [1]} : vector<16xi32> to vector<1xi32>
      %squeeze3A_590 = vector.extract %slice3A_589[0] : i32 from vector<1xi32>
      %eq3A_591 = vector.broadcast %squeeze3A_590 : i32 to vector<16xi32>
      %eq3A_592 = arith.cmpi eq, %get3A_106, %eq3A_591 : vector<16xi32>
      %eq3A_593 = vector.broadcast %squeeze3A_590 : i32 to vector<16xi32>
      %eq3A_594 = arith.cmpi eq, %get3A_111, %eq3A_593 : vector<16xi32>
      %jit3A_595 = arith.constant 1 : i32
      %jit3A_596 = arith.constant 0 : i32
      %broadcast_in_dim3A_597 = vector.broadcast %jit3A_595 : i32 to vector<16xi32>
      %broadcast_in_dim3A_598 = vector.broadcast %jit3A_596 : i32 to vector<16xi32>
      %select_n3A_599 = arith.select %eq3A_592, %broadcast_in_dim3A_597, %broadcast_in_dim3A_598 : vector<16xi1>, vector<16xi32>
      %add3A_600 = arith.addi %add3A_570, %select_n3A_599 : vector<16xi32>
      %jit3A_601 = arith.constant 1 : i32
      %jit3A_602 = arith.constant 0 : i32
      %broadcast_in_dim3A_603 = vector.broadcast %jit3A_601 : i32 to vector<16xi32>
      %broadcast_in_dim3A_604 = vector.broadcast %jit3A_602 : i32 to vector<16xi32>
      %select_n3A_605 = arith.select %eq3A_594, %broadcast_in_dim3A_603, %broadcast_in_dim3A_604 : vector<16xi1>, vector<16xi32>
      %add3A_606 = arith.addi %add3A_576, %select_n3A_605 : vector<16xi32>
      %jit3A_607 = arith.constant 16 : i32
      %jit3A_608 = arith.constant 64 : i32
      %broadcast_in_dim3A_609 = vector.broadcast %jit3A_607 : i32 to vector<16xi32>
      %broadcast_in_dim3A_610 = vector.broadcast %jit3A_608 : i32 to vector<16xi32>
      %select_n3A_611 = arith.select %eq3A_592, %broadcast_in_dim3A_609, %broadcast_in_dim3A_610 : vector<16xi1>, vector<16xi32>
      %min3A_612 = arith.minsi %min3A_582, %select_n3A_611 : vector<16xi32>
      %jit3A_613 = arith.constant 16 : i32
      %jit3A_614 = arith.constant 64 : i32
      %broadcast_in_dim3A_615 = vector.broadcast %jit3A_613 : i32 to vector<16xi32>
      %broadcast_in_dim3A_616 = vector.broadcast %jit3A_614 : i32 to vector<16xi32>
      %select_n3A_617 = arith.select %eq3A_594, %broadcast_in_dim3A_615, %broadcast_in_dim3A_616 : vector<16xi1>, vector<16xi32>
      %min3A_618 = arith.minsi %min3A_588, %select_n3A_617 : vector<16xi32>
      %slice3A_619 = vector.extract_strided_slice %get3A_111 {offsets = [1], sizes = [1], strides = [1]} : vector<16xi32> to vector<1xi32>
      %squeeze3A_620 = vector.extract %slice3A_619[0] : i32 from vector<1xi32>
      %eq3A_621 = vector.broadcast %squeeze3A_620 : i32 to vector<16xi32>
      %eq3A_622 = arith.cmpi eq, %get3A_106, %eq3A_621 : vector<16xi32>
      %eq3A_623 = vector.broadcast %squeeze3A_620 : i32 to vector<16xi32>
      %eq3A_624 = arith.cmpi eq, %get3A_111, %eq3A_623 : vector<16xi32>
      %jit3A_625 = arith.constant 1 : i32
      %jit3A_626 = arith.constant 0 : i32
      %broadcast_in_dim3A_627 = vector.broadcast %jit3A_625 : i32 to vector<16xi32>
      %broadcast_in_dim3A_628 = vector.broadcast %jit3A_626 : i32 to vector<16xi32>
      %select_n3A_629 = arith.select %eq3A_622, %broadcast_in_dim3A_627, %broadcast_in_dim3A_628 : vector<16xi1>, vector<16xi32>
      %add3A_630 = arith.addi %add3A_600, %select_n3A_629 : vector<16xi32>
      %jit3A_631 = arith.constant 1 : i32
      %jit3A_632 = arith.constant 0 : i32
      %broadcast_in_dim3A_633 = vector.broadcast %jit3A_631 : i32 to vector<16xi32>
      %broadcast_in_dim3A_634 = vector.broadcast %jit3A_632 : i32 to vector<16xi32>
      %select_n3A_635 = arith.select %eq3A_624, %broadcast_in_dim3A_633, %broadcast_in_dim3A_634 : vector<16xi1>, vector<16xi32>
      %add3A_636 = arith.addi %add3A_606, %select_n3A_635 : vector<16xi32>
      %jit3A_637 = arith.constant 17 : i32
      %jit3A_638 = arith.constant 64 : i32
      %broadcast_in_dim3A_639 = vector.broadcast %jit3A_637 : i32 to vector<16xi32>
      %broadcast_in_dim3A_640 = vector.broadcast %jit3A_638 : i32 to vector<16xi32>
      %select_n3A_641 = arith.select %eq3A_622, %broadcast_in_dim3A_639, %broadcast_in_dim3A_640 : vector<16xi1>, vector<16xi32>
      %min3A_642 = arith.minsi %min3A_612, %select_n3A_641 : vector<16xi32>
      %jit3A_643 = arith.constant 17 : i32
      %jit3A_644 = arith.constant 64 : i32
      %broadcast_in_dim3A_645 = vector.broadcast %jit3A_643 : i32 to vector<16xi32>
      %broadcast_in_dim3A_646 = vector.broadcast %jit3A_644 : i32 to vector<16xi32>
      %select_n3A_647 = arith.select %eq3A_624, %broadcast_in_dim3A_645, %broadcast_in_dim3A_646 : vector<16xi1>, vector<16xi32>
      %min3A_648 = arith.minsi %min3A_618, %select_n3A_647 : vector<16xi32>
      %slice3A_649 = vector.extract_strided_slice %get3A_111 {offsets = [2], sizes = [1], strides = [1]} : vector<16xi32> to vector<1xi32>
      %squeeze3A_650 = vector.extract %slice3A_649[0] : i32 from vector<1xi32>
      %eq3A_651 = vector.broadcast %squeeze3A_650 : i32 to vector<16xi32>
      %eq3A_652 = arith.cmpi eq, %get3A_106, %eq3A_651 : vector<16xi32>
      %eq3A_653 = vector.broadcast %squeeze3A_650 : i32 to vector<16xi32>
      %eq3A_654 = arith.cmpi eq, %get3A_111, %eq3A_653 : vector<16xi32>
      %jit3A_655 = arith.constant 1 : i32
      %jit3A_656 = arith.constant 0 : i32
      %broadcast_in_dim3A_657 = vector.broadcast %jit3A_655 : i32 to vector<16xi32>
      %broadcast_in_dim3A_658 = vector.broadcast %jit3A_656 : i32 to vector<16xi32>
      %select_n3A_659 = arith.select %eq3A_652, %broadcast_in_dim3A_657, %broadcast_in_dim3A_658 : vector<16xi1>, vector<16xi32>
      %add3A_660 = arith.addi %add3A_630, %select_n3A_659 : vector<16xi32>
      %jit3A_661 = arith.constant 1 : i32
      %jit3A_662 = arith.constant 0 : i32
      %broadcast_in_dim3A_663 = vector.broadcast %jit3A_661 : i32 to vector<16xi32>
      %broadcast_in_dim3A_664 = vector.broadcast %jit3A_662 : i32 to vector<16xi32>
      %select_n3A_665 = arith.select %eq3A_654, %broadcast_in_dim3A_663, %broadcast_in_dim3A_664 : vector<16xi1>, vector<16xi32>
      %add3A_666 = arith.addi %add3A_636, %select_n3A_665 : vector<16xi32>
      %jit3A_667 = arith.constant 18 : i32
      %jit3A_668 = arith.constant 64 : i32
      %broadcast_in_dim3A_669 = vector.broadcast %jit3A_667 : i32 to vector<16xi32>
      %broadcast_in_dim3A_670 = vector.broadcast %jit3A_668 : i32 to vector<16xi32>
      %select_n3A_671 = arith.select %eq3A_652, %broadcast_in_dim3A_669, %broadcast_in_dim3A_670 : vector<16xi1>, vector<16xi32>
      %min3A_672 = arith.minsi %min3A_642, %select_n3A_671 : vector<16xi32>
      %jit3A_673 = arith.constant 18 : i32
      %jit3A_674 = arith.constant 64 : i32
      %broadcast_in_dim3A_675 = vector.broadcast %jit3A_673 : i32 to vector<16xi32>
      %broadcast_in_dim3A_676 = vector.broadcast %jit3A_674 : i32 to vector<16xi32>
      %select_n3A_677 = arith.select %eq3A_654, %broadcast_in_dim3A_675, %broadcast_in_dim3A_676 : vector<16xi1>, vector<16xi32>
      %min3A_678 = arith.minsi %min3A_648, %select_n3A_677 : vector<16xi32>
      %slice3A_679 = vector.extract_strided_slice %get3A_111 {offsets = [3], sizes = [1], strides = [1]} : vector<16xi32> to vector<1xi32>
      %squeeze3A_680 = vector.extract %slice3A_679[0] : i32 from vector<1xi32>
      %eq3A_681 = vector.broadcast %squeeze3A_680 : i32 to vector<16xi32>
      %eq3A_682 = arith.cmpi eq, %get3A_106, %eq3A_681 : vector<16xi32>
      %eq3A_683 = vector.broadcast %squeeze3A_680 : i32 to vector<16xi32>
      %eq3A_684 = arith.cmpi eq, %get3A_111, %eq3A_683 : vector<16xi32>
      %jit3A_685 = arith.constant 1 : i32
      %jit3A_686 = arith.constant 0 : i32
      %broadcast_in_dim3A_687 = vector.broadcast %jit3A_685 : i32 to vector<16xi32>
      %broadcast_in_dim3A_688 = vector.broadcast %jit3A_686 : i32 to vector<16xi32>
      %select_n3A_689 = arith.select %eq3A_682, %broadcast_in_dim3A_687, %broadcast_in_dim3A_688 : vector<16xi1>, vector<16xi32>
      %add3A_690 = arith.addi %add3A_660, %select_n3A_689 : vector<16xi32>
      %jit3A_691 = arith.constant 1 : i32
      %jit3A_692 = arith.constant 0 : i32
      %broadcast_in_dim3A_693 = vector.broadcast %jit3A_691 : i32 to vector<16xi32>
      %broadcast_in_dim3A_694 = vector.broadcast %jit3A_692 : i32 to vector<16xi32>
      %select_n3A_695 = arith.select %eq3A_684, %broadcast_in_dim3A_693, %broadcast_in_dim3A_694 : vector<16xi1>, vector<16xi32>
      %add3A_696 = arith.addi %add3A_666, %select_n3A_695 : vector<16xi32>
      %jit3A_697 = arith.constant 19 : i32
      %jit3A_698 = arith.constant 64 : i32
      %broadcast_in_dim3A_699 = vector.broadcast %jit3A_697 : i32 to vector<16xi32>
      %broadcast_in_dim3A_700 = vector.broadcast %jit3A_698 : i32 to vector<16xi32>
      %select_n3A_701 = arith.select %eq3A_682, %broadcast_in_dim3A_699, %broadcast_in_dim3A_700 : vector<16xi1>, vector<16xi32>
      %min3A_702 = arith.minsi %min3A_672, %select_n3A_701 : vector<16xi32>
      %jit3A_703 = arith.constant 19 : i32
      %jit3A_704 = arith.constant 64 : i32
      %broadcast_in_dim3A_705 = vector.broadcast %jit3A_703 : i32 to vector<16xi32>
      %broadcast_in_dim3A_706 = vector.broadcast %jit3A_704 : i32 to vector<16xi32>
      %select_n3A_707 = arith.select %eq3A_684, %broadcast_in_dim3A_705, %broadcast_in_dim3A_706 : vector<16xi1>, vector<16xi32>
      %min3A_708 = arith.minsi %min3A_678, %select_n3A_707 : vector<16xi32>
      %slice3A_709 = vector.extract_strided_slice %get3A_111 {offsets = [4], sizes = [1], strides = [1]} : vector<16xi32> to vector<1xi32>
      %squeeze3A_710 = vector.extract %slice3A_709[0] : i32 from vector<1xi32>
      %eq3A_711 = vector.broadcast %squeeze3A_710 : i32 to vector<16xi32>
      %eq3A_712 = arith.cmpi eq, %get3A_106, %eq3A_711 : vector<16xi32>
      %eq3A_713 = vector.broadcast %squeeze3A_710 : i32 to vector<16xi32>
      %eq3A_714 = arith.cmpi eq, %get3A_111, %eq3A_713 : vector<16xi32>
      %jit3A_715 = arith.constant 1 : i32
      %jit3A_716 = arith.constant 0 : i32
      %broadcast_in_dim3A_717 = vector.broadcast %jit3A_715 : i32 to vector<16xi32>
      %broadcast_in_dim3A_718 = vector.broadcast %jit3A_716 : i32 to vector<16xi32>
      %select_n3A_719 = arith.select %eq3A_712, %broadcast_in_dim3A_717, %broadcast_in_dim3A_718 : vector<16xi1>, vector<16xi32>
      %add3A_720 = arith.addi %add3A_690, %select_n3A_719 : vector<16xi32>
      %jit3A_721 = arith.constant 1 : i32
      %jit3A_722 = arith.constant 0 : i32
      %broadcast_in_dim3A_723 = vector.broadcast %jit3A_721 : i32 to vector<16xi32>
      %broadcast_in_dim3A_724 = vector.broadcast %jit3A_722 : i32 to vector<16xi32>
      %select_n3A_725 = arith.select %eq3A_714, %broadcast_in_dim3A_723, %broadcast_in_dim3A_724 : vector<16xi1>, vector<16xi32>
      %add3A_726 = arith.addi %add3A_696, %select_n3A_725 : vector<16xi32>
      %jit3A_727 = arith.constant 20 : i32
      %jit3A_728 = arith.constant 64 : i32
      %broadcast_in_dim3A_729 = vector.broadcast %jit3A_727 : i32 to vector<16xi32>
      %broadcast_in_dim3A_730 = vector.broadcast %jit3A_728 : i32 to vector<16xi32>
      %select_n3A_731 = arith.select %eq3A_712, %broadcast_in_dim3A_729, %broadcast_in_dim3A_730 : vector<16xi1>, vector<16xi32>
      %min3A_732 = arith.minsi %min3A_702, %select_n3A_731 : vector<16xi32>
      %jit3A_733 = arith.constant 20 : i32
      %jit3A_734 = arith.constant 64 : i32
      %broadcast_in_dim3A_735 = vector.broadcast %jit3A_733 : i32 to vector<16xi32>
      %broadcast_in_dim3A_736 = vector.broadcast %jit3A_734 : i32 to vector<16xi32>
      %select_n3A_737 = arith.select %eq3A_714, %broadcast_in_dim3A_735, %broadcast_in_dim3A_736 : vector<16xi1>, vector<16xi32>
      %min3A_738 = arith.minsi %min3A_708, %select_n3A_737 : vector<16xi32>
      %slice3A_739 = vector.extract_strided_slice %get3A_111 {offsets = [5], sizes = [1], strides = [1]} : vector<16xi32> to vector<1xi32>
      %squeeze3A_740 = vector.extract %slice3A_739[0] : i32 from vector<1xi32>
      %eq3A_741 = vector.broadcast %squeeze3A_740 : i32 to vector<16xi32>
      %eq3A_742 = arith.cmpi eq, %get3A_106, %eq3A_741 : vector<16xi32>
      %eq3A_743 = vector.broadcast %squeeze3A_740 : i32 to vector<16xi32>
      %eq3A_744 = arith.cmpi eq, %get3A_111, %eq3A_743 : vector<16xi32>
      %jit3A_745 = arith.constant 1 : i32
      %jit3A_746 = arith.constant 0 : i32
      %broadcast_in_dim3A_747 = vector.broadcast %jit3A_745 : i32 to vector<16xi32>
      %broadcast_in_dim3A_748 = vector.broadcast %jit3A_746 : i32 to vector<16xi32>
      %select_n3A_749 = arith.select %eq3A_742, %broadcast_in_dim3A_747, %broadcast_in_dim3A_748 : vector<16xi1>, vector<16xi32>
      %add3A_750 = arith.addi %add3A_720, %select_n3A_749 : vector<16xi32>
      %jit3A_751 = arith.constant 1 : i32
      %jit3A_752 = arith.constant 0 : i32
      %broadcast_in_dim3A_753 = vector.broadcast %jit3A_751 : i32 to vector<16xi32>
      %broadcast_in_dim3A_754 = vector.broadcast %jit3A_752 : i32 to vector<16xi32>
      %select_n3A_755 = arith.select %eq3A_744, %broadcast_in_dim3A_753, %broadcast_in_dim3A_754 : vector<16xi1>, vector<16xi32>
      %add3A_756 = arith.addi %add3A_726, %select_n3A_755 : vector<16xi32>
      %jit3A_757 = arith.constant 21 : i32
      %jit3A_758 = arith.constant 64 : i32
      %broadcast_in_dim3A_759 = vector.broadcast %jit3A_757 : i32 to vector<16xi32>
      %broadcast_in_dim3A_760 = vector.broadcast %jit3A_758 : i32 to vector<16xi32>
      %select_n3A_761 = arith.select %eq3A_742, %broadcast_in_dim3A_759, %broadcast_in_dim3A_760 : vector<16xi1>, vector<16xi32>
      %min3A_762 = arith.minsi %min3A_732, %select_n3A_761 : vector<16xi32>
      %jit3A_763 = arith.constant 21 : i32
      %jit3A_764 = arith.constant 64 : i32
      %broadcast_in_dim3A_765 = vector.broadcast %jit3A_763 : i32 to vector<16xi32>
      %broadcast_in_dim3A_766 = vector.broadcast %jit3A_764 : i32 to vector<16xi32>
      %select_n3A_767 = arith.select %eq3A_744, %broadcast_in_dim3A_765, %broadcast_in_dim3A_766 : vector<16xi1>, vector<16xi32>
      %min3A_768 = arith.minsi %min3A_738, %select_n3A_767 : vector<16xi32>
      %slice3A_769 = vector.extract_strided_slice %get3A_111 {offsets = [6], sizes = [1], strides = [1]} : vector<16xi32> to vector<1xi32>
      %squeeze3A_770 = vector.extract %slice3A_769[0] : i32 from vector<1xi32>
      %eq3A_771 = vector.broadcast %squeeze3A_770 : i32 to vector<16xi32>
      %eq3A_772 = arith.cmpi eq, %get3A_106, %eq3A_771 : vector<16xi32>
      %eq3A_773 = vector.broadcast %squeeze3A_770 : i32 to vector<16xi32>
      %eq3A_774 = arith.cmpi eq, %get3A_111, %eq3A_773 : vector<16xi32>
      %jit3A_775 = arith.constant 1 : i32
      %jit3A_776 = arith.constant 0 : i32
      %broadcast_in_dim3A_777 = vector.broadcast %jit3A_775 : i32 to vector<16xi32>
      %broadcast_in_dim3A_778 = vector.broadcast %jit3A_776 : i32 to vector<16xi32>
      %select_n3A_779 = arith.select %eq3A_772, %broadcast_in_dim3A_777, %broadcast_in_dim3A_778 : vector<16xi1>, vector<16xi32>
      %add3A_780 = arith.addi %add3A_750, %select_n3A_779 : vector<16xi32>
      %jit3A_781 = arith.constant 1 : i32
      %jit3A_782 = arith.constant 0 : i32
      %broadcast_in_dim3A_783 = vector.broadcast %jit3A_781 : i32 to vector<16xi32>
      %broadcast_in_dim3A_784 = vector.broadcast %jit3A_782 : i32 to vector<16xi32>
      %select_n3A_785 = arith.select %eq3A_774, %broadcast_in_dim3A_783, %broadcast_in_dim3A_784 : vector<16xi1>, vector<16xi32>
      %add3A_786 = arith.addi %add3A_756, %select_n3A_785 : vector<16xi32>
      %jit3A_787 = arith.constant 22 : i32
      %jit3A_788 = arith.constant 64 : i32
      %broadcast_in_dim3A_789 = vector.broadcast %jit3A_787 : i32 to vector<16xi32>
      %broadcast_in_dim3A_790 = vector.broadcast %jit3A_788 : i32 to vector<16xi32>
      %select_n3A_791 = arith.select %eq3A_772, %broadcast_in_dim3A_789, %broadcast_in_dim3A_790 : vector<16xi1>, vector<16xi32>
      %min3A_792 = arith.minsi %min3A_762, %select_n3A_791 : vector<16xi32>
      %jit3A_793 = arith.constant 22 : i32
      %jit3A_794 = arith.constant 64 : i32
      %broadcast_in_dim3A_795 = vector.broadcast %jit3A_793 : i32 to vector<16xi32>
      %broadcast_in_dim3A_796 = vector.broadcast %jit3A_794 : i32 to vector<16xi32>
      %select_n3A_797 = arith.select %eq3A_774, %broadcast_in_dim3A_795, %broadcast_in_dim3A_796 : vector<16xi1>, vector<16xi32>
      %min3A_798 = arith.minsi %min3A_768, %select_n3A_797 : vector<16xi32>
      %slice3A_799 = vector.extract_strided_slice %get3A_111 {offsets = [7], sizes = [1], strides = [1]} : vector<16xi32> to vector<1xi32>
      %squeeze3A_800 = vector.extract %slice3A_799[0] : i32 from vector<1xi32>
      %eq3A_801 = vector.broadcast %squeeze3A_800 : i32 to vector<16xi32>
      %eq3A_802 = arith.cmpi eq, %get3A_106, %eq3A_801 : vector<16xi32>
      %eq3A_803 = vector.broadcast %squeeze3A_800 : i32 to vector<16xi32>
      %eq3A_804 = arith.cmpi eq, %get3A_111, %eq3A_803 : vector<16xi32>
      %jit3A_805 = arith.constant 1 : i32
      %jit3A_806 = arith.constant 0 : i32
      %broadcast_in_dim3A_807 = vector.broadcast %jit3A_805 : i32 to vector<16xi32>
      %broadcast_in_dim3A_808 = vector.broadcast %jit3A_806 : i32 to vector<16xi32>
      %select_n3A_809 = arith.select %eq3A_802, %broadcast_in_dim3A_807, %broadcast_in_dim3A_808 : vector<16xi1>, vector<16xi32>
      %add3A_810 = arith.addi %add3A_780, %select_n3A_809 : vector<16xi32>
      %jit3A_811 = arith.constant 1 : i32
      %jit3A_812 = arith.constant 0 : i32
      %broadcast_in_dim3A_813 = vector.broadcast %jit3A_811 : i32 to vector<16xi32>
      %broadcast_in_dim3A_814 = vector.broadcast %jit3A_812 : i32 to vector<16xi32>
      %select_n3A_815 = arith.select %eq3A_804, %broadcast_in_dim3A_813, %broadcast_in_dim3A_814 : vector<16xi1>, vector<16xi32>
      %add3A_816 = arith.addi %add3A_786, %select_n3A_815 : vector<16xi32>
      %jit3A_817 = arith.constant 23 : i32
      %jit3A_818 = arith.constant 64 : i32
      %broadcast_in_dim3A_819 = vector.broadcast %jit3A_817 : i32 to vector<16xi32>
      %broadcast_in_dim3A_820 = vector.broadcast %jit3A_818 : i32 to vector<16xi32>
      %select_n3A_821 = arith.select %eq3A_802, %broadcast_in_dim3A_819, %broadcast_in_dim3A_820 : vector<16xi1>, vector<16xi32>
      %min3A_822 = arith.minsi %min3A_792, %select_n3A_821 : vector<16xi32>
      %jit3A_823 = arith.constant 23 : i32
      %jit3A_824 = arith.constant 64 : i32
      %broadcast_in_dim3A_825 = vector.broadcast %jit3A_823 : i32 to vector<16xi32>
      %broadcast_in_dim3A_826 = vector.broadcast %jit3A_824 : i32 to vector<16xi32>
      %select_n3A_827 = arith.select %eq3A_804, %broadcast_in_dim3A_825, %broadcast_in_dim3A_826 : vector<16xi1>, vector<16xi32>
      %min3A_828 = arith.minsi %min3A_798, %select_n3A_827 : vector<16xi32>
      %slice3A_829 = vector.extract_strided_slice %get3A_111 {offsets = [8], sizes = [1], strides = [1]} : vector<16xi32> to vector<1xi32>
      %squeeze3A_830 = vector.extract %slice3A_829[0] : i32 from vector<1xi32>
      %eq3A_831 = vector.broadcast %squeeze3A_830 : i32 to vector<16xi32>
      %eq3A_832 = arith.cmpi eq, %get3A_106, %eq3A_831 : vector<16xi32>
      %eq3A_833 = vector.broadcast %squeeze3A_830 : i32 to vector<16xi32>
      %eq3A_834 = arith.cmpi eq, %get3A_111, %eq3A_833 : vector<16xi32>
      %jit3A_835 = arith.constant 1 : i32
      %jit3A_836 = arith.constant 0 : i32
      %broadcast_in_dim3A_837 = vector.broadcast %jit3A_835 : i32 to vector<16xi32>
      %broadcast_in_dim3A_838 = vector.broadcast %jit3A_836 : i32 to vector<16xi32>
      %select_n3A_839 = arith.select %eq3A_832, %broadcast_in_dim3A_837, %broadcast_in_dim3A_838 : vector<16xi1>, vector<16xi32>
      %add3A_840 = arith.addi %add3A_810, %select_n3A_839 : vector<16xi32>
      %jit3A_841 = arith.constant 1 : i32
      %jit3A_842 = arith.constant 0 : i32
      %broadcast_in_dim3A_843 = vector.broadcast %jit3A_841 : i32 to vector<16xi32>
      %broadcast_in_dim3A_844 = vector.broadcast %jit3A_842 : i32 to vector<16xi32>
      %select_n3A_845 = arith.select %eq3A_834, %broadcast_in_dim3A_843, %broadcast_in_dim3A_844 : vector<16xi1>, vector<16xi32>
      %add3A_846 = arith.addi %add3A_816, %select_n3A_845 : vector<16xi32>
      %jit3A_847 = arith.constant 24 : i32
      %jit3A_848 = arith.constant 64 : i32
      %broadcast_in_dim3A_849 = vector.broadcast %jit3A_847 : i32 to vector<16xi32>
      %broadcast_in_dim3A_850 = vector.broadcast %jit3A_848 : i32 to vector<16xi32>
      %select_n3A_851 = arith.select %eq3A_832, %broadcast_in_dim3A_849, %broadcast_in_dim3A_850 : vector<16xi1>, vector<16xi32>
      %min3A_852 = arith.minsi %min3A_822, %select_n3A_851 : vector<16xi32>
      %jit3A_853 = arith.constant 24 : i32
      %jit3A_854 = arith.constant 64 : i32
      %broadcast_in_dim3A_855 = vector.broadcast %jit3A_853 : i32 to vector<16xi32>
      %broadcast_in_dim3A_856 = vector.broadcast %jit3A_854 : i32 to vector<16xi32>
      %select_n3A_857 = arith.select %eq3A_834, %broadcast_in_dim3A_855, %broadcast_in_dim3A_856 : vector<16xi1>, vector<16xi32>
      %min3A_858 = arith.minsi %min3A_828, %select_n3A_857 : vector<16xi32>
      %slice3A_859 = vector.extract_strided_slice %get3A_111 {offsets = [9], sizes = [1], strides = [1]} : vector<16xi32> to vector<1xi32>
      %squeeze3A_860 = vector.extract %slice3A_859[0] : i32 from vector<1xi32>
      %eq3A_861 = vector.broadcast %squeeze3A_860 : i32 to vector<16xi32>
      %eq3A_862 = arith.cmpi eq, %get3A_106, %eq3A_861 : vector<16xi32>
      %eq3A_863 = vector.broadcast %squeeze3A_860 : i32 to vector<16xi32>
      %eq3A_864 = arith.cmpi eq, %get3A_111, %eq3A_863 : vector<16xi32>
      %jit3A_865 = arith.constant 1 : i32
      %jit3A_866 = arith.constant 0 : i32
      %broadcast_in_dim3A_867 = vector.broadcast %jit3A_865 : i32 to vector<16xi32>
      %broadcast_in_dim3A_868 = vector.broadcast %jit3A_866 : i32 to vector<16xi32>
      %select_n3A_869 = arith.select %eq3A_862, %broadcast_in_dim3A_867, %broadcast_in_dim3A_868 : vector<16xi1>, vector<16xi32>
      %add3A_870 = arith.addi %add3A_840, %select_n3A_869 : vector<16xi32>
      %jit3A_871 = arith.constant 1 : i32
      %jit3A_872 = arith.constant 0 : i32
      %broadcast_in_dim3A_873 = vector.broadcast %jit3A_871 : i32 to vector<16xi32>
      %broadcast_in_dim3A_874 = vector.broadcast %jit3A_872 : i32 to vector<16xi32>
      %select_n3A_875 = arith.select %eq3A_864, %broadcast_in_dim3A_873, %broadcast_in_dim3A_874 : vector<16xi1>, vector<16xi32>
      %add3A_876 = arith.addi %add3A_846, %select_n3A_875 : vector<16xi32>
      %jit3A_877 = arith.constant 25 : i32
      %jit3A_878 = arith.constant 64 : i32
      %broadcast_in_dim3A_879 = vector.broadcast %jit3A_877 : i32 to vector<16xi32>
      %broadcast_in_dim3A_880 = vector.broadcast %jit3A_878 : i32 to vector<16xi32>
      %select_n3A_881 = arith.select %eq3A_862, %broadcast_in_dim3A_879, %broadcast_in_dim3A_880 : vector<16xi1>, vector<16xi32>
      %min3A_882 = arith.minsi %min3A_852, %select_n3A_881 : vector<16xi32>
      %jit3A_883 = arith.constant 25 : i32
      %jit3A_884 = arith.constant 64 : i32
      %broadcast_in_dim3A_885 = vector.broadcast %jit3A_883 : i32 to vector<16xi32>
      %broadcast_in_dim3A_886 = vector.broadcast %jit3A_884 : i32 to vector<16xi32>
      %select_n3A_887 = arith.select %eq3A_864, %broadcast_in_dim3A_885, %broadcast_in_dim3A_886 : vector<16xi1>, vector<16xi32>
      %min3A_888 = arith.minsi %min3A_858, %select_n3A_887 : vector<16xi32>
      %slice3A_889 = vector.extract_strided_slice %get3A_111 {offsets = [10], sizes = [1], strides = [1]} : vector<16xi32> to vector<1xi32>
      %squeeze3A_890 = vector.extract %slice3A_889[0] : i32 from vector<1xi32>
      %eq3A_891 = vector.broadcast %squeeze3A_890 : i32 to vector<16xi32>
      %eq3A_892 = arith.cmpi eq, %get3A_106, %eq3A_891 : vector<16xi32>
      %eq3A_893 = vector.broadcast %squeeze3A_890 : i32 to vector<16xi32>
      %eq3A_894 = arith.cmpi eq, %get3A_111, %eq3A_893 : vector<16xi32>
      %jit3A_895 = arith.constant 1 : i32
      %jit3A_896 = arith.constant 0 : i32
      %broadcast_in_dim3A_897 = vector.broadcast %jit3A_895 : i32 to vector<16xi32>
      %broadcast_in_dim3A_898 = vector.broadcast %jit3A_896 : i32 to vector<16xi32>
      %select_n3A_899 = arith.select %eq3A_892, %broadcast_in_dim3A_897, %broadcast_in_dim3A_898 : vector<16xi1>, vector<16xi32>
      %add3A_900 = arith.addi %add3A_870, %select_n3A_899 : vector<16xi32>
      %jit3A_901 = arith.constant 1 : i32
      %jit3A_902 = arith.constant 0 : i32
      %broadcast_in_dim3A_903 = vector.broadcast %jit3A_901 : i32 to vector<16xi32>
      %broadcast_in_dim3A_904 = vector.broadcast %jit3A_902 : i32 to vector<16xi32>
      %select_n3A_905 = arith.select %eq3A_894, %broadcast_in_dim3A_903, %broadcast_in_dim3A_904 : vector<16xi1>, vector<16xi32>
      %add3A_906 = arith.addi %add3A_876, %select_n3A_905 : vector<16xi32>
      %jit3A_907 = arith.constant 26 : i32
      %jit3A_908 = arith.constant 64 : i32
      %broadcast_in_dim3A_909 = vector.broadcast %jit3A_907 : i32 to vector<16xi32>
      %broadcast_in_dim3A_910 = vector.broadcast %jit3A_908 : i32 to vector<16xi32>
      %select_n3A_911 = arith.select %eq3A_892, %broadcast_in_dim3A_909, %broadcast_in_dim3A_910 : vector<16xi1>, vector<16xi32>
      %min3A_912 = arith.minsi %min3A_882, %select_n3A_911 : vector<16xi32>
      %jit3A_913 = arith.constant 26 : i32
      %jit3A_914 = arith.constant 64 : i32
      %broadcast_in_dim3A_915 = vector.broadcast %jit3A_913 : i32 to vector<16xi32>
      %broadcast_in_dim3A_916 = vector.broadcast %jit3A_914 : i32 to vector<16xi32>
      %select_n3A_917 = arith.select %eq3A_894, %broadcast_in_dim3A_915, %broadcast_in_dim3A_916 : vector<16xi1>, vector<16xi32>
      %min3A_918 = arith.minsi %min3A_888, %select_n3A_917 : vector<16xi32>
      %slice3A_919 = vector.extract_strided_slice %get3A_111 {offsets = [11], sizes = [1], strides = [1]} : vector<16xi32> to vector<1xi32>
      %squeeze3A_920 = vector.extract %slice3A_919[0] : i32 from vector<1xi32>
      %eq3A_921 = vector.broadcast %squeeze3A_920 : i32 to vector<16xi32>
      %eq3A_922 = arith.cmpi eq, %get3A_106, %eq3A_921 : vector<16xi32>
      %eq3A_923 = vector.broadcast %squeeze3A_920 : i32 to vector<16xi32>
      %eq3A_924 = arith.cmpi eq, %get3A_111, %eq3A_923 : vector<16xi32>
      %jit3A_925 = arith.constant 1 : i32
      %jit3A_926 = arith.constant 0 : i32
      %broadcast_in_dim3A_927 = vector.broadcast %jit3A_925 : i32 to vector<16xi32>
      %broadcast_in_dim3A_928 = vector.broadcast %jit3A_926 : i32 to vector<16xi32>
      %select_n3A_929 = arith.select %eq3A_922, %broadcast_in_dim3A_927, %broadcast_in_dim3A_928 : vector<16xi1>, vector<16xi32>
      %add3A_930 = arith.addi %add3A_900, %select_n3A_929 : vector<16xi32>
      %jit3A_931 = arith.constant 1 : i32
      %jit3A_932 = arith.constant 0 : i32
      %broadcast_in_dim3A_933 = vector.broadcast %jit3A_931 : i32 to vector<16xi32>
      %broadcast_in_dim3A_934 = vector.broadcast %jit3A_932 : i32 to vector<16xi32>
      %select_n3A_935 = arith.select %eq3A_924, %broadcast_in_dim3A_933, %broadcast_in_dim3A_934 : vector<16xi1>, vector<16xi32>
      %add3A_936 = arith.addi %add3A_906, %select_n3A_935 : vector<16xi32>
      %jit3A_937 = arith.constant 27 : i32
      %jit3A_938 = arith.constant 64 : i32
      %broadcast_in_dim3A_939 = vector.broadcast %jit3A_937 : i32 to vector<16xi32>
      %broadcast_in_dim3A_940 = vector.broadcast %jit3A_938 : i32 to vector<16xi32>
      %select_n3A_941 = arith.select %eq3A_922, %broadcast_in_dim3A_939, %broadcast_in_dim3A_940 : vector<16xi1>, vector<16xi32>
      %min3A_942 = arith.minsi %min3A_912, %select_n3A_941 : vector<16xi32>
      %jit3A_943 = arith.constant 27 : i32
      %jit3A_944 = arith.constant 64 : i32
      %broadcast_in_dim3A_945 = vector.broadcast %jit3A_943 : i32 to vector<16xi32>
      %broadcast_in_dim3A_946 = vector.broadcast %jit3A_944 : i32 to vector<16xi32>
      %select_n3A_947 = arith.select %eq3A_924, %broadcast_in_dim3A_945, %broadcast_in_dim3A_946 : vector<16xi1>, vector<16xi32>
      %min3A_948 = arith.minsi %min3A_918, %select_n3A_947 : vector<16xi32>
      %slice3A_949 = vector.extract_strided_slice %get3A_111 {offsets = [12], sizes = [1], strides = [1]} : vector<16xi32> to vector<1xi32>
      %squeeze3A_950 = vector.extract %slice3A_949[0] : i32 from vector<1xi32>
      %eq3A_951 = vector.broadcast %squeeze3A_950 : i32 to vector<16xi32>
      %eq3A_952 = arith.cmpi eq, %get3A_106, %eq3A_951 : vector<16xi32>
      %eq3A_953 = vector.broadcast %squeeze3A_950 : i32 to vector<16xi32>
      %eq3A_954 = arith.cmpi eq, %get3A_111, %eq3A_953 : vector<16xi32>
      %jit3A_955 = arith.constant 1 : i32
      %jit3A_956 = arith.constant 0 : i32
      %broadcast_in_dim3A_957 = vector.broadcast %jit3A_955 : i32 to vector<16xi32>
      %broadcast_in_dim3A_958 = vector.broadcast %jit3A_956 : i32 to vector<16xi32>
      %select_n3A_959 = arith.select %eq3A_952, %broadcast_in_dim3A_957, %broadcast_in_dim3A_958 : vector<16xi1>, vector<16xi32>
      %add3A_960 = arith.addi %add3A_930, %select_n3A_959 : vector<16xi32>
      %jit3A_961 = arith.constant 1 : i32
      %jit3A_962 = arith.constant 0 : i32
      %broadcast_in_dim3A_963 = vector.broadcast %jit3A_961 : i32 to vector<16xi32>
      %broadcast_in_dim3A_964 = vector.broadcast %jit3A_962 : i32 to vector<16xi32>
      %select_n3A_965 = arith.select %eq3A_954, %broadcast_in_dim3A_963, %broadcast_in_dim3A_964 : vector<16xi1>, vector<16xi32>
      %add3A_966 = arith.addi %add3A_936, %select_n3A_965 : vector<16xi32>
      %jit3A_967 = arith.constant 28 : i32
      %jit3A_968 = arith.constant 64 : i32
      %broadcast_in_dim3A_969 = vector.broadcast %jit3A_967 : i32 to vector<16xi32>
      %broadcast_in_dim3A_970 = vector.broadcast %jit3A_968 : i32 to vector<16xi32>
      %select_n3A_971 = arith.select %eq3A_952, %broadcast_in_dim3A_969, %broadcast_in_dim3A_970 : vector<16xi1>, vector<16xi32>
      %min3A_972 = arith.minsi %min3A_942, %select_n3A_971 : vector<16xi32>
      %jit3A_973 = arith.constant 28 : i32
      %jit3A_974 = arith.constant 64 : i32
      %broadcast_in_dim3A_975 = vector.broadcast %jit3A_973 : i32 to vector<16xi32>
      %broadcast_in_dim3A_976 = vector.broadcast %jit3A_974 : i32 to vector<16xi32>
      %select_n3A_977 = arith.select %eq3A_954, %broadcast_in_dim3A_975, %broadcast_in_dim3A_976 : vector<16xi1>, vector<16xi32>
      %min3A_978 = arith.minsi %min3A_948, %select_n3A_977 : vector<16xi32>
      %slice3A_979 = vector.extract_strided_slice %get3A_111 {offsets = [13], sizes = [1], strides = [1]} : vector<16xi32> to vector<1xi32>
      %squeeze3A_980 = vector.extract %slice3A_979[0] : i32 from vector<1xi32>
      %eq3A_981 = vector.broadcast %squeeze3A_980 : i32 to vector<16xi32>
      %eq3A_982 = arith.cmpi eq, %get3A_106, %eq3A_981 : vector<16xi32>
      %eq3A_983 = vector.broadcast %squeeze3A_980 : i32 to vector<16xi32>
      %eq3A_984 = arith.cmpi eq, %get3A_111, %eq3A_983 : vector<16xi32>
      %jit3A_985 = arith.constant 1 : i32
      %jit3A_986 = arith.constant 0 : i32
      %broadcast_in_dim3A_987 = vector.broadcast %jit3A_985 : i32 to vector<16xi32>
      %broadcast_in_dim3A_988 = vector.broadcast %jit3A_986 : i32 to vector<16xi32>
      %select_n3A_989 = arith.select %eq3A_982, %broadcast_in_dim3A_987, %broadcast_in_dim3A_988 : vector<16xi1>, vector<16xi32>
      %add3A_990 = arith.addi %add3A_960, %select_n3A_989 : vector<16xi32>
      %jit3A_991 = arith.constant 1 : i32
      %jit3A_992 = arith.constant 0 : i32
      %broadcast_in_dim3A_993 = vector.broadcast %jit3A_991 : i32 to vector<16xi32>
      %broadcast_in_dim3A_994 = vector.broadcast %jit3A_992 : i32 to vector<16xi32>
      %select_n3A_995 = arith.select %eq3A_984, %broadcast_in_dim3A_993, %broadcast_in_dim3A_994 : vector<16xi1>, vector<16xi32>
      %add3A_996 = arith.addi %add3A_966, %select_n3A_995 : vector<16xi32>
      %jit3A_997 = arith.constant 29 : i32
      %jit3A_998 = arith.constant 64 : i32
      %broadcast_in_dim3A_999 = vector.broadcast %jit3A_997 : i32 to vector<16xi32>
      %broadcast_in_dim3A_1000 = vector.broadcast %jit3A_998 : i32 to vector<16xi32>
      %select_n3A_1001 = arith.select %eq3A_982, %broadcast_in_dim3A_999, %broadcast_in_dim3A_1000 : vector<16xi1>, vector<16xi32>
      %min3A_1002 = arith.minsi %min3A_972, %select_n3A_1001 : vector<16xi32>
      %jit3A_1003 = arith.constant 29 : i32
      %jit3A_1004 = arith.constant 64 : i32
      %broadcast_in_dim3A_1005 = vector.broadcast %jit3A_1003 : i32 to vector<16xi32>
      %broadcast_in_dim3A_1006 = vector.broadcast %jit3A_1004 : i32 to vector<16xi32>
      %select_n3A_1007 = arith.select %eq3A_984, %broadcast_in_dim3A_1005, %broadcast_in_dim3A_1006 : vector<16xi1>, vector<16xi32>
      %min3A_1008 = arith.minsi %min3A_978, %select_n3A_1007 : vector<16xi32>
      %slice3A_1009 = vector.extract_strided_slice %get3A_111 {offsets = [14], sizes = [1], strides = [1]} : vector<16xi32> to vector<1xi32>
      %squeeze3A_1010 = vector.extract %slice3A_1009[0] : i32 from vector<1xi32>
      %eq3A_1011 = vector.broadcast %squeeze3A_1010 : i32 to vector<16xi32>
      %eq3A_1012 = arith.cmpi eq, %get3A_106, %eq3A_1011 : vector<16xi32>
      %eq3A_1013 = vector.broadcast %squeeze3A_1010 : i32 to vector<16xi32>
      %eq3A_1014 = arith.cmpi eq, %get3A_111, %eq3A_1013 : vector<16xi32>
      %jit3A_1015 = arith.constant 1 : i32
      %jit3A_1016 = arith.constant 0 : i32
      %broadcast_in_dim3A_1017 = vector.broadcast %jit3A_1015 : i32 to vector<16xi32>
      %broadcast_in_dim3A_1018 = vector.broadcast %jit3A_1016 : i32 to vector<16xi32>
      %select_n3A_1019 = arith.select %eq3A_1012, %broadcast_in_dim3A_1017, %broadcast_in_dim3A_1018 : vector<16xi1>, vector<16xi32>
      %add3A_1020 = arith.addi %add3A_990, %select_n3A_1019 : vector<16xi32>
      %jit3A_1021 = arith.constant 1 : i32
      %jit3A_1022 = arith.constant 0 : i32
      %broadcast_in_dim3A_1023 = vector.broadcast %jit3A_1021 : i32 to vector<16xi32>
      %broadcast_in_dim3A_1024 = vector.broadcast %jit3A_1022 : i32 to vector<16xi32>
      %select_n3A_1025 = arith.select %eq3A_1014, %broadcast_in_dim3A_1023, %broadcast_in_dim3A_1024 : vector<16xi1>, vector<16xi32>
      %add3A_1026 = arith.addi %add3A_996, %select_n3A_1025 : vector<16xi32>
      %jit3A_1027 = arith.constant 30 : i32
      %jit3A_1028 = arith.constant 64 : i32
      %broadcast_in_dim3A_1029 = vector.broadcast %jit3A_1027 : i32 to vector<16xi32>
      %broadcast_in_dim3A_1030 = vector.broadcast %jit3A_1028 : i32 to vector<16xi32>
      %select_n3A_1031 = arith.select %eq3A_1012, %broadcast_in_dim3A_1029, %broadcast_in_dim3A_1030 : vector<16xi1>, vector<16xi32>
      %min3A_1032 = arith.minsi %min3A_1002, %select_n3A_1031 : vector<16xi32>
      %jit3A_1033 = arith.constant 30 : i32
      %jit3A_1034 = arith.constant 64 : i32
      %broadcast_in_dim3A_1035 = vector.broadcast %jit3A_1033 : i32 to vector<16xi32>
      %broadcast_in_dim3A_1036 = vector.broadcast %jit3A_1034 : i32 to vector<16xi32>
      %select_n3A_1037 = arith.select %eq3A_1014, %broadcast_in_dim3A_1035, %broadcast_in_dim3A_1036 : vector<16xi1>, vector<16xi32>
      %min3A_1038 = arith.minsi %min3A_1008, %select_n3A_1037 : vector<16xi32>
      %slice3A_1039 = vector.extract_strided_slice %get3A_111 {offsets = [15], sizes = [1], strides = [1]} : vector<16xi32> to vector<1xi32>
      %squeeze3A_1040 = vector.extract %slice3A_1039[0] : i32 from vector<1xi32>
      %eq3A_1041 = vector.broadcast %squeeze3A_1040 : i32 to vector<16xi32>
      %eq3A_1042 = arith.cmpi eq, %get3A_106, %eq3A_1041 : vector<16xi32>
      %eq3A_1043 = vector.broadcast %squeeze3A_1040 : i32 to vector<16xi32>
      %eq3A_1044 = arith.cmpi eq, %get3A_111, %eq3A_1043 : vector<16xi32>
      %jit3A_1045 = arith.constant 1 : i32
      %jit3A_1046 = arith.constant 0 : i32
      %broadcast_in_dim3A_1047 = vector.broadcast %jit3A_1045 : i32 to vector<16xi32>
      %broadcast_in_dim3A_1048 = vector.broadcast %jit3A_1046 : i32 to vector<16xi32>
      %select_n3A_1049 = arith.select %eq3A_1042, %broadcast_in_dim3A_1047, %broadcast_in_dim3A_1048 : vector<16xi1>, vector<16xi32>
      %add3A_1050 = arith.addi %add3A_1020, %select_n3A_1049 : vector<16xi32>
      %jit3A_1051 = arith.constant 1 : i32
      %jit3A_1052 = arith.constant 0 : i32
      %broadcast_in_dim3A_1053 = vector.broadcast %jit3A_1051 : i32 to vector<16xi32>
      %broadcast_in_dim3A_1054 = vector.broadcast %jit3A_1052 : i32 to vector<16xi32>
      %select_n3A_1055 = arith.select %eq3A_1044, %broadcast_in_dim3A_1053, %broadcast_in_dim3A_1054 : vector<16xi1>, vector<16xi32>
      %add3A_1056 = arith.addi %add3A_1026, %select_n3A_1055 : vector<16xi32>
      %jit3A_1057 = arith.constant 31 : i32
      %jit3A_1058 = arith.constant 64 : i32
      %broadcast_in_dim3A_1059 = vector.broadcast %jit3A_1057 : i32 to vector<16xi32>
      %broadcast_in_dim3A_1060 = vector.broadcast %jit3A_1058 : i32 to vector<16xi32>
      %select_n3A_1061 = arith.select %eq3A_1042, %broadcast_in_dim3A_1059, %broadcast_in_dim3A_1060 : vector<16xi1>, vector<16xi32>
      %min3A_1062 = arith.minsi %min3A_1032, %select_n3A_1061 : vector<16xi32>
      %jit3A_1063 = arith.constant 31 : i32
      %jit3A_1064 = arith.constant 64 : i32
      %broadcast_in_dim3A_1065 = vector.broadcast %jit3A_1063 : i32 to vector<16xi32>
      %broadcast_in_dim3A_1066 = vector.broadcast %jit3A_1064 : i32 to vector<16xi32>
      %select_n3A_1067 = arith.select %eq3A_1044, %broadcast_in_dim3A_1065, %broadcast_in_dim3A_1066 : vector<16xi1>, vector<16xi32>
      %min3A_1068 = arith.minsi %min3A_1038, %select_n3A_1067 : vector<16xi32>
      %eq3A_1069 = arith.cmpi eq, %min3A_1062, %iota3A : vector<16xi32>
      %ne3A = arith.constant 5008 : i32
      %ne3A_1070 = vector.broadcast %ne3A : i32 to vector<16xi32>
      %ne3A_1071 = arith.cmpi ne, %get3A_106, %ne3A_1070 : vector<16xi32>
      %and3A = arith.andi %eq3A_1069, %ne3A_1071 : vector<16xi1>
      %add3A_1072 = arith.constant 16 : i32
      %add3A_1073 = vector.broadcast %add3A_1072 : i32 to vector<16xi32>
      %add3A_1074 = arith.addi %iota3A, %add3A_1073 : vector<16xi32>
      %eq3A_1075 = arith.cmpi eq, %min3A_1068, %add3A_1074 : vector<16xi32>
      %ne3A_1076 = arith.constant 5008 : i32
      %ne3A_1077 = vector.broadcast %ne3A_1076 : i32 to vector<16xi32>
      %ne3A_1078 = arith.cmpi ne, %get3A_111, %ne3A_1077 : vector<16xi32>
      %and3A_1079 = arith.andi %eq3A_1075, %ne3A_1078 : vector<16xi1>
      %shift_left3A = arith.constant 13 : i32
      %shift_left3A_1080 = vector.broadcast %shift_left3A : i32 to vector<16xi32>
      %shift_left3A_1081 = arith.shli %add3A_1050, %shift_left3A_1080 : vector<16xi32>
      %sub3A = arith.constant 8191 : i32
      %sub3A_1082 = vector.broadcast %sub3A : i32 to vector<16xi32>
      %sub3A_1083 = arith.subi %sub3A_1082, %get3A_106 : vector<16xi32>
      %add3A_1084 = arith.addi %shift_left3A_1081, %sub3A_1083 : vector<16xi32>
      %jit3A_1085 = arith.constant 0 : i32
      %broadcast_in_dim3A_1086 = vector.broadcast %jit3A_1085 : i32 to vector<16xi32>
      %select_n3A_1087 = arith.select %and3A, %add3A_1084, %broadcast_in_dim3A_1086 : vector<16xi1>, vector<16xi32>
      %shift_left3A_1088 = arith.constant 13 : i32
      %shift_left3A_1089 = vector.broadcast %shift_left3A_1088 : i32 to vector<16xi32>
      %shift_left3A_1090 = arith.shli %add3A_1056, %shift_left3A_1089 : vector<16xi32>
      %sub3A_1091 = arith.constant 8191 : i32
      %sub3A_1092 = vector.broadcast %sub3A_1091 : i32 to vector<16xi32>
      %sub3A_1093 = arith.subi %sub3A_1092, %get3A_111 : vector<16xi32>
      %add3A_1094 = arith.addi %shift_left3A_1090, %sub3A_1093 : vector<16xi32>
      %jit3A_1095 = arith.constant 0 : i32
      %broadcast_in_dim3A_1096 = vector.broadcast %jit3A_1095 : i32 to vector<16xi32>
      %select_n3A_1097 = arith.select %and3A_1079, %add3A_1094, %broadcast_in_dim3A_1096 : vector<16xi1>, vector<16xi32>
      %slice3A_1098 = vector.extract_strided_slice %select_n3A_1087 {offsets = [0], sizes = [1], strides = [1]} : vector<16xi32> to vector<1xi32>
      %squeeze3A_1099 = vector.extract %slice3A_1098[0] : i32 from vector<1xi32>
      %gt3A = vector.broadcast %squeeze3A_1099 : i32 to vector<16xi32>
      %gt3A_1100 = arith.cmpi sgt, %gt3A, %select_n3A_1087 : vector<16xi32>
      %jit3A_1101 = arith.constant 1 : i32
      %jit3A_1102 = arith.constant 0 : i32
      %broadcast_in_dim3A_1103 = vector.broadcast %jit3A_1101 : i32 to vector<16xi32>
      %broadcast_in_dim3A_1104 = vector.broadcast %jit3A_1102 : i32 to vector<16xi32>
      %select_n3A_1105 = arith.select %gt3A_1100, %broadcast_in_dim3A_1103, %broadcast_in_dim3A_1104 : vector<16xi1>, vector<16xi32>
      %add3A_1106 = arith.addi %broadcast_in_dim3A_112, %select_n3A_1105 : vector<16xi32>
      %gt3A_1107 = vector.broadcast %squeeze3A_1099 : i32 to vector<16xi32>
      %gt3A_1108 = arith.cmpi sgt, %gt3A_1107, %select_n3A_1097 : vector<16xi32>
      %jit3A_1109 = arith.constant 1 : i32
      %jit3A_1110 = arith.constant 0 : i32
      %broadcast_in_dim3A_1111 = vector.broadcast %jit3A_1109 : i32 to vector<16xi32>
      %broadcast_in_dim3A_1112 = vector.broadcast %jit3A_1110 : i32 to vector<16xi32>
      %select_n3A_1113 = arith.select %gt3A_1108, %broadcast_in_dim3A_1111, %broadcast_in_dim3A_1112 : vector<16xi1>, vector<16xi32>
      %add3A_1114 = arith.addi %broadcast_in_dim3A_112, %select_n3A_1113 : vector<16xi32>
      %slice3A_1115 = vector.extract_strided_slice %select_n3A_1087 {offsets = [1], sizes = [1], strides = [1]} : vector<16xi32> to vector<1xi32>
      %squeeze3A_1116 = vector.extract %slice3A_1115[0] : i32 from vector<1xi32>
      %gt3A_1117 = vector.broadcast %squeeze3A_1116 : i32 to vector<16xi32>
      %gt3A_1118 = arith.cmpi sgt, %gt3A_1117, %select_n3A_1087 : vector<16xi32>
      %jit3A_1119 = arith.constant 1 : i32
      %jit3A_1120 = arith.constant 0 : i32
      %broadcast_in_dim3A_1121 = vector.broadcast %jit3A_1119 : i32 to vector<16xi32>
      %broadcast_in_dim3A_1122 = vector.broadcast %jit3A_1120 : i32 to vector<16xi32>
      %select_n3A_1123 = arith.select %gt3A_1118, %broadcast_in_dim3A_1121, %broadcast_in_dim3A_1122 : vector<16xi1>, vector<16xi32>
      %add3A_1124 = arith.addi %add3A_1106, %select_n3A_1123 : vector<16xi32>
      %gt3A_1125 = vector.broadcast %squeeze3A_1116 : i32 to vector<16xi32>
      %gt3A_1126 = arith.cmpi sgt, %gt3A_1125, %select_n3A_1097 : vector<16xi32>
      %jit3A_1127 = arith.constant 1 : i32
      %jit3A_1128 = arith.constant 0 : i32
      %broadcast_in_dim3A_1129 = vector.broadcast %jit3A_1127 : i32 to vector<16xi32>
      %broadcast_in_dim3A_1130 = vector.broadcast %jit3A_1128 : i32 to vector<16xi32>
      %select_n3A_1131 = arith.select %gt3A_1126, %broadcast_in_dim3A_1129, %broadcast_in_dim3A_1130 : vector<16xi1>, vector<16xi32>
      %add3A_1132 = arith.addi %add3A_1114, %select_n3A_1131 : vector<16xi32>
      %slice3A_1133 = vector.extract_strided_slice %select_n3A_1087 {offsets = [2], sizes = [1], strides = [1]} : vector<16xi32> to vector<1xi32>
      %squeeze3A_1134 = vector.extract %slice3A_1133[0] : i32 from vector<1xi32>
      %gt3A_1135 = vector.broadcast %squeeze3A_1134 : i32 to vector<16xi32>
      %gt3A_1136 = arith.cmpi sgt, %gt3A_1135, %select_n3A_1087 : vector<16xi32>
      %jit3A_1137 = arith.constant 1 : i32
      %jit3A_1138 = arith.constant 0 : i32
      %broadcast_in_dim3A_1139 = vector.broadcast %jit3A_1137 : i32 to vector<16xi32>
      %broadcast_in_dim3A_1140 = vector.broadcast %jit3A_1138 : i32 to vector<16xi32>
      %select_n3A_1141 = arith.select %gt3A_1136, %broadcast_in_dim3A_1139, %broadcast_in_dim3A_1140 : vector<16xi1>, vector<16xi32>
      %add3A_1142 = arith.addi %add3A_1124, %select_n3A_1141 : vector<16xi32>
      %gt3A_1143 = vector.broadcast %squeeze3A_1134 : i32 to vector<16xi32>
      %gt3A_1144 = arith.cmpi sgt, %gt3A_1143, %select_n3A_1097 : vector<16xi32>
      %jit3A_1145 = arith.constant 1 : i32
      %jit3A_1146 = arith.constant 0 : i32
      %broadcast_in_dim3A_1147 = vector.broadcast %jit3A_1145 : i32 to vector<16xi32>
      %broadcast_in_dim3A_1148 = vector.broadcast %jit3A_1146 : i32 to vector<16xi32>
      %select_n3A_1149 = arith.select %gt3A_1144, %broadcast_in_dim3A_1147, %broadcast_in_dim3A_1148 : vector<16xi1>, vector<16xi32>
      %add3A_1150 = arith.addi %add3A_1132, %select_n3A_1149 : vector<16xi32>
      %slice3A_1151 = vector.extract_strided_slice %select_n3A_1087 {offsets = [3], sizes = [1], strides = [1]} : vector<16xi32> to vector<1xi32>
      %squeeze3A_1152 = vector.extract %slice3A_1151[0] : i32 from vector<1xi32>
      %gt3A_1153 = vector.broadcast %squeeze3A_1152 : i32 to vector<16xi32>
      %gt3A_1154 = arith.cmpi sgt, %gt3A_1153, %select_n3A_1087 : vector<16xi32>
      %jit3A_1155 = arith.constant 1 : i32
      %jit3A_1156 = arith.constant 0 : i32
      %broadcast_in_dim3A_1157 = vector.broadcast %jit3A_1155 : i32 to vector<16xi32>
      %broadcast_in_dim3A_1158 = vector.broadcast %jit3A_1156 : i32 to vector<16xi32>
      %select_n3A_1159 = arith.select %gt3A_1154, %broadcast_in_dim3A_1157, %broadcast_in_dim3A_1158 : vector<16xi1>, vector<16xi32>
      %add3A_1160 = arith.addi %add3A_1142, %select_n3A_1159 : vector<16xi32>
      %gt3A_1161 = vector.broadcast %squeeze3A_1152 : i32 to vector<16xi32>
      %gt3A_1162 = arith.cmpi sgt, %gt3A_1161, %select_n3A_1097 : vector<16xi32>
      %jit3A_1163 = arith.constant 1 : i32
      %jit3A_1164 = arith.constant 0 : i32
      %broadcast_in_dim3A_1165 = vector.broadcast %jit3A_1163 : i32 to vector<16xi32>
      %broadcast_in_dim3A_1166 = vector.broadcast %jit3A_1164 : i32 to vector<16xi32>
      %select_n3A_1167 = arith.select %gt3A_1162, %broadcast_in_dim3A_1165, %broadcast_in_dim3A_1166 : vector<16xi1>, vector<16xi32>
      %add3A_1168 = arith.addi %add3A_1150, %select_n3A_1167 : vector<16xi32>
      %slice3A_1169 = vector.extract_strided_slice %select_n3A_1087 {offsets = [4], sizes = [1], strides = [1]} : vector<16xi32> to vector<1xi32>
      %squeeze3A_1170 = vector.extract %slice3A_1169[0] : i32 from vector<1xi32>
      %gt3A_1171 = vector.broadcast %squeeze3A_1170 : i32 to vector<16xi32>
      %gt3A_1172 = arith.cmpi sgt, %gt3A_1171, %select_n3A_1087 : vector<16xi32>
      %jit3A_1173 = arith.constant 1 : i32
      %jit3A_1174 = arith.constant 0 : i32
      %broadcast_in_dim3A_1175 = vector.broadcast %jit3A_1173 : i32 to vector<16xi32>
      %broadcast_in_dim3A_1176 = vector.broadcast %jit3A_1174 : i32 to vector<16xi32>
      %select_n3A_1177 = arith.select %gt3A_1172, %broadcast_in_dim3A_1175, %broadcast_in_dim3A_1176 : vector<16xi1>, vector<16xi32>
      %add3A_1178 = arith.addi %add3A_1160, %select_n3A_1177 : vector<16xi32>
      %gt3A_1179 = vector.broadcast %squeeze3A_1170 : i32 to vector<16xi32>
      %gt3A_1180 = arith.cmpi sgt, %gt3A_1179, %select_n3A_1097 : vector<16xi32>
      %jit3A_1181 = arith.constant 1 : i32
      %jit3A_1182 = arith.constant 0 : i32
      %broadcast_in_dim3A_1183 = vector.broadcast %jit3A_1181 : i32 to vector<16xi32>
      %broadcast_in_dim3A_1184 = vector.broadcast %jit3A_1182 : i32 to vector<16xi32>
      %select_n3A_1185 = arith.select %gt3A_1180, %broadcast_in_dim3A_1183, %broadcast_in_dim3A_1184 : vector<16xi1>, vector<16xi32>
      %add3A_1186 = arith.addi %add3A_1168, %select_n3A_1185 : vector<16xi32>
      %slice3A_1187 = vector.extract_strided_slice %select_n3A_1087 {offsets = [5], sizes = [1], strides = [1]} : vector<16xi32> to vector<1xi32>
      %squeeze3A_1188 = vector.extract %slice3A_1187[0] : i32 from vector<1xi32>
      %gt3A_1189 = vector.broadcast %squeeze3A_1188 : i32 to vector<16xi32>
      %gt3A_1190 = arith.cmpi sgt, %gt3A_1189, %select_n3A_1087 : vector<16xi32>
      %jit3A_1191 = arith.constant 1 : i32
      %jit3A_1192 = arith.constant 0 : i32
      %broadcast_in_dim3A_1193 = vector.broadcast %jit3A_1191 : i32 to vector<16xi32>
      %broadcast_in_dim3A_1194 = vector.broadcast %jit3A_1192 : i32 to vector<16xi32>
      %select_n3A_1195 = arith.select %gt3A_1190, %broadcast_in_dim3A_1193, %broadcast_in_dim3A_1194 : vector<16xi1>, vector<16xi32>
      %add3A_1196 = arith.addi %add3A_1178, %select_n3A_1195 : vector<16xi32>
      %gt3A_1197 = vector.broadcast %squeeze3A_1188 : i32 to vector<16xi32>
      %gt3A_1198 = arith.cmpi sgt, %gt3A_1197, %select_n3A_1097 : vector<16xi32>
      %jit3A_1199 = arith.constant 1 : i32
      %jit3A_1200 = arith.constant 0 : i32
      %broadcast_in_dim3A_1201 = vector.broadcast %jit3A_1199 : i32 to vector<16xi32>
      %broadcast_in_dim3A_1202 = vector.broadcast %jit3A_1200 : i32 to vector<16xi32>
      %select_n3A_1203 = arith.select %gt3A_1198, %broadcast_in_dim3A_1201, %broadcast_in_dim3A_1202 : vector<16xi1>, vector<16xi32>
      %add3A_1204 = arith.addi %add3A_1186, %select_n3A_1203 : vector<16xi32>
      %slice3A_1205 = vector.extract_strided_slice %select_n3A_1087 {offsets = [6], sizes = [1], strides = [1]} : vector<16xi32> to vector<1xi32>
      %squeeze3A_1206 = vector.extract %slice3A_1205[0] : i32 from vector<1xi32>
      %gt3A_1207 = vector.broadcast %squeeze3A_1206 : i32 to vector<16xi32>
      %gt3A_1208 = arith.cmpi sgt, %gt3A_1207, %select_n3A_1087 : vector<16xi32>
      %jit3A_1209 = arith.constant 1 : i32
      %jit3A_1210 = arith.constant 0 : i32
      %broadcast_in_dim3A_1211 = vector.broadcast %jit3A_1209 : i32 to vector<16xi32>
      %broadcast_in_dim3A_1212 = vector.broadcast %jit3A_1210 : i32 to vector<16xi32>
      %select_n3A_1213 = arith.select %gt3A_1208, %broadcast_in_dim3A_1211, %broadcast_in_dim3A_1212 : vector<16xi1>, vector<16xi32>
      %add3A_1214 = arith.addi %add3A_1196, %select_n3A_1213 : vector<16xi32>
      %gt3A_1215 = vector.broadcast %squeeze3A_1206 : i32 to vector<16xi32>
      %gt3A_1216 = arith.cmpi sgt, %gt3A_1215, %select_n3A_1097 : vector<16xi32>
      %jit3A_1217 = arith.constant 1 : i32
      %jit3A_1218 = arith.constant 0 : i32
      %broadcast_in_dim3A_1219 = vector.broadcast %jit3A_1217 : i32 to vector<16xi32>
      %broadcast_in_dim3A_1220 = vector.broadcast %jit3A_1218 : i32 to vector<16xi32>
      %select_n3A_1221 = arith.select %gt3A_1216, %broadcast_in_dim3A_1219, %broadcast_in_dim3A_1220 : vector<16xi1>, vector<16xi32>
      %add3A_1222 = arith.addi %add3A_1204, %select_n3A_1221 : vector<16xi32>
      %slice3A_1223 = vector.extract_strided_slice %select_n3A_1087 {offsets = [7], sizes = [1], strides = [1]} : vector<16xi32> to vector<1xi32>
      %squeeze3A_1224 = vector.extract %slice3A_1223[0] : i32 from vector<1xi32>
      %gt3A_1225 = vector.broadcast %squeeze3A_1224 : i32 to vector<16xi32>
      %gt3A_1226 = arith.cmpi sgt, %gt3A_1225, %select_n3A_1087 : vector<16xi32>
      %jit3A_1227 = arith.constant 1 : i32
      %jit3A_1228 = arith.constant 0 : i32
      %broadcast_in_dim3A_1229 = vector.broadcast %jit3A_1227 : i32 to vector<16xi32>
      %broadcast_in_dim3A_1230 = vector.broadcast %jit3A_1228 : i32 to vector<16xi32>
      %select_n3A_1231 = arith.select %gt3A_1226, %broadcast_in_dim3A_1229, %broadcast_in_dim3A_1230 : vector<16xi1>, vector<16xi32>
      %add3A_1232 = arith.addi %add3A_1214, %select_n3A_1231 : vector<16xi32>
      %gt3A_1233 = vector.broadcast %squeeze3A_1224 : i32 to vector<16xi32>
      %gt3A_1234 = arith.cmpi sgt, %gt3A_1233, %select_n3A_1097 : vector<16xi32>
      %jit3A_1235 = arith.constant 1 : i32
      %jit3A_1236 = arith.constant 0 : i32
      %broadcast_in_dim3A_1237 = vector.broadcast %jit3A_1235 : i32 to vector<16xi32>
      %broadcast_in_dim3A_1238 = vector.broadcast %jit3A_1236 : i32 to vector<16xi32>
      %select_n3A_1239 = arith.select %gt3A_1234, %broadcast_in_dim3A_1237, %broadcast_in_dim3A_1238 : vector<16xi1>, vector<16xi32>
      %add3A_1240 = arith.addi %add3A_1222, %select_n3A_1239 : vector<16xi32>
      %slice3A_1241 = vector.extract_strided_slice %select_n3A_1087 {offsets = [8], sizes = [1], strides = [1]} : vector<16xi32> to vector<1xi32>
      %squeeze3A_1242 = vector.extract %slice3A_1241[0] : i32 from vector<1xi32>
      %gt3A_1243 = vector.broadcast %squeeze3A_1242 : i32 to vector<16xi32>
      %gt3A_1244 = arith.cmpi sgt, %gt3A_1243, %select_n3A_1087 : vector<16xi32>
      %jit3A_1245 = arith.constant 1 : i32
      %jit3A_1246 = arith.constant 0 : i32
      %broadcast_in_dim3A_1247 = vector.broadcast %jit3A_1245 : i32 to vector<16xi32>
      %broadcast_in_dim3A_1248 = vector.broadcast %jit3A_1246 : i32 to vector<16xi32>
      %select_n3A_1249 = arith.select %gt3A_1244, %broadcast_in_dim3A_1247, %broadcast_in_dim3A_1248 : vector<16xi1>, vector<16xi32>
      %add3A_1250 = arith.addi %add3A_1232, %select_n3A_1249 : vector<16xi32>
      %gt3A_1251 = vector.broadcast %squeeze3A_1242 : i32 to vector<16xi32>
      %gt3A_1252 = arith.cmpi sgt, %gt3A_1251, %select_n3A_1097 : vector<16xi32>
      %jit3A_1253 = arith.constant 1 : i32
      %jit3A_1254 = arith.constant 0 : i32
      %broadcast_in_dim3A_1255 = vector.broadcast %jit3A_1253 : i32 to vector<16xi32>
      %broadcast_in_dim3A_1256 = vector.broadcast %jit3A_1254 : i32 to vector<16xi32>
      %select_n3A_1257 = arith.select %gt3A_1252, %broadcast_in_dim3A_1255, %broadcast_in_dim3A_1256 : vector<16xi1>, vector<16xi32>
      %add3A_1258 = arith.addi %add3A_1240, %select_n3A_1257 : vector<16xi32>
      %slice3A_1259 = vector.extract_strided_slice %select_n3A_1087 {offsets = [9], sizes = [1], strides = [1]} : vector<16xi32> to vector<1xi32>
      %squeeze3A_1260 = vector.extract %slice3A_1259[0] : i32 from vector<1xi32>
      %gt3A_1261 = vector.broadcast %squeeze3A_1260 : i32 to vector<16xi32>
      %gt3A_1262 = arith.cmpi sgt, %gt3A_1261, %select_n3A_1087 : vector<16xi32>
      %jit3A_1263 = arith.constant 1 : i32
      %jit3A_1264 = arith.constant 0 : i32
      %broadcast_in_dim3A_1265 = vector.broadcast %jit3A_1263 : i32 to vector<16xi32>
      %broadcast_in_dim3A_1266 = vector.broadcast %jit3A_1264 : i32 to vector<16xi32>
      %select_n3A_1267 = arith.select %gt3A_1262, %broadcast_in_dim3A_1265, %broadcast_in_dim3A_1266 : vector<16xi1>, vector<16xi32>
      %add3A_1268 = arith.addi %add3A_1250, %select_n3A_1267 : vector<16xi32>
      %gt3A_1269 = vector.broadcast %squeeze3A_1260 : i32 to vector<16xi32>
      %gt3A_1270 = arith.cmpi sgt, %gt3A_1269, %select_n3A_1097 : vector<16xi32>
      %jit3A_1271 = arith.constant 1 : i32
      %jit3A_1272 = arith.constant 0 : i32
      %broadcast_in_dim3A_1273 = vector.broadcast %jit3A_1271 : i32 to vector<16xi32>
      %broadcast_in_dim3A_1274 = vector.broadcast %jit3A_1272 : i32 to vector<16xi32>
      %select_n3A_1275 = arith.select %gt3A_1270, %broadcast_in_dim3A_1273, %broadcast_in_dim3A_1274 : vector<16xi1>, vector<16xi32>
      %add3A_1276 = arith.addi %add3A_1258, %select_n3A_1275 : vector<16xi32>
      %slice3A_1277 = vector.extract_strided_slice %select_n3A_1087 {offsets = [10], sizes = [1], strides = [1]} : vector<16xi32> to vector<1xi32>
      %squeeze3A_1278 = vector.extract %slice3A_1277[0] : i32 from vector<1xi32>
      %gt3A_1279 = vector.broadcast %squeeze3A_1278 : i32 to vector<16xi32>
      %gt3A_1280 = arith.cmpi sgt, %gt3A_1279, %select_n3A_1087 : vector<16xi32>
      %jit3A_1281 = arith.constant 1 : i32
      %jit3A_1282 = arith.constant 0 : i32
      %broadcast_in_dim3A_1283 = vector.broadcast %jit3A_1281 : i32 to vector<16xi32>
      %broadcast_in_dim3A_1284 = vector.broadcast %jit3A_1282 : i32 to vector<16xi32>
      %select_n3A_1285 = arith.select %gt3A_1280, %broadcast_in_dim3A_1283, %broadcast_in_dim3A_1284 : vector<16xi1>, vector<16xi32>
      %add3A_1286 = arith.addi %add3A_1268, %select_n3A_1285 : vector<16xi32>
      %gt3A_1287 = vector.broadcast %squeeze3A_1278 : i32 to vector<16xi32>
      %gt3A_1288 = arith.cmpi sgt, %gt3A_1287, %select_n3A_1097 : vector<16xi32>
      %jit3A_1289 = arith.constant 1 : i32
      %jit3A_1290 = arith.constant 0 : i32
      %broadcast_in_dim3A_1291 = vector.broadcast %jit3A_1289 : i32 to vector<16xi32>
      %broadcast_in_dim3A_1292 = vector.broadcast %jit3A_1290 : i32 to vector<16xi32>
      %select_n3A_1293 = arith.select %gt3A_1288, %broadcast_in_dim3A_1291, %broadcast_in_dim3A_1292 : vector<16xi1>, vector<16xi32>
      %add3A_1294 = arith.addi %add3A_1276, %select_n3A_1293 : vector<16xi32>
      %slice3A_1295 = vector.extract_strided_slice %select_n3A_1087 {offsets = [11], sizes = [1], strides = [1]} : vector<16xi32> to vector<1xi32>
      %squeeze3A_1296 = vector.extract %slice3A_1295[0] : i32 from vector<1xi32>
      %gt3A_1297 = vector.broadcast %squeeze3A_1296 : i32 to vector<16xi32>
      %gt3A_1298 = arith.cmpi sgt, %gt3A_1297, %select_n3A_1087 : vector<16xi32>
      %jit3A_1299 = arith.constant 1 : i32
      %jit3A_1300 = arith.constant 0 : i32
      %broadcast_in_dim3A_1301 = vector.broadcast %jit3A_1299 : i32 to vector<16xi32>
      %broadcast_in_dim3A_1302 = vector.broadcast %jit3A_1300 : i32 to vector<16xi32>
      %select_n3A_1303 = arith.select %gt3A_1298, %broadcast_in_dim3A_1301, %broadcast_in_dim3A_1302 : vector<16xi1>, vector<16xi32>
      %add3A_1304 = arith.addi %add3A_1286, %select_n3A_1303 : vector<16xi32>
      %gt3A_1305 = vector.broadcast %squeeze3A_1296 : i32 to vector<16xi32>
      %gt3A_1306 = arith.cmpi sgt, %gt3A_1305, %select_n3A_1097 : vector<16xi32>
      %jit3A_1307 = arith.constant 1 : i32
      %jit3A_1308 = arith.constant 0 : i32
      %broadcast_in_dim3A_1309 = vector.broadcast %jit3A_1307 : i32 to vector<16xi32>
      %broadcast_in_dim3A_1310 = vector.broadcast %jit3A_1308 : i32 to vector<16xi32>
      %select_n3A_1311 = arith.select %gt3A_1306, %broadcast_in_dim3A_1309, %broadcast_in_dim3A_1310 : vector<16xi1>, vector<16xi32>
      %add3A_1312 = arith.addi %add3A_1294, %select_n3A_1311 : vector<16xi32>
      %slice3A_1313 = vector.extract_strided_slice %select_n3A_1087 {offsets = [12], sizes = [1], strides = [1]} : vector<16xi32> to vector<1xi32>
      %squeeze3A_1314 = vector.extract %slice3A_1313[0] : i32 from vector<1xi32>
      %gt3A_1315 = vector.broadcast %squeeze3A_1314 : i32 to vector<16xi32>
      %gt3A_1316 = arith.cmpi sgt, %gt3A_1315, %select_n3A_1087 : vector<16xi32>
      %jit3A_1317 = arith.constant 1 : i32
      %jit3A_1318 = arith.constant 0 : i32
      %broadcast_in_dim3A_1319 = vector.broadcast %jit3A_1317 : i32 to vector<16xi32>
      %broadcast_in_dim3A_1320 = vector.broadcast %jit3A_1318 : i32 to vector<16xi32>
      %select_n3A_1321 = arith.select %gt3A_1316, %broadcast_in_dim3A_1319, %broadcast_in_dim3A_1320 : vector<16xi1>, vector<16xi32>
      %add3A_1322 = arith.addi %add3A_1304, %select_n3A_1321 : vector<16xi32>
      %gt3A_1323 = vector.broadcast %squeeze3A_1314 : i32 to vector<16xi32>
      %gt3A_1324 = arith.cmpi sgt, %gt3A_1323, %select_n3A_1097 : vector<16xi32>
      %jit3A_1325 = arith.constant 1 : i32
      %jit3A_1326 = arith.constant 0 : i32
      %broadcast_in_dim3A_1327 = vector.broadcast %jit3A_1325 : i32 to vector<16xi32>
      %broadcast_in_dim3A_1328 = vector.broadcast %jit3A_1326 : i32 to vector<16xi32>
      %select_n3A_1329 = arith.select %gt3A_1324, %broadcast_in_dim3A_1327, %broadcast_in_dim3A_1328 : vector<16xi1>, vector<16xi32>
      %add3A_1330 = arith.addi %add3A_1312, %select_n3A_1329 : vector<16xi32>
      %slice3A_1331 = vector.extract_strided_slice %select_n3A_1087 {offsets = [13], sizes = [1], strides = [1]} : vector<16xi32> to vector<1xi32>
      %squeeze3A_1332 = vector.extract %slice3A_1331[0] : i32 from vector<1xi32>
      %gt3A_1333 = vector.broadcast %squeeze3A_1332 : i32 to vector<16xi32>
      %gt3A_1334 = arith.cmpi sgt, %gt3A_1333, %select_n3A_1087 : vector<16xi32>
      %jit3A_1335 = arith.constant 1 : i32
      %jit3A_1336 = arith.constant 0 : i32
      %broadcast_in_dim3A_1337 = vector.broadcast %jit3A_1335 : i32 to vector<16xi32>
      %broadcast_in_dim3A_1338 = vector.broadcast %jit3A_1336 : i32 to vector<16xi32>
      %select_n3A_1339 = arith.select %gt3A_1334, %broadcast_in_dim3A_1337, %broadcast_in_dim3A_1338 : vector<16xi1>, vector<16xi32>
      %add3A_1340 = arith.addi %add3A_1322, %select_n3A_1339 : vector<16xi32>
      %gt3A_1341 = vector.broadcast %squeeze3A_1332 : i32 to vector<16xi32>
      %gt3A_1342 = arith.cmpi sgt, %gt3A_1341, %select_n3A_1097 : vector<16xi32>
      %jit3A_1343 = arith.constant 1 : i32
      %jit3A_1344 = arith.constant 0 : i32
      %broadcast_in_dim3A_1345 = vector.broadcast %jit3A_1343 : i32 to vector<16xi32>
      %broadcast_in_dim3A_1346 = vector.broadcast %jit3A_1344 : i32 to vector<16xi32>
      %select_n3A_1347 = arith.select %gt3A_1342, %broadcast_in_dim3A_1345, %broadcast_in_dim3A_1346 : vector<16xi1>, vector<16xi32>
      %add3A_1348 = arith.addi %add3A_1330, %select_n3A_1347 : vector<16xi32>
      %slice3A_1349 = vector.extract_strided_slice %select_n3A_1087 {offsets = [14], sizes = [1], strides = [1]} : vector<16xi32> to vector<1xi32>
      %squeeze3A_1350 = vector.extract %slice3A_1349[0] : i32 from vector<1xi32>
      %gt3A_1351 = vector.broadcast %squeeze3A_1350 : i32 to vector<16xi32>
      %gt3A_1352 = arith.cmpi sgt, %gt3A_1351, %select_n3A_1087 : vector<16xi32>
      %jit3A_1353 = arith.constant 1 : i32
      %jit3A_1354 = arith.constant 0 : i32
      %broadcast_in_dim3A_1355 = vector.broadcast %jit3A_1353 : i32 to vector<16xi32>
      %broadcast_in_dim3A_1356 = vector.broadcast %jit3A_1354 : i32 to vector<16xi32>
      %select_n3A_1357 = arith.select %gt3A_1352, %broadcast_in_dim3A_1355, %broadcast_in_dim3A_1356 : vector<16xi1>, vector<16xi32>
      %add3A_1358 = arith.addi %add3A_1340, %select_n3A_1357 : vector<16xi32>
      %gt3A_1359 = vector.broadcast %squeeze3A_1350 : i32 to vector<16xi32>
      %gt3A_1360 = arith.cmpi sgt, %gt3A_1359, %select_n3A_1097 : vector<16xi32>
      %jit3A_1361 = arith.constant 1 : i32
      %jit3A_1362 = arith.constant 0 : i32
      %broadcast_in_dim3A_1363 = vector.broadcast %jit3A_1361 : i32 to vector<16xi32>
      %broadcast_in_dim3A_1364 = vector.broadcast %jit3A_1362 : i32 to vector<16xi32>
      %select_n3A_1365 = arith.select %gt3A_1360, %broadcast_in_dim3A_1363, %broadcast_in_dim3A_1364 : vector<16xi1>, vector<16xi32>
      %add3A_1366 = arith.addi %add3A_1348, %select_n3A_1365 : vector<16xi32>
      %slice3A_1367 = vector.extract_strided_slice %select_n3A_1087 {offsets = [15], sizes = [1], strides = [1]} : vector<16xi32> to vector<1xi32>
      %squeeze3A_1368 = vector.extract %slice3A_1367[0] : i32 from vector<1xi32>
      %gt3A_1369 = vector.broadcast %squeeze3A_1368 : i32 to vector<16xi32>
      %gt3A_1370 = arith.cmpi sgt, %gt3A_1369, %select_n3A_1087 : vector<16xi32>
      %jit3A_1371 = arith.constant 1 : i32
      %jit3A_1372 = arith.constant 0 : i32
      %broadcast_in_dim3A_1373 = vector.broadcast %jit3A_1371 : i32 to vector<16xi32>
      %broadcast_in_dim3A_1374 = vector.broadcast %jit3A_1372 : i32 to vector<16xi32>
      %select_n3A_1375 = arith.select %gt3A_1370, %broadcast_in_dim3A_1373, %broadcast_in_dim3A_1374 : vector<16xi1>, vector<16xi32>
      %add3A_1376 = arith.addi %add3A_1358, %select_n3A_1375 : vector<16xi32>
      %gt3A_1377 = vector.broadcast %squeeze3A_1368 : i32 to vector<16xi32>
      %gt3A_1378 = arith.cmpi sgt, %gt3A_1377, %select_n3A_1097 : vector<16xi32>
      %jit3A_1379 = arith.constant 1 : i32
      %jit3A_1380 = arith.constant 0 : i32
      %broadcast_in_dim3A_1381 = vector.broadcast %jit3A_1379 : i32 to vector<16xi32>
      %broadcast_in_dim3A_1382 = vector.broadcast %jit3A_1380 : i32 to vector<16xi32>
      %select_n3A_1383 = arith.select %gt3A_1378, %broadcast_in_dim3A_1381, %broadcast_in_dim3A_1382 : vector<16xi1>, vector<16xi32>
      %add3A_1384 = arith.addi %add3A_1366, %select_n3A_1383 : vector<16xi32>
      %slice3A_1385 = vector.extract_strided_slice %select_n3A_1097 {offsets = [0], sizes = [1], strides = [1]} : vector<16xi32> to vector<1xi32>
      %squeeze3A_1386 = vector.extract %slice3A_1385[0] : i32 from vector<1xi32>
      %gt3A_1387 = vector.broadcast %squeeze3A_1386 : i32 to vector<16xi32>
      %gt3A_1388 = arith.cmpi sgt, %gt3A_1387, %select_n3A_1087 : vector<16xi32>
      %jit3A_1389 = arith.constant 1 : i32
      %jit3A_1390 = arith.constant 0 : i32
      %broadcast_in_dim3A_1391 = vector.broadcast %jit3A_1389 : i32 to vector<16xi32>
      %broadcast_in_dim3A_1392 = vector.broadcast %jit3A_1390 : i32 to vector<16xi32>
      %select_n3A_1393 = arith.select %gt3A_1388, %broadcast_in_dim3A_1391, %broadcast_in_dim3A_1392 : vector<16xi1>, vector<16xi32>
      %add3A_1394 = arith.addi %add3A_1376, %select_n3A_1393 : vector<16xi32>
      %gt3A_1395 = vector.broadcast %squeeze3A_1386 : i32 to vector<16xi32>
      %gt3A_1396 = arith.cmpi sgt, %gt3A_1395, %select_n3A_1097 : vector<16xi32>
      %jit3A_1397 = arith.constant 1 : i32
      %jit3A_1398 = arith.constant 0 : i32
      %broadcast_in_dim3A_1399 = vector.broadcast %jit3A_1397 : i32 to vector<16xi32>
      %broadcast_in_dim3A_1400 = vector.broadcast %jit3A_1398 : i32 to vector<16xi32>
      %select_n3A_1401 = arith.select %gt3A_1396, %broadcast_in_dim3A_1399, %broadcast_in_dim3A_1400 : vector<16xi1>, vector<16xi32>
      %add3A_1402 = arith.addi %add3A_1384, %select_n3A_1401 : vector<16xi32>
      %slice3A_1403 = vector.extract_strided_slice %select_n3A_1097 {offsets = [1], sizes = [1], strides = [1]} : vector<16xi32> to vector<1xi32>
      %squeeze3A_1404 = vector.extract %slice3A_1403[0] : i32 from vector<1xi32>
      %gt3A_1405 = vector.broadcast %squeeze3A_1404 : i32 to vector<16xi32>
      %gt3A_1406 = arith.cmpi sgt, %gt3A_1405, %select_n3A_1087 : vector<16xi32>
      %jit3A_1407 = arith.constant 1 : i32
      %jit3A_1408 = arith.constant 0 : i32
      %broadcast_in_dim3A_1409 = vector.broadcast %jit3A_1407 : i32 to vector<16xi32>
      %broadcast_in_dim3A_1410 = vector.broadcast %jit3A_1408 : i32 to vector<16xi32>
      %select_n3A_1411 = arith.select %gt3A_1406, %broadcast_in_dim3A_1409, %broadcast_in_dim3A_1410 : vector<16xi1>, vector<16xi32>
      %add3A_1412 = arith.addi %add3A_1394, %select_n3A_1411 : vector<16xi32>
      %gt3A_1413 = vector.broadcast %squeeze3A_1404 : i32 to vector<16xi32>
      %gt3A_1414 = arith.cmpi sgt, %gt3A_1413, %select_n3A_1097 : vector<16xi32>
      %jit3A_1415 = arith.constant 1 : i32
      %jit3A_1416 = arith.constant 0 : i32
      %broadcast_in_dim3A_1417 = vector.broadcast %jit3A_1415 : i32 to vector<16xi32>
      %broadcast_in_dim3A_1418 = vector.broadcast %jit3A_1416 : i32 to vector<16xi32>
      %select_n3A_1419 = arith.select %gt3A_1414, %broadcast_in_dim3A_1417, %broadcast_in_dim3A_1418 : vector<16xi1>, vector<16xi32>
      %add3A_1420 = arith.addi %add3A_1402, %select_n3A_1419 : vector<16xi32>
      %slice3A_1421 = vector.extract_strided_slice %select_n3A_1097 {offsets = [2], sizes = [1], strides = [1]} : vector<16xi32> to vector<1xi32>
      %squeeze3A_1422 = vector.extract %slice3A_1421[0] : i32 from vector<1xi32>
      %gt3A_1423 = vector.broadcast %squeeze3A_1422 : i32 to vector<16xi32>
      %gt3A_1424 = arith.cmpi sgt, %gt3A_1423, %select_n3A_1087 : vector<16xi32>
      %jit3A_1425 = arith.constant 1 : i32
      %jit3A_1426 = arith.constant 0 : i32
      %broadcast_in_dim3A_1427 = vector.broadcast %jit3A_1425 : i32 to vector<16xi32>
      %broadcast_in_dim3A_1428 = vector.broadcast %jit3A_1426 : i32 to vector<16xi32>
      %select_n3A_1429 = arith.select %gt3A_1424, %broadcast_in_dim3A_1427, %broadcast_in_dim3A_1428 : vector<16xi1>, vector<16xi32>
      %add3A_1430 = arith.addi %add3A_1412, %select_n3A_1429 : vector<16xi32>
      %gt3A_1431 = vector.broadcast %squeeze3A_1422 : i32 to vector<16xi32>
      %gt3A_1432 = arith.cmpi sgt, %gt3A_1431, %select_n3A_1097 : vector<16xi32>
      %jit3A_1433 = arith.constant 1 : i32
      %jit3A_1434 = arith.constant 0 : i32
      %broadcast_in_dim3A_1435 = vector.broadcast %jit3A_1433 : i32 to vector<16xi32>
      %broadcast_in_dim3A_1436 = vector.broadcast %jit3A_1434 : i32 to vector<16xi32>
      %select_n3A_1437 = arith.select %gt3A_1432, %broadcast_in_dim3A_1435, %broadcast_in_dim3A_1436 : vector<16xi1>, vector<16xi32>
      %add3A_1438 = arith.addi %add3A_1420, %select_n3A_1437 : vector<16xi32>
      %slice3A_1439 = vector.extract_strided_slice %select_n3A_1097 {offsets = [3], sizes = [1], strides = [1]} : vector<16xi32> to vector<1xi32>
      %squeeze3A_1440 = vector.extract %slice3A_1439[0] : i32 from vector<1xi32>
      %gt3A_1441 = vector.broadcast %squeeze3A_1440 : i32 to vector<16xi32>
      %gt3A_1442 = arith.cmpi sgt, %gt3A_1441, %select_n3A_1087 : vector<16xi32>
      %jit3A_1443 = arith.constant 1 : i32
      %jit3A_1444 = arith.constant 0 : i32
      %broadcast_in_dim3A_1445 = vector.broadcast %jit3A_1443 : i32 to vector<16xi32>
      %broadcast_in_dim3A_1446 = vector.broadcast %jit3A_1444 : i32 to vector<16xi32>
      %select_n3A_1447 = arith.select %gt3A_1442, %broadcast_in_dim3A_1445, %broadcast_in_dim3A_1446 : vector<16xi1>, vector<16xi32>
      %add3A_1448 = arith.addi %add3A_1430, %select_n3A_1447 : vector<16xi32>
      %gt3A_1449 = vector.broadcast %squeeze3A_1440 : i32 to vector<16xi32>
      %gt3A_1450 = arith.cmpi sgt, %gt3A_1449, %select_n3A_1097 : vector<16xi32>
      %jit3A_1451 = arith.constant 1 : i32
      %jit3A_1452 = arith.constant 0 : i32
      %broadcast_in_dim3A_1453 = vector.broadcast %jit3A_1451 : i32 to vector<16xi32>
      %broadcast_in_dim3A_1454 = vector.broadcast %jit3A_1452 : i32 to vector<16xi32>
      %select_n3A_1455 = arith.select %gt3A_1450, %broadcast_in_dim3A_1453, %broadcast_in_dim3A_1454 : vector<16xi1>, vector<16xi32>
      %add3A_1456 = arith.addi %add3A_1438, %select_n3A_1455 : vector<16xi32>
      %slice3A_1457 = vector.extract_strided_slice %select_n3A_1097 {offsets = [4], sizes = [1], strides = [1]} : vector<16xi32> to vector<1xi32>
      %squeeze3A_1458 = vector.extract %slice3A_1457[0] : i32 from vector<1xi32>
      %gt3A_1459 = vector.broadcast %squeeze3A_1458 : i32 to vector<16xi32>
      %gt3A_1460 = arith.cmpi sgt, %gt3A_1459, %select_n3A_1087 : vector<16xi32>
      %jit3A_1461 = arith.constant 1 : i32
      %jit3A_1462 = arith.constant 0 : i32
      %broadcast_in_dim3A_1463 = vector.broadcast %jit3A_1461 : i32 to vector<16xi32>
      %broadcast_in_dim3A_1464 = vector.broadcast %jit3A_1462 : i32 to vector<16xi32>
      %select_n3A_1465 = arith.select %gt3A_1460, %broadcast_in_dim3A_1463, %broadcast_in_dim3A_1464 : vector<16xi1>, vector<16xi32>
      %add3A_1466 = arith.addi %add3A_1448, %select_n3A_1465 : vector<16xi32>
      %gt3A_1467 = vector.broadcast %squeeze3A_1458 : i32 to vector<16xi32>
      %gt3A_1468 = arith.cmpi sgt, %gt3A_1467, %select_n3A_1097 : vector<16xi32>
      %jit3A_1469 = arith.constant 1 : i32
      %jit3A_1470 = arith.constant 0 : i32
      %broadcast_in_dim3A_1471 = vector.broadcast %jit3A_1469 : i32 to vector<16xi32>
      %broadcast_in_dim3A_1472 = vector.broadcast %jit3A_1470 : i32 to vector<16xi32>
      %select_n3A_1473 = arith.select %gt3A_1468, %broadcast_in_dim3A_1471, %broadcast_in_dim3A_1472 : vector<16xi1>, vector<16xi32>
      %add3A_1474 = arith.addi %add3A_1456, %select_n3A_1473 : vector<16xi32>
      %slice3A_1475 = vector.extract_strided_slice %select_n3A_1097 {offsets = [5], sizes = [1], strides = [1]} : vector<16xi32> to vector<1xi32>
      %squeeze3A_1476 = vector.extract %slice3A_1475[0] : i32 from vector<1xi32>
      %gt3A_1477 = vector.broadcast %squeeze3A_1476 : i32 to vector<16xi32>
      %gt3A_1478 = arith.cmpi sgt, %gt3A_1477, %select_n3A_1087 : vector<16xi32>
      %jit3A_1479 = arith.constant 1 : i32
      %jit3A_1480 = arith.constant 0 : i32
      %broadcast_in_dim3A_1481 = vector.broadcast %jit3A_1479 : i32 to vector<16xi32>
      %broadcast_in_dim3A_1482 = vector.broadcast %jit3A_1480 : i32 to vector<16xi32>
      %select_n3A_1483 = arith.select %gt3A_1478, %broadcast_in_dim3A_1481, %broadcast_in_dim3A_1482 : vector<16xi1>, vector<16xi32>
      %add3A_1484 = arith.addi %add3A_1466, %select_n3A_1483 : vector<16xi32>
      %gt3A_1485 = vector.broadcast %squeeze3A_1476 : i32 to vector<16xi32>
      %gt3A_1486 = arith.cmpi sgt, %gt3A_1485, %select_n3A_1097 : vector<16xi32>
      %jit3A_1487 = arith.constant 1 : i32
      %jit3A_1488 = arith.constant 0 : i32
      %broadcast_in_dim3A_1489 = vector.broadcast %jit3A_1487 : i32 to vector<16xi32>
      %broadcast_in_dim3A_1490 = vector.broadcast %jit3A_1488 : i32 to vector<16xi32>
      %select_n3A_1491 = arith.select %gt3A_1486, %broadcast_in_dim3A_1489, %broadcast_in_dim3A_1490 : vector<16xi1>, vector<16xi32>
      %add3A_1492 = arith.addi %add3A_1474, %select_n3A_1491 : vector<16xi32>
      %slice3A_1493 = vector.extract_strided_slice %select_n3A_1097 {offsets = [6], sizes = [1], strides = [1]} : vector<16xi32> to vector<1xi32>
      %squeeze3A_1494 = vector.extract %slice3A_1493[0] : i32 from vector<1xi32>
      %gt3A_1495 = vector.broadcast %squeeze3A_1494 : i32 to vector<16xi32>
      %gt3A_1496 = arith.cmpi sgt, %gt3A_1495, %select_n3A_1087 : vector<16xi32>
      %jit3A_1497 = arith.constant 1 : i32
      %jit3A_1498 = arith.constant 0 : i32
      %broadcast_in_dim3A_1499 = vector.broadcast %jit3A_1497 : i32 to vector<16xi32>
      %broadcast_in_dim3A_1500 = vector.broadcast %jit3A_1498 : i32 to vector<16xi32>
      %select_n3A_1501 = arith.select %gt3A_1496, %broadcast_in_dim3A_1499, %broadcast_in_dim3A_1500 : vector<16xi1>, vector<16xi32>
      %add3A_1502 = arith.addi %add3A_1484, %select_n3A_1501 : vector<16xi32>
      %gt3A_1503 = vector.broadcast %squeeze3A_1494 : i32 to vector<16xi32>
      %gt3A_1504 = arith.cmpi sgt, %gt3A_1503, %select_n3A_1097 : vector<16xi32>
      %jit3A_1505 = arith.constant 1 : i32
      %jit3A_1506 = arith.constant 0 : i32
      %broadcast_in_dim3A_1507 = vector.broadcast %jit3A_1505 : i32 to vector<16xi32>
      %broadcast_in_dim3A_1508 = vector.broadcast %jit3A_1506 : i32 to vector<16xi32>
      %select_n3A_1509 = arith.select %gt3A_1504, %broadcast_in_dim3A_1507, %broadcast_in_dim3A_1508 : vector<16xi1>, vector<16xi32>
      %add3A_1510 = arith.addi %add3A_1492, %select_n3A_1509 : vector<16xi32>
      %slice3A_1511 = vector.extract_strided_slice %select_n3A_1097 {offsets = [7], sizes = [1], strides = [1]} : vector<16xi32> to vector<1xi32>
      %squeeze3A_1512 = vector.extract %slice3A_1511[0] : i32 from vector<1xi32>
      %gt3A_1513 = vector.broadcast %squeeze3A_1512 : i32 to vector<16xi32>
      %gt3A_1514 = arith.cmpi sgt, %gt3A_1513, %select_n3A_1087 : vector<16xi32>
      %jit3A_1515 = arith.constant 1 : i32
      %jit3A_1516 = arith.constant 0 : i32
      %broadcast_in_dim3A_1517 = vector.broadcast %jit3A_1515 : i32 to vector<16xi32>
      %broadcast_in_dim3A_1518 = vector.broadcast %jit3A_1516 : i32 to vector<16xi32>
      %select_n3A_1519 = arith.select %gt3A_1514, %broadcast_in_dim3A_1517, %broadcast_in_dim3A_1518 : vector<16xi1>, vector<16xi32>
      %add3A_1520 = arith.addi %add3A_1502, %select_n3A_1519 : vector<16xi32>
      %gt3A_1521 = vector.broadcast %squeeze3A_1512 : i32 to vector<16xi32>
      %gt3A_1522 = arith.cmpi sgt, %gt3A_1521, %select_n3A_1097 : vector<16xi32>
      %jit3A_1523 = arith.constant 1 : i32
      %jit3A_1524 = arith.constant 0 : i32
      %broadcast_in_dim3A_1525 = vector.broadcast %jit3A_1523 : i32 to vector<16xi32>
      %broadcast_in_dim3A_1526 = vector.broadcast %jit3A_1524 : i32 to vector<16xi32>
      %select_n3A_1527 = arith.select %gt3A_1522, %broadcast_in_dim3A_1525, %broadcast_in_dim3A_1526 : vector<16xi1>, vector<16xi32>
      %add3A_1528 = arith.addi %add3A_1510, %select_n3A_1527 : vector<16xi32>
      %slice3A_1529 = vector.extract_strided_slice %select_n3A_1097 {offsets = [8], sizes = [1], strides = [1]} : vector<16xi32> to vector<1xi32>
      %squeeze3A_1530 = vector.extract %slice3A_1529[0] : i32 from vector<1xi32>
      %gt3A_1531 = vector.broadcast %squeeze3A_1530 : i32 to vector<16xi32>
      %gt3A_1532 = arith.cmpi sgt, %gt3A_1531, %select_n3A_1087 : vector<16xi32>
      %jit3A_1533 = arith.constant 1 : i32
      %jit3A_1534 = arith.constant 0 : i32
      %broadcast_in_dim3A_1535 = vector.broadcast %jit3A_1533 : i32 to vector<16xi32>
      %broadcast_in_dim3A_1536 = vector.broadcast %jit3A_1534 : i32 to vector<16xi32>
      %select_n3A_1537 = arith.select %gt3A_1532, %broadcast_in_dim3A_1535, %broadcast_in_dim3A_1536 : vector<16xi1>, vector<16xi32>
      %add3A_1538 = arith.addi %add3A_1520, %select_n3A_1537 : vector<16xi32>
      %gt3A_1539 = vector.broadcast %squeeze3A_1530 : i32 to vector<16xi32>
      %gt3A_1540 = arith.cmpi sgt, %gt3A_1539, %select_n3A_1097 : vector<16xi32>
      %jit3A_1541 = arith.constant 1 : i32
      %jit3A_1542 = arith.constant 0 : i32
      %broadcast_in_dim3A_1543 = vector.broadcast %jit3A_1541 : i32 to vector<16xi32>
      %broadcast_in_dim3A_1544 = vector.broadcast %jit3A_1542 : i32 to vector<16xi32>
      %select_n3A_1545 = arith.select %gt3A_1540, %broadcast_in_dim3A_1543, %broadcast_in_dim3A_1544 : vector<16xi1>, vector<16xi32>
      %add3A_1546 = arith.addi %add3A_1528, %select_n3A_1545 : vector<16xi32>
      %slice3A_1547 = vector.extract_strided_slice %select_n3A_1097 {offsets = [9], sizes = [1], strides = [1]} : vector<16xi32> to vector<1xi32>
      %squeeze3A_1548 = vector.extract %slice3A_1547[0] : i32 from vector<1xi32>
      %gt3A_1549 = vector.broadcast %squeeze3A_1548 : i32 to vector<16xi32>
      %gt3A_1550 = arith.cmpi sgt, %gt3A_1549, %select_n3A_1087 : vector<16xi32>
      %jit3A_1551 = arith.constant 1 : i32
      %jit3A_1552 = arith.constant 0 : i32
      %broadcast_in_dim3A_1553 = vector.broadcast %jit3A_1551 : i32 to vector<16xi32>
      %broadcast_in_dim3A_1554 = vector.broadcast %jit3A_1552 : i32 to vector<16xi32>
      %select_n3A_1555 = arith.select %gt3A_1550, %broadcast_in_dim3A_1553, %broadcast_in_dim3A_1554 : vector<16xi1>, vector<16xi32>
      %add3A_1556 = arith.addi %add3A_1538, %select_n3A_1555 : vector<16xi32>
      %gt3A_1557 = vector.broadcast %squeeze3A_1548 : i32 to vector<16xi32>
      %gt3A_1558 = arith.cmpi sgt, %gt3A_1557, %select_n3A_1097 : vector<16xi32>
      %jit3A_1559 = arith.constant 1 : i32
      %jit3A_1560 = arith.constant 0 : i32
      %broadcast_in_dim3A_1561 = vector.broadcast %jit3A_1559 : i32 to vector<16xi32>
      %broadcast_in_dim3A_1562 = vector.broadcast %jit3A_1560 : i32 to vector<16xi32>
      %select_n3A_1563 = arith.select %gt3A_1558, %broadcast_in_dim3A_1561, %broadcast_in_dim3A_1562 : vector<16xi1>, vector<16xi32>
      %add3A_1564 = arith.addi %add3A_1546, %select_n3A_1563 : vector<16xi32>
      %slice3A_1565 = vector.extract_strided_slice %select_n3A_1097 {offsets = [10], sizes = [1], strides = [1]} : vector<16xi32> to vector<1xi32>
      %squeeze3A_1566 = vector.extract %slice3A_1565[0] : i32 from vector<1xi32>
      %gt3A_1567 = vector.broadcast %squeeze3A_1566 : i32 to vector<16xi32>
      %gt3A_1568 = arith.cmpi sgt, %gt3A_1567, %select_n3A_1087 : vector<16xi32>
      %jit3A_1569 = arith.constant 1 : i32
      %jit3A_1570 = arith.constant 0 : i32
      %broadcast_in_dim3A_1571 = vector.broadcast %jit3A_1569 : i32 to vector<16xi32>
      %broadcast_in_dim3A_1572 = vector.broadcast %jit3A_1570 : i32 to vector<16xi32>
      %select_n3A_1573 = arith.select %gt3A_1568, %broadcast_in_dim3A_1571, %broadcast_in_dim3A_1572 : vector<16xi1>, vector<16xi32>
      %add3A_1574 = arith.addi %add3A_1556, %select_n3A_1573 : vector<16xi32>
      %gt3A_1575 = vector.broadcast %squeeze3A_1566 : i32 to vector<16xi32>
      %gt3A_1576 = arith.cmpi sgt, %gt3A_1575, %select_n3A_1097 : vector<16xi32>
      %jit3A_1577 = arith.constant 1 : i32
      %jit3A_1578 = arith.constant 0 : i32
      %broadcast_in_dim3A_1579 = vector.broadcast %jit3A_1577 : i32 to vector<16xi32>
      %broadcast_in_dim3A_1580 = vector.broadcast %jit3A_1578 : i32 to vector<16xi32>
      %select_n3A_1581 = arith.select %gt3A_1576, %broadcast_in_dim3A_1579, %broadcast_in_dim3A_1580 : vector<16xi1>, vector<16xi32>
      %add3A_1582 = arith.addi %add3A_1564, %select_n3A_1581 : vector<16xi32>
      %slice3A_1583 = vector.extract_strided_slice %select_n3A_1097 {offsets = [11], sizes = [1], strides = [1]} : vector<16xi32> to vector<1xi32>
      %squeeze3A_1584 = vector.extract %slice3A_1583[0] : i32 from vector<1xi32>
      %gt3A_1585 = vector.broadcast %squeeze3A_1584 : i32 to vector<16xi32>
      %gt3A_1586 = arith.cmpi sgt, %gt3A_1585, %select_n3A_1087 : vector<16xi32>
      %jit3A_1587 = arith.constant 1 : i32
      %jit3A_1588 = arith.constant 0 : i32
      %broadcast_in_dim3A_1589 = vector.broadcast %jit3A_1587 : i32 to vector<16xi32>
      %broadcast_in_dim3A_1590 = vector.broadcast %jit3A_1588 : i32 to vector<16xi32>
      %select_n3A_1591 = arith.select %gt3A_1586, %broadcast_in_dim3A_1589, %broadcast_in_dim3A_1590 : vector<16xi1>, vector<16xi32>
      %add3A_1592 = arith.addi %add3A_1574, %select_n3A_1591 : vector<16xi32>
      %gt3A_1593 = vector.broadcast %squeeze3A_1584 : i32 to vector<16xi32>
      %gt3A_1594 = arith.cmpi sgt, %gt3A_1593, %select_n3A_1097 : vector<16xi32>
      %jit3A_1595 = arith.constant 1 : i32
      %jit3A_1596 = arith.constant 0 : i32
      %broadcast_in_dim3A_1597 = vector.broadcast %jit3A_1595 : i32 to vector<16xi32>
      %broadcast_in_dim3A_1598 = vector.broadcast %jit3A_1596 : i32 to vector<16xi32>
      %select_n3A_1599 = arith.select %gt3A_1594, %broadcast_in_dim3A_1597, %broadcast_in_dim3A_1598 : vector<16xi1>, vector<16xi32>
      %add3A_1600 = arith.addi %add3A_1582, %select_n3A_1599 : vector<16xi32>
      %slice3A_1601 = vector.extract_strided_slice %select_n3A_1097 {offsets = [12], sizes = [1], strides = [1]} : vector<16xi32> to vector<1xi32>
      %squeeze3A_1602 = vector.extract %slice3A_1601[0] : i32 from vector<1xi32>
      %gt3A_1603 = vector.broadcast %squeeze3A_1602 : i32 to vector<16xi32>
      %gt3A_1604 = arith.cmpi sgt, %gt3A_1603, %select_n3A_1087 : vector<16xi32>
      %jit3A_1605 = arith.constant 1 : i32
      %jit3A_1606 = arith.constant 0 : i32
      %broadcast_in_dim3A_1607 = vector.broadcast %jit3A_1605 : i32 to vector<16xi32>
      %broadcast_in_dim3A_1608 = vector.broadcast %jit3A_1606 : i32 to vector<16xi32>
      %select_n3A_1609 = arith.select %gt3A_1604, %broadcast_in_dim3A_1607, %broadcast_in_dim3A_1608 : vector<16xi1>, vector<16xi32>
      %add3A_1610 = arith.addi %add3A_1592, %select_n3A_1609 : vector<16xi32>
      %gt3A_1611 = vector.broadcast %squeeze3A_1602 : i32 to vector<16xi32>
      %gt3A_1612 = arith.cmpi sgt, %gt3A_1611, %select_n3A_1097 : vector<16xi32>
      %jit3A_1613 = arith.constant 1 : i32
      %jit3A_1614 = arith.constant 0 : i32
      %broadcast_in_dim3A_1615 = vector.broadcast %jit3A_1613 : i32 to vector<16xi32>
      %broadcast_in_dim3A_1616 = vector.broadcast %jit3A_1614 : i32 to vector<16xi32>
      %select_n3A_1617 = arith.select %gt3A_1612, %broadcast_in_dim3A_1615, %broadcast_in_dim3A_1616 : vector<16xi1>, vector<16xi32>
      %add3A_1618 = arith.addi %add3A_1600, %select_n3A_1617 : vector<16xi32>
      %slice3A_1619 = vector.extract_strided_slice %select_n3A_1097 {offsets = [13], sizes = [1], strides = [1]} : vector<16xi32> to vector<1xi32>
      %squeeze3A_1620 = vector.extract %slice3A_1619[0] : i32 from vector<1xi32>
      %gt3A_1621 = vector.broadcast %squeeze3A_1620 : i32 to vector<16xi32>
      %gt3A_1622 = arith.cmpi sgt, %gt3A_1621, %select_n3A_1087 : vector<16xi32>
      %jit3A_1623 = arith.constant 1 : i32
      %jit3A_1624 = arith.constant 0 : i32
      %broadcast_in_dim3A_1625 = vector.broadcast %jit3A_1623 : i32 to vector<16xi32>
      %broadcast_in_dim3A_1626 = vector.broadcast %jit3A_1624 : i32 to vector<16xi32>
      %select_n3A_1627 = arith.select %gt3A_1622, %broadcast_in_dim3A_1625, %broadcast_in_dim3A_1626 : vector<16xi1>, vector<16xi32>
      %add3A_1628 = arith.addi %add3A_1610, %select_n3A_1627 : vector<16xi32>
      %gt3A_1629 = vector.broadcast %squeeze3A_1620 : i32 to vector<16xi32>
      %gt3A_1630 = arith.cmpi sgt, %gt3A_1629, %select_n3A_1097 : vector<16xi32>
      %jit3A_1631 = arith.constant 1 : i32
      %jit3A_1632 = arith.constant 0 : i32
      %broadcast_in_dim3A_1633 = vector.broadcast %jit3A_1631 : i32 to vector<16xi32>
      %broadcast_in_dim3A_1634 = vector.broadcast %jit3A_1632 : i32 to vector<16xi32>
      %select_n3A_1635 = arith.select %gt3A_1630, %broadcast_in_dim3A_1633, %broadcast_in_dim3A_1634 : vector<16xi1>, vector<16xi32>
      %add3A_1636 = arith.addi %add3A_1618, %select_n3A_1635 : vector<16xi32>
      %slice3A_1637 = vector.extract_strided_slice %select_n3A_1097 {offsets = [14], sizes = [1], strides = [1]} : vector<16xi32> to vector<1xi32>
      %squeeze3A_1638 = vector.extract %slice3A_1637[0] : i32 from vector<1xi32>
      %gt3A_1639 = vector.broadcast %squeeze3A_1638 : i32 to vector<16xi32>
      %gt3A_1640 = arith.cmpi sgt, %gt3A_1639, %select_n3A_1087 : vector<16xi32>
      %jit3A_1641 = arith.constant 1 : i32
      %jit3A_1642 = arith.constant 0 : i32
      %broadcast_in_dim3A_1643 = vector.broadcast %jit3A_1641 : i32 to vector<16xi32>
      %broadcast_in_dim3A_1644 = vector.broadcast %jit3A_1642 : i32 to vector<16xi32>
      %select_n3A_1645 = arith.select %gt3A_1640, %broadcast_in_dim3A_1643, %broadcast_in_dim3A_1644 : vector<16xi1>, vector<16xi32>
      %add3A_1646 = arith.addi %add3A_1628, %select_n3A_1645 : vector<16xi32>
      %gt3A_1647 = vector.broadcast %squeeze3A_1638 : i32 to vector<16xi32>
      %gt3A_1648 = arith.cmpi sgt, %gt3A_1647, %select_n3A_1097 : vector<16xi32>
      %jit3A_1649 = arith.constant 1 : i32
      %jit3A_1650 = arith.constant 0 : i32
      %broadcast_in_dim3A_1651 = vector.broadcast %jit3A_1649 : i32 to vector<16xi32>
      %broadcast_in_dim3A_1652 = vector.broadcast %jit3A_1650 : i32 to vector<16xi32>
      %select_n3A_1653 = arith.select %gt3A_1648, %broadcast_in_dim3A_1651, %broadcast_in_dim3A_1652 : vector<16xi1>, vector<16xi32>
      %add3A_1654 = arith.addi %add3A_1636, %select_n3A_1653 : vector<16xi32>
      %slice3A_1655 = vector.extract_strided_slice %select_n3A_1097 {offsets = [15], sizes = [1], strides = [1]} : vector<16xi32> to vector<1xi32>
      %squeeze3A_1656 = vector.extract %slice3A_1655[0] : i32 from vector<1xi32>
      %gt3A_1657 = vector.broadcast %squeeze3A_1656 : i32 to vector<16xi32>
      %gt3A_1658 = arith.cmpi sgt, %gt3A_1657, %select_n3A_1087 : vector<16xi32>
      %jit3A_1659 = arith.constant 1 : i32
      %jit3A_1660 = arith.constant 0 : i32
      %broadcast_in_dim3A_1661 = vector.broadcast %jit3A_1659 : i32 to vector<16xi32>
      %broadcast_in_dim3A_1662 = vector.broadcast %jit3A_1660 : i32 to vector<16xi32>
      %select_n3A_1663 = arith.select %gt3A_1658, %broadcast_in_dim3A_1661, %broadcast_in_dim3A_1662 : vector<16xi1>, vector<16xi32>
      %add3A_1664 = arith.addi %add3A_1646, %select_n3A_1663 : vector<16xi32>
      %gt3A_1665 = vector.broadcast %squeeze3A_1656 : i32 to vector<16xi32>
      %gt3A_1666 = arith.cmpi sgt, %gt3A_1665, %select_n3A_1097 : vector<16xi32>
      %jit3A_1667 = arith.constant 1 : i32
      %jit3A_1668 = arith.constant 0 : i32
      %broadcast_in_dim3A_1669 = vector.broadcast %jit3A_1667 : i32 to vector<16xi32>
      %broadcast_in_dim3A_1670 = vector.broadcast %jit3A_1668 : i32 to vector<16xi32>
      %select_n3A_1671 = arith.select %gt3A_1666, %broadcast_in_dim3A_1669, %broadcast_in_dim3A_1670 : vector<16xi1>, vector<16xi32>
      %add3A_1672 = arith.addi %add3A_1654, %select_n3A_1671 : vector<16xi32>
      %ge3A = arith.constant 16384 : i32
      %ge3A_1673 = vector.broadcast %ge3A : i32 to vector<16xi32>
      %ge3A_1674 = arith.cmpi sge, %select_n3A_1087, %ge3A_1673 : vector<16xi32>
      %lt3A = arith.constant 5 : i32
      %lt3A_1675 = vector.broadcast %lt3A : i32 to vector<16xi32>
      %lt3A_1676 = arith.cmpi slt, %add3A_1664, %lt3A_1675 : vector<16xi32>
      %and3A_1677 = arith.andi %ge3A_1674, %lt3A_1676 : vector<16xi1>
      %shift_left3A_1678 = arith.constant 13 : i32
      %shift_left3A_1679 = vector.broadcast %shift_left3A_1678 : i32 to vector<16xi32>
      %shift_left3A_1680 = arith.shli %add3A_1664, %shift_left3A_1679 : vector<16xi32>
      %and3A_1681 = arith.constant 8191 : i32
      %and3A_1682 = vector.broadcast %and3A_1681 : i32 to vector<16xi32>
      %and3A_1683 = arith.andi %select_n3A_1087, %and3A_1682 : vector<16xi32>
      %sub3A_1684 = arith.constant 8191 : i32
      %sub3A_1685 = vector.broadcast %sub3A_1684 : i32 to vector<16xi32>
      %sub3A_1686 = arith.subi %sub3A_1685, %and3A_1683 : vector<16xi32>
      %add3A_1687 = arith.addi %shift_left3A_1680, %sub3A_1686 : vector<16xi32>
      %add3A_1688 = arith.constant 1 : i32
      %add3A_1689 = vector.broadcast %add3A_1688 : i32 to vector<16xi32>
      %add3A_1690 = arith.addi %add3A_1687, %add3A_1689 : vector<16xi32>
      %jit3A_1691 = arith.constant 0 : i32
      %broadcast_in_dim3A_1692 = vector.broadcast %jit3A_1691 : i32 to vector<16xi32>
      %select_n3A_1693 = arith.select %and3A_1677, %add3A_1690, %broadcast_in_dim3A_1692 : vector<16xi1>, vector<16xi32>
      %ge3A_1694 = arith.constant 16384 : i32
      %ge3A_1695 = vector.broadcast %ge3A_1694 : i32 to vector<16xi32>
      %ge3A_1696 = arith.cmpi sge, %select_n3A_1097, %ge3A_1695 : vector<16xi32>
      %lt3A_1697 = arith.constant 5 : i32
      %lt3A_1698 = vector.broadcast %lt3A_1697 : i32 to vector<16xi32>
      %lt3A_1699 = arith.cmpi slt, %add3A_1672, %lt3A_1698 : vector<16xi32>
      %and3A_1700 = arith.andi %ge3A_1696, %lt3A_1699 : vector<16xi1>
      %shift_left3A_1701 = arith.constant 13 : i32
      %shift_left3A_1702 = vector.broadcast %shift_left3A_1701 : i32 to vector<16xi32>
      %shift_left3A_1703 = arith.shli %add3A_1672, %shift_left3A_1702 : vector<16xi32>
      %and3A_1704 = arith.constant 8191 : i32
      %and3A_1705 = vector.broadcast %and3A_1704 : i32 to vector<16xi32>
      %and3A_1706 = arith.andi %select_n3A_1097, %and3A_1705 : vector<16xi32>
      %sub3A_1707 = arith.constant 8191 : i32
      %sub3A_1708 = vector.broadcast %sub3A_1707 : i32 to vector<16xi32>
      %sub3A_1709 = arith.subi %sub3A_1708, %and3A_1706 : vector<16xi32>
      %add3A_1710 = arith.addi %shift_left3A_1703, %sub3A_1709 : vector<16xi32>
      %add3A_1711 = arith.constant 1 : i32
      %add3A_1712 = vector.broadcast %add3A_1711 : i32 to vector<16xi32>
      %add3A_1713 = arith.addi %add3A_1710, %add3A_1712 : vector<16xi32>
      %jit3A_1714 = arith.constant 0 : i32
      %broadcast_in_dim3A_1715 = vector.broadcast %jit3A_1714 : i32 to vector<16xi32>
      %select_n3A_1716 = arith.select %and3A_1700, %add3A_1713, %broadcast_in_dim3A_1715 : vector<16xi1>, vector<16xi32>
      %swap3A = arith.index_cast %mul3A_104 : i32 to index
      %swap3A_1717 = tpu.vector_load %arg7[%swap3A] {strides = array<i32>} : memref<1024xi32, #tpu.memory_space<vmem>>, vector<16xi32>,
      %swap3A_1718 = vector.shape_cast %swap3A_1717 : vector<16xi32> to vector<16xi32>
      %swap3A_1719 = vector.shape_cast %select_n3A_1693 : vector<16xi32> to vector<16xi32>
      tpu.vector_store %arg7[%swap3A], %swap3A_1719 {strides = array<i32>} : memref<1024xi32, #tpu.memory_space<vmem>>, vector<16xi32>,
      %add3A_1720 = arith.constant 16 : i32
      %add3A_1721 = arith.addi %mul3A_104, %add3A_1720 : i32
      %swap3A_1722 = arith.index_cast %add3A_1721 : i32 to index
      %swap3A_1723 = tpu.vector_load %arg7[%swap3A_1722] {strides = array<i32>} : memref<1024xi32, #tpu.memory_space<vmem>>, vector<16xi32>,
      %swap3A_1724 = vector.shape_cast %swap3A_1723 : vector<16xi32> to vector<16xi32>
      %swap3A_1725 = vector.shape_cast %select_n3A_1716 : vector<16xi32> to vector<16xi32>
      tpu.vector_store %arg7[%swap3A_1722], %swap3A_1725 {strides = array<i32>} : memref<1024xi32, #tpu.memory_space<vmem>>, vector<16xi32>,
    }
    %scan3A_101 = arith.constant 32 : i32
    "tpu.region"() ({
      %run_scoped3A = tpu.sem_alloc : memref<!tpu.dma_semaphore, #tpu.memory_space<semaphore_mem>>
      %dma_start3A_102 = tpu.memref_slice %arg4[%mul3A_2] : memref<32768xi32, #tpu.memory_space<hbm>> -> memref<1024xi32, #tpu.memory_space<hbm>>
      %dma_start3A_103 = tpu.memref_slice %arg4[%mul3A_2] : memref<32768xi32, #tpu.memory_space<hbm>> -> memref<1024xi32, #tpu.memory_space<hbm>>
      tpu.enqueue_dma source(%arg7 : memref<1024xi32, #tpu.memory_space<vmem>>) target(%dma_start3A_103 : memref<1024xi32, #tpu.memory_space<hbm>>) target_semaphore(%run_scoped3A : memref<!tpu.dma_semaphore, #tpu.memory_space<semaphore_mem>>)
      %dma_wait3A_104 = tpu.memref_slice %arg4[%mul3A_2] : memref<32768xi32, #tpu.memory_space<hbm>> -> memref<1024xi32, #tpu.memory_space<hbm>>
      %dma_wait3A_105 = tpu.memref_slice %arg4[%mul3A_2] : memref<32768xi32, #tpu.memory_space<hbm>> -> memref<1024xi32, #tpu.memory_space<hbm>>
      tpu.wait_dma2 semaphore(%run_scoped3A : memref<!tpu.dma_semaphore, #tpu.memory_space<semaphore_mem>>) src(%arg7 : memref<1024xi32, #tpu.memory_space<vmem>>) dst(%dma_wait3A_105 : memref<1024xi32, #tpu.memory_space<hbm>>)
      tpu.yield
    }) : () -> ()
    return
  }
}

module attributes {stable_mosaic.version = 14 : i64} {
  func.func @body(%arg0: i32, %arg1: memref<128x32xi32, #tpu.memory_space<vmem>>, %arg2: memref<128x5008xi32, #tpu.memory_space<vmem>>, %arg3: memref<128x5008xi32, #tpu.memory_space<vmem>>, %arg4: memref<128x5008xi32, #tpu.memory_space<vmem>>, %arg5: memref<128x5008xi32, #tpu.memory_space<vmem>>, %arg6: memref<128x5008xi32, #tpu.memory_space<vmem>>) attributes {dimension_semantics = [#tpu.dimension_semantics<arbitrary>], iteration_bounds = array<i64: 8>, scalar_prefetch = 0 : i64, scratch_operands = 0 : i64, tpu.core_type = #tpu.core_type<tc>, window_params = [{transform_indices = @transform_0, window_bounds = array<i64: 128, 32>}, {transform_indices = @transform_1, window_bounds = array<i64: 128, 5008>}, {transform_indices = @transform_2, window_bounds = array<i64: 128, 5008>}, {transform_indices = @transform_3, window_bounds = array<i64: 128, 5008>}, {transform_indices = @transform_4, window_bounds = array<i64: 128, 5008>}, {transform_indices = @transform_5, window_bounds = array<i64: 128, 5008>}]} {
    %get3A = arith.constant 0 : index
    %get3A_0 = arith.constant 0 : index
    %get3A_1 = vector.load %arg1[%get3A, %get3A_0] : memref<128x32xi32, #tpu.memory_space<vmem>>, vector<128x32xi32>
    %sub3A = arith.constant 1 : i32
    %sub3A_2 = vector.broadcast %sub3A : i32 to vector<128x32xi32>
    %sub3A_3 = arith.subi %get3A_1, %sub3A_2 : vector<128x32xi32>
    %shift_right_arithmetic3A = arith.constant 13 : i32
    %shift_right_arithmetic3A_4 = vector.broadcast %shift_right_arithmetic3A : i32 to vector<128x32xi32>
    %shift_right_arithmetic3A_5 = arith.shrsi %sub3A_3, %shift_right_arithmetic3A_4 : vector<128x32xi32>
    %and3A = arith.constant 8191 : i32
    %and3A_6 = vector.broadcast %and3A : i32 to vector<128x32xi32>
    %and3A_7 = arith.andi %sub3A_3, %and3A_6 : vector<128x32xi32>
    %add3A = arith.constant 1 : i32
    %add3A_8 = vector.broadcast %add3A : i32 to vector<128x32xi32>
    %add3A_9 = arith.addi %and3A_7, %add3A_8 : vector<128x32xi32>
    %iota3A = tpu.iota {dimensions = array<i32: 1>} : vector<128x5008xi32>
    %eq3A = arith.constant 0 : i32
    %eq3A_10 = vector.broadcast %eq3A : i32 to vector<128x32xi32>
    %eq3A_11 = arith.cmpi eq, %shift_right_arithmetic3A_5, %eq3A_10 : vector<128x32xi32>
    %jit3A = arith.constant 0 : i32
    %broadcast_in_dim3A = vector.broadcast %jit3A : i32 to vector<128x32xi32>
    %select_n3A = arith.select %eq3A_11, %add3A_9, %broadcast_in_dim3A : vector<128x32xi1>, vector<128x32xi32>
    %reduce_sum3A = arith.constant dense<0> : vector<128xi32>
    %reduce_sum3A_12 = vector.multi_reduction <add>, %select_n3A, %reduce_sum3A [1] : vector<128x32xi32> to vector<128xi32>
    %broadcast_in_dim3A_13 = vector.shape_cast %reduce_sum3A_12 : vector<128xi32> to vector<128x1xi32>
    %sub3A_14 = arith.constant 1 : i32
    %sub3A_15 = vector.broadcast %sub3A_14 : i32 to vector<128x1xi32>
    %sub3A_16 = arith.subi %broadcast_in_dim3A_13, %sub3A_15 : vector<128x1xi32>
    %eq3A_17 = vector.broadcast %sub3A_16 : vector<128x1xi32> to vector<128x5008xi32>
    %eq3A_18 = arith.cmpi eq, %iota3A, %eq3A_17 : vector<128x5008xi32>
    %jit3A_19 = arith.constant 1 : i32
    %jit3A_20 = arith.constant -1 : i32
    %broadcast_in_dim3A_21 = vector.broadcast %jit3A_19 : i32 to vector<128x5008xi32>
    %broadcast_in_dim3A_22 = vector.broadcast %jit3A_20 : i32 to vector<128x5008xi32>
    %select_n3A_23 = arith.select %eq3A_18, %broadcast_in_dim3A_21, %broadcast_in_dim3A_22 : vector<128x5008xi1>, vector<128x5008xi32>
    %swap3A = arith.constant 0 : index
    %swap3A_24 = arith.constant 0 : index
    %swap3A_25 = vector.load %arg2[%swap3A, %swap3A_24] : memref<128x5008xi32, #tpu.memory_space<vmem>>, vector<128x5008xi32>
    tpu.vector_store %arg2[%swap3A, %swap3A_24], %select_n3A_23 {strides = array<i32>} : memref<128x5008xi32, #tpu.memory_space<vmem>>, vector<128x5008xi32>,
    %eq3A_26 = arith.constant 1 : i32
    %eq3A_27 = vector.broadcast %eq3A_26 : i32 to vector<128x32xi32>
    %eq3A_28 = arith.cmpi eq, %shift_right_arithmetic3A_5, %eq3A_27 : vector<128x32xi32>
    %jit3A_29 = arith.constant 0 : i32
    %broadcast_in_dim3A_30 = vector.broadcast %jit3A_29 : i32 to vector<128x32xi32>
    %select_n3A_31 = arith.select %eq3A_28, %add3A_9, %broadcast_in_dim3A_30 : vector<128x32xi1>, vector<128x32xi32>
    %reduce_sum3A_32 = arith.constant dense<0> : vector<128xi32>
    %reduce_sum3A_33 = vector.multi_reduction <add>, %select_n3A_31, %reduce_sum3A_32 [1] : vector<128x32xi32> to vector<128xi32>
    %broadcast_in_dim3A_34 = vector.shape_cast %reduce_sum3A_33 : vector<128xi32> to vector<128x1xi32>
    %sub3A_35 = arith.constant 1 : i32
    %sub3A_36 = vector.broadcast %sub3A_35 : i32 to vector<128x1xi32>
    %sub3A_37 = arith.subi %broadcast_in_dim3A_34, %sub3A_36 : vector<128x1xi32>
    %eq3A_38 = vector.broadcast %sub3A_37 : vector<128x1xi32> to vector<128x5008xi32>
    %eq3A_39 = arith.cmpi eq, %iota3A, %eq3A_38 : vector<128x5008xi32>
    %jit3A_40 = arith.constant 1 : i32
    %jit3A_41 = arith.constant -1 : i32
    %broadcast_in_dim3A_42 = vector.broadcast %jit3A_40 : i32 to vector<128x5008xi32>
    %broadcast_in_dim3A_43 = vector.broadcast %jit3A_41 : i32 to vector<128x5008xi32>
    %select_n3A_44 = arith.select %eq3A_39, %broadcast_in_dim3A_42, %broadcast_in_dim3A_43 : vector<128x5008xi1>, vector<128x5008xi32>
    %swap3A_45 = arith.constant 0 : index
    %swap3A_46 = arith.constant 0 : index
    %swap3A_47 = vector.load %arg3[%swap3A_45, %swap3A_46] : memref<128x5008xi32, #tpu.memory_space<vmem>>, vector<128x5008xi32>
    tpu.vector_store %arg3[%swap3A_45, %swap3A_46], %select_n3A_44 {strides = array<i32>} : memref<128x5008xi32, #tpu.memory_space<vmem>>, vector<128x5008xi32>,
    %eq3A_48 = arith.constant 2 : i32
    %eq3A_49 = vector.broadcast %eq3A_48 : i32 to vector<128x32xi32>
    %eq3A_50 = arith.cmpi eq, %shift_right_arithmetic3A_5, %eq3A_49 : vector<128x32xi32>
    %jit3A_51 = arith.constant 0 : i32
    %broadcast_in_dim3A_52 = vector.broadcast %jit3A_51 : i32 to vector<128x32xi32>
    %select_n3A_53 = arith.select %eq3A_50, %add3A_9, %broadcast_in_dim3A_52 : vector<128x32xi1>, vector<128x32xi32>
    %reduce_sum3A_54 = arith.constant dense<0> : vector<128xi32>
    %reduce_sum3A_55 = vector.multi_reduction <add>, %select_n3A_53, %reduce_sum3A_54 [1] : vector<128x32xi32> to vector<128xi32>
    %broadcast_in_dim3A_56 = vector.shape_cast %reduce_sum3A_55 : vector<128xi32> to vector<128x1xi32>
    %sub3A_57 = arith.constant 1 : i32
    %sub3A_58 = vector.broadcast %sub3A_57 : i32 to vector<128x1xi32>
    %sub3A_59 = arith.subi %broadcast_in_dim3A_56, %sub3A_58 : vector<128x1xi32>
    %eq3A_60 = vector.broadcast %sub3A_59 : vector<128x1xi32> to vector<128x5008xi32>
    %eq3A_61 = arith.cmpi eq, %iota3A, %eq3A_60 : vector<128x5008xi32>
    %jit3A_62 = arith.constant 1 : i32
    %jit3A_63 = arith.constant -1 : i32
    %broadcast_in_dim3A_64 = vector.broadcast %jit3A_62 : i32 to vector<128x5008xi32>
    %broadcast_in_dim3A_65 = vector.broadcast %jit3A_63 : i32 to vector<128x5008xi32>
    %select_n3A_66 = arith.select %eq3A_61, %broadcast_in_dim3A_64, %broadcast_in_dim3A_65 : vector<128x5008xi1>, vector<128x5008xi32>
    %swap3A_67 = arith.constant 0 : index
    %swap3A_68 = arith.constant 0 : index
    %swap3A_69 = vector.load %arg4[%swap3A_67, %swap3A_68] : memref<128x5008xi32, #tpu.memory_space<vmem>>, vector<128x5008xi32>
    tpu.vector_store %arg4[%swap3A_67, %swap3A_68], %select_n3A_66 {strides = array<i32>} : memref<128x5008xi32, #tpu.memory_space<vmem>>, vector<128x5008xi32>,
    %eq3A_70 = arith.constant 3 : i32
    %eq3A_71 = vector.broadcast %eq3A_70 : i32 to vector<128x32xi32>
    %eq3A_72 = arith.cmpi eq, %shift_right_arithmetic3A_5, %eq3A_71 : vector<128x32xi32>
    %jit3A_73 = arith.constant 0 : i32
    %broadcast_in_dim3A_74 = vector.broadcast %jit3A_73 : i32 to vector<128x32xi32>
    %select_n3A_75 = arith.select %eq3A_72, %add3A_9, %broadcast_in_dim3A_74 : vector<128x32xi1>, vector<128x32xi32>
    %reduce_sum3A_76 = arith.constant dense<0> : vector<128xi32>
    %reduce_sum3A_77 = vector.multi_reduction <add>, %select_n3A_75, %reduce_sum3A_76 [1] : vector<128x32xi32> to vector<128xi32>
    %broadcast_in_dim3A_78 = vector.shape_cast %reduce_sum3A_77 : vector<128xi32> to vector<128x1xi32>
    %sub3A_79 = arith.constant 1 : i32
    %sub3A_80 = vector.broadcast %sub3A_79 : i32 to vector<128x1xi32>
    %sub3A_81 = arith.subi %broadcast_in_dim3A_78, %sub3A_80 : vector<128x1xi32>
    %eq3A_82 = vector.broadcast %sub3A_81 : vector<128x1xi32> to vector<128x5008xi32>
    %eq3A_83 = arith.cmpi eq, %iota3A, %eq3A_82 : vector<128x5008xi32>
    %jit3A_84 = arith.constant 1 : i32
    %jit3A_85 = arith.constant -1 : i32
    %broadcast_in_dim3A_86 = vector.broadcast %jit3A_84 : i32 to vector<128x5008xi32>
    %broadcast_in_dim3A_87 = vector.broadcast %jit3A_85 : i32 to vector<128x5008xi32>
    %select_n3A_88 = arith.select %eq3A_83, %broadcast_in_dim3A_86, %broadcast_in_dim3A_87 : vector<128x5008xi1>, vector<128x5008xi32>
    %swap3A_89 = arith.constant 0 : index
    %swap3A_90 = arith.constant 0 : index
    %swap3A_91 = vector.load %arg5[%swap3A_89, %swap3A_90] : memref<128x5008xi32, #tpu.memory_space<vmem>>, vector<128x5008xi32>
    tpu.vector_store %arg5[%swap3A_89, %swap3A_90], %select_n3A_88 {strides = array<i32>} : memref<128x5008xi32, #tpu.memory_space<vmem>>, vector<128x5008xi32>,
    %eq3A_92 = arith.constant 4 : i32
    %eq3A_93 = vector.broadcast %eq3A_92 : i32 to vector<128x32xi32>
    %eq3A_94 = arith.cmpi eq, %shift_right_arithmetic3A_5, %eq3A_93 : vector<128x32xi32>
    %jit3A_95 = arith.constant 0 : i32
    %broadcast_in_dim3A_96 = vector.broadcast %jit3A_95 : i32 to vector<128x32xi32>
    %select_n3A_97 = arith.select %eq3A_94, %add3A_9, %broadcast_in_dim3A_96 : vector<128x32xi1>, vector<128x32xi32>
    %reduce_sum3A_98 = arith.constant dense<0> : vector<128xi32>
    %reduce_sum3A_99 = vector.multi_reduction <add>, %select_n3A_97, %reduce_sum3A_98 [1] : vector<128x32xi32> to vector<128xi32>
    %broadcast_in_dim3A_100 = vector.shape_cast %reduce_sum3A_99 : vector<128xi32> to vector<128x1xi32>
    %sub3A_101 = arith.constant 1 : i32
    %sub3A_102 = vector.broadcast %sub3A_101 : i32 to vector<128x1xi32>
    %sub3A_103 = arith.subi %broadcast_in_dim3A_100, %sub3A_102 : vector<128x1xi32>
    %eq3A_104 = vector.broadcast %sub3A_103 : vector<128x1xi32> to vector<128x5008xi32>
    %eq3A_105 = arith.cmpi eq, %iota3A, %eq3A_104 : vector<128x5008xi32>
    %jit3A_106 = arith.constant 1 : i32
    %jit3A_107 = arith.constant -1 : i32
    %broadcast_in_dim3A_108 = vector.broadcast %jit3A_106 : i32 to vector<128x5008xi32>
    %broadcast_in_dim3A_109 = vector.broadcast %jit3A_107 : i32 to vector<128x5008xi32>
    %select_n3A_110 = arith.select %eq3A_105, %broadcast_in_dim3A_108, %broadcast_in_dim3A_109 : vector<128x5008xi1>, vector<128x5008xi32>
    %swap3A_111 = arith.constant 0 : index
    %swap3A_112 = arith.constant 0 : index
    %swap3A_113 = vector.load %arg6[%swap3A_111, %swap3A_112] : memref<128x5008xi32, #tpu.memory_space<vmem>>, vector<128x5008xi32>
    tpu.vector_store %arg6[%swap3A_111, %swap3A_112], %select_n3A_110 {strides = array<i32>} : memref<128x5008xi32, #tpu.memory_space<vmem>>, vector<128x5008xi32>,
    return
  }
  func.func @transform_0(%arg0: i32) -> (i32, i32) {
    %c0_i32 = arith.constant 0 : i32
    %c0_i32_0 = arith.constant 0 : i32
    return %arg0, %c0_i32 : i32, i32
  }
  func.func @transform_1(%arg0: i32) -> (i32, i32) {
    %c0_i32 = arith.constant 0 : i32
    %c0_i32_0 = arith.constant 0 : i32
    return %arg0, %c0_i32 : i32, i32
  }
  func.func @transform_2(%arg0: i32) -> (i32, i32) {
    %c0_i32 = arith.constant 0 : i32
    %c0_i32_0 = arith.constant 0 : i32
    return %arg0, %c0_i32 : i32, i32
  }
  func.func @transform_3(%arg0: i32) -> (i32, i32) {
    %c0_i32 = arith.constant 0 : i32
    %c0_i32_0 = arith.constant 0 : i32
    return %arg0, %c0_i32 : i32, i32
  }
  func.func @transform_4(%arg0: i32) -> (i32, i32) {
    %c0_i32 = arith.constant 0 : i32
    %c0_i32_0 = arith.constant 0 : i32
    return %arg0, %c0_i32 : i32, i32
  }
  func.func @transform_5(%arg0: i32) -> (i32, i32) {
    %c0_i32 = arith.constant 0 : i32
    %c0_i32_0 = arith.constant 0 : i32
    return %arg0, %c0_i32 : i32, i32
  }
}

</mosaic_0001>

<sc_bundles>
// kernel: kernel.4.cloned.1.call-start
scs
__scs_entry_jumppad:
0x0: {  	(pc) =	sbr.rel $0x88, $3  }
0x1: {  	(tag) =	ssettag $0x0;
	lr =	simm.s32 $0x1  }
0x2: {  	[smem:$0x3F9F] =	sst lr;
	_ =	strace $0xD0000000  }
0x3: {  	_ = 	snop  }
0x4: {  	_ = 	snop  }
0x5: {  	_ = 	snop  }
0x6: {  	_ = 	snop  }
0x7: {  	_ = 	snop  }
__scs_overlays_trampoline_lowered:
0x8: {  	[smem:$0x3FAE] =	sst s0  }
0x9: {  	[smem:$0x3FAF] =	sst s1  }
0xa: {  	[smem:$0x3FB0] =	sst s2  }
0xb: {  	[smem:$0x3FB1] =	sst s3  }
0xc: {  	[smem:$0x3FB2] =	sst s4  }
0xd: {  	[smem:$0x3FB3] =	sst s5  }
0xe: {  	[smem:$0x3FB4] =	sst s6  }
0xf: {  	[smem:$0x3FB5] =	sst s7  }
0x10: {  	[smem:$0x3FB6] =	sst s8  }
0x11: {  	[smem:$0x3FB7] =	sst s9;
	s0 =	simm.s32 @!p0 $0x0  }
0x12: {  	s1 =	sld [smem:$0x3F9D];
	s0 =	simm.s32 @p0 $0x1  }
0x13: {  	[smem:$0x3FB8] =	sst s0;
	s0 =	simm.s32 @!p1 $0x0  }
0x14: {  	s2 =	sld [smem:$0x3F9C];
	s0 =	simm.s32 @p1 $0x1  }
0x15: {  	[smem:$0x3FB9] =	sst s0;
	s0 =	simm.s32 @!p2 $0x0  }
0x16: {  	s3 =	sld [smem:$0x3FDB];
	s0 =	simm.s32 @p2 $0x1  }
0x17: {  	s4 =	simm.s32 $0x1BF5;
	[smem:$0x3FBB] =	sst s0  }
0x18: {  	s0 =	sld [smem:$0x3F9E];
	_ =	swait.ge [sflag:s4], $0x0  }
0x19: {  	s7 =	sld [smem:$0x3F9F]  }
0x1a: {  	s8 =	sadd.s32 $0xFFFFE003, lr  }
0x1b: {  	s9 =	sadd.s32 $0xFFFFFEF7, lr;
	s5 =	simm.s32 $0xFFFFFFFF;
	p2 =	slt.u32 s8, $0xFFFFF086  }
0x1c: {  	p1 =	slt.u32 s9, $0xF7A;
	s5 =	simm.s32 @!p2 $0x0  }
0x1d: {  	s5 =	simm.s32 @p1 $0x1;
	p0 =	seq.s32 s7, s2  }
0x1e: {  	s7 =	smul.u32 @!p0 $0xF7A, s2;
	p2 =	seq.s32 @!p0 s5, $0x0  }
0x1f: {  	s9 =	smul.u32 $0xF7A, s1;
	s8 =	simm.s32 @!p0 $0x1BF5;
	p2 =	por !p2, p0  }
0x20: {  	[sflag:s8] =	ssyncset.s32 @!p0 $0xFFFFF086;
	s6 =	sadd.s32 @!p0 s3, s7;
	s7 =	simm.s32 @!p0 $0x108  }
0x21: {  	s3 =	sadd.s32 s3, s9;
	s6 =	sadd.s32 @!p0 $0x88, s6;
	s7 =	simm.s32 @p2 $0x1082  }
0x22: {  	[simem:s7], [sflag:s8] =	dma.local @!p0 [hbm:s6], $0xF7A  }
0x23: {  	s9 =	sor.u32 $0xD0000000, s2;
	s6 =	simm.s32 $0x108;
	_ =	swait.ge @!p0 [sflag:s8], $0x0  }
0x24: {  	s3 =	sadd.s32 $0x88, s3;
	s6 =	simm.s32 @!p1 $0x1082;
	[sflag:s4] =	ssyncset.s32 $0xFFFFF086  }
0x25: {  	[simem:s6], [sflag:s4] =	dma.local [hbm:s3], $0xF7A  }
0x26: {  	[smem:$0x3F9F] =	sst s1;
	(tag) =	ssettag s2;
	_ =	strace s9  }
0x27: {  	s1 =	sld [smem:$0x3FAF]  }
0x28: {  	s2 =	sld [smem:$0x3FB0]  }
0x29: {  	s4 =	sld [smem:$0x3FB2]  }
0x2a: {  	p0 =	seq.s32 s5, $0x0;
	s5 =	sld [smem:$0x3FB3]  }
0x2b: {  	s6 =	sld [smem:$0x3FB4]  }
0x2c: {  	s7 =	sld [smem:$0x3FB5]  }
0x2d: {  	s3 =	simm.s32 $0x108;
	s8 =	sld [smem:$0x3FB6]  }
0x2e: {  	s3 =	simm.s32 @!p0 $0x1082;
	s9 =	sld [smem:$0x3FB7]  }
0x2f: {  	lr =	sadd.s32 s0, s3;
	s0 =	sld [smem:$0x3FAE]  }
0x30: {  	s3 =	sld [smem:$0x3FB1]  }
0x31: {  	[smem:$0x3FBA] =	sst s10  }
0x32: {  	s10 =	sld [smem:$0x3FB8];
	_ =	sdelay $0x3  }
0x33: {  	p0 =	seq.s32 s10, $0x1;
	s10 =	sld [smem:$0x3FBA];
	_ =	sdelay $0x3  }
0x34: {  	[smem:$0x3FBA] =	sst s10  }
0x35: {  	s10 =	sld [smem:$0x3FB9];
	_ =	sdelay $0x3  }
0x36: {  	p1 =	seq.s32 s10, $0x1;
	s10 =	sld [smem:$0x3FBA];
	_ =	sdelay $0x3  }
0x37: {  	[smem:$0x3FBA] =	sst s10  }
0x38: {  	s10 =	sld [smem:$0x3FBB]  }
0x39: {  	_ = 	snop;
	(pc) =	sbr.ind lr, $3  }
0x3a: {  	_ = 	snop  }
0x3b: {  	_ = 	snop  }
0x3c: {  	p2 =	seq.s32 s10, $0x1;
	s10 =	sld [smem:$0x3FBA]  }
0x3d: {  	_ =	shalt  }
0x3e: {  	_ =	shalt  }
0x3f: {  	_ =	shalt  }
0x40: {  	_ =	shalt  }
0x41: {  	_ =	shalt  }
0x42: {  	_ =	shalt  }
0x43: {  	_ =	shalt  }
0x44: {  	_ =	shalt  }
0x45: {  	_ =	shalt  }
0x46: {  	_ =	shalt  }
0x47: {  	_ =	shalt  }
0x48: {  	_ =	shalt  }
0x49: {  	_ =	shalt  }
0x4a: {  	_ =	shalt  }
0x4b: {  	_ =	shalt  }
0x4c: {  	_ =	shalt  }
0x4d: {  	_ =	shalt  }
0x4e: {  	_ =	shalt  }
0x4f: {  	_ =	shalt  }
0x50: {  	_ =	shalt  }
0x51: {  	_ =	shalt  }
0x52: {  	_ =	shalt  }
0x53: {  	_ =	shalt  }
0x54: {  	_ =	shalt  }
0x55: {  	_ =	shalt  }
0x56: {  	_ =	shalt  }
0x57: {  	_ =	shalt  }
0x58: {  	_ =	shalt  }
0x59: {  	_ =	shalt  }
0x5a: {  	_ =	shalt  }
0x5b: {  	_ =	shalt  }
0x5c: {  	_ =	shalt  }
0x5d: {  	_ =	shalt  }
0x5e: {  	_ =	shalt  }
0x5f: {  	_ =	shalt  }
0x60: {  	_ =	shalt  }
0x61: {  	_ =	shalt  }
0x62: {  	_ =	shalt  }
0x63: {  	_ =	shalt  }
0x64: {  	_ =	shalt  }
0x65: {  	_ =	shalt  }
0x66: {  	_ =	shalt  }
0x67: {  	_ =	shalt  }
0x68: {  	_ =	shalt  }
0x69: {  	_ =	shalt  }
0x6a: {  	_ =	shalt  }
0x6b: {  	_ =	shalt  }
0x6c: {  	_ =	shalt  }
0x6d: {  	_ =	shalt  }
0x6e: {  	_ =	shalt  }
0x6f: {  	_ =	shalt  }
0x70: {  	_ =	shalt  }
0x71: {  	_ =	shalt  }
0x72: {  	_ =	shalt  }
0x73: {  	_ =	shalt  }
0x74: {  	_ =	shalt  }
0x75: {  	_ =	shalt  }
0x76: {  	_ =	shalt  }
0x77: {  	_ =	shalt  }
0x78: {  	_ =	shalt  }
0x79: {  	_ =	shalt  }
0x7a: {  	_ =	shalt  }
0x7b: {  	_ =	shalt  }
0x7c: {  	_ =	shalt  }
0x7d: {  	_ =	shalt  }
0x7e: {  	_ =	shalt  }
0x7f: {  	_ =	shalt  }
0x80: {  	_ =	shalt  }
0x81: {  	_ =	shalt  }
0x82: {  	_ =	shalt  }
0x83: {  	_ =	shalt  }
0x84: {  	_ =	shalt  }
0x85: {  	_ =	shalt  }
0x86: {  	_ =	shalt  }
0x87: {  	_ =	shalt  }
.Lfunc_end0:
.L_simem_size_0:
called_computation_lowered:
.L_overlay_start_0:
0x88: {  	s2 =	sld [smem:$0x3FD9]  }
0x89: {  	s3 =	sld [smem:$0x3FFE];
	_ =	sdelay $0x1  }
0x8a: {  	s1 =	srdreg.scid  }
0x8b: {  	s0 =	sand.u32 $0x1, s1  }
0x8c: {  	s15 =	sshll.u32 s0, $0xA;
	s2 =	sadd.s32 s3, s2  }
0x8d: {  	s2 =	sadd.s32 s2, s15  }
0x8e: {  	[smem:$0x3FC6] =	sst s2  }
0x8f: {  	_ = 	snop  }
0x90: {  	s2 =	sld [smem:$0x3FD0];
	_ =	sdelay $0x2  }
0x91: {  	s4 =	simm.s32 $0xA;
	s5 =	simm.s32 $0x10;
	s16 =	sld [smem:$0x3FC8]  }
0x92: {  	[smem:s5], [sflag:s4] =	dma.local [hbm:s2], $0x1  }
0x93: {  	_ =	swait.eq [sflag:s4], $0x1  }
0x94: {  	[sflag:s4] =	ssyncset.done $0x0  }
0x95: {  	s17 =	sld [smem:$0x13];
	[sflag:s4] =	ssyncadd.s32 $0xFFFFFFFF  }
0x96: {  	s18 =	sld [smem:$0x14];
	(tm) =	ssettm $0x1  }
0x97: {  	s19 =	sld [smem:$0x3FFB];
	_ =	sdelay $0x3  }
0x98: {  	_ =	strace s19  }
0x99: {  	s5 =	sld [smem:$0x3FFC];
	_ =	sdelay $0x3  }
0x9a: {  	_ =	strace s5  }
0x9b: {  	s5 =	sld [smem:$0x3FFD];
	_ =	sdelay $0x3  }
0x9c: {  	_ =	strace s5  }
0x9d: {  	_ =	strace $0x8FFFFFFF  }
0x9e: {  	s20 =	sld [smem:$0x3FDB];
	_ =	sdelay $0x1  }
0x9f: {  	s6 =	simm.s32 $_scs_section_size  }
0xa0: {  	s7 =	simm.s32 $_size__tile_overlayer_lowered;
	s8 =	simm.s32 $_tile_overlayer_lowered  }
0xa1: {  	s23 =	simm.s32 $0x1BFF;
	s22 =	sshll.u32 s8, $0x1;
	s5 =	sadd.s32 s6, s20  }
0xa2: {  	s9 =	simm.s32 $0x0;
	s21 =	sshll.u32 s7, $0x1;
	s7 =	sadd.s32 s22, s5  }
0xa3: {  	[timem:s9], [sflag:s23] =	dma.local [hbm:s7], s21  }
0xa4: {  	_ =	swait.ge [sflag:s23], s21  }
0xa5: {  	s6 =	ssub.s32 $0x0, s21;
	[sflag:s23] =	ssyncset.done $0x0  }
0xa6: {  	[sflag:s23] =	ssyncadd.s32 s6;
	_ =	sdelay $0x1  }
0xa7: {  	s24 =	simm.s32 $0x1B8B  }
0xa8: {  	_ =	swait.ge [sflag:s24], $0x1  }
0xa9: {  	[sflag:s24] =	ssyncset.done $0x0  }
0xaa: {  	s25 =	simm.s32 $0x1B8E;
	[sflag:s24] =	ssyncadd.s32 $0xFFFFFFFF  }
0xab: {  	s26 =	simm.s32 $execute0_lowered;
	[smem:$0x3FD2] =	sst s25  }
0xac: {  	s6 =	sshll.u32 s26, $0x1;
	_ =	strace $0x80000046;
	[dreg:$0x1] =	wrdreg $0xFFFFFFFF  }
0xad: {  	s28 =	simm.s32 $_size_execute0_lowered;
	s5 =	sadd.s32 s5, s6;
	[dreg:$0x0] =	wrdreg $0x0  }
0xae: {  	s6 =	sshll.u32 s28, $0x1;
	[dreg:$0x2] =	wrdreg s5  }
0xaf: {  	[dreg:$0x3] =	wrdreg s6  }
0xb0: {  	[dreg:$0x4] =	wrdreg $0xC0  }
0xb1: {  	_ =	task [dreg:s9], $0x5FFFF  }
0xb2: {  	[dreg:$0x1] =	wrdreg $0xFFFFFFFF  }
0xb3: {  	[dreg:$0x0] =	wrdreg $0x60  }
0xb4: {  	[dreg:$0x2] =	wrdreg s18  }
0xb5: {  	[dreg:$0x3] =	wrdreg s16  }
0xb6: {  	[dreg:$0x4] =	wrdreg s17  }
0xb7: {  	[dreg:$0x5] =	wrdreg $0x9  }
0xb8: {  	_ =	task.clear_ibuf [dreg:s9], $0x6FFFF;
	_ =	strace $0x90000046  }
0xb9: {  	s29 =	simm.s32 $0x9;
	_ =	strace $0x80000048  }
0xba: {  	_ =	swait.ge [sflag:s29], $0x1  }
0xbb: {  	[sflag:s29] =	ssyncadd.s32 $0xFFFFFFFF  }
0xbc: {  	_ =	strace $0x90000048  }
0xbd: {  	_ =	sfence  }
0xbe: {  	s30 =	sld [smem:$0x0];
	_ =	sdelay $0x2  }
0xbf: {  	s31 =	sshll.u32 s1, $0xD;
	s1 =	sshrl.u32 s1, $0x2  }
0xc0: {  	s3 =	sand.u32 $0x4000, s31;
	s1 =	sadd.s32 s1, s30  }
0xc1: {  	s0 =	sor.u32 s3, s0;
	s1 =	sshll.u32 s1, $0x11  }
0xc2: {  	s0 =	sor.u32 s1, s0  }
0xc3: {  	s0 =	sadd.s32 $0x8F2B, s0  }
0xc4: {  	[sflag:s0] =	ssyncadd.remote.s32 $0x1  }
0xc5: {  	_ =	sfence.sel $0xFFFF  }
0xc6: {  	[dreg:$0x0] =	wrdreg $0xFFFFFFFF;
	(pc) =	sbr.abs _section_cstart, $3  }
0xc7: {  	[dreg:$0x1] =	wrdreg $0xFFFFFFFF  }
0xc8: {  	_ =	task.clear_ibuf [dreg:s9], $0x2FFFF;
	_ =	strace $0x9FFFFFFF  }
0xc9: {  	(tm) =	ssettm $0x7FFFFFFF  }
tec
execute0_lowered:
.L_overlay_start_1:
0x0: {  	(tag) =	ssettag $0x1  }
0x1: {  	s4 =	rddreg [dreg:$0x0]  }
0x2: {  	s1 =	rddreg [dreg:$0x1]  }
0x3: {  	s5 =	rddreg [dreg:$0x2]  }
0x4: {  	s0 =	rddreg [dreg:$0x3];
	s6 =	srdreg.scid  }
0x5: {  	s3 =	simm.s32 $0x0;
	s2 =	stileid.u32;
	s10 =	simm.s32 $0x480  }
0x6: {  	s11 =	simm.s32 $0x100;
	s12 =	simm.s32 $0x500;
	s13 =	simm.s32 $0x180  }
0x7: {  	s14 =	simm.s32 $0x580;
	s15 =	simm.s32 $0x200;
	s16 =	simm.s32 $0x600  }
0x8: {  	s17 =	simm.s32 $0x280;
	s18 =	simm.s32 $0x680;
	s19 =	simm.s32 $0x300  }
0x9: {  	s20 =	simm.s32 $0x700;
	s21 =	simm.s32 $0x380;
	s22 =	simm.s32 $0x780  }
0xa: {  	s23 =	simm.s32 $0x1;
	s24 =	simm.s32 $0x800;
	s25 =	simm.s32 $0x0  }
0xb: {  	s6 =	sand.u32 $0x1, s6;
	s8 =	sshll.u32 s2, $0x8;
	[smem:$0x7FF] =	sst s3  }
0xc: {  	s7 =	ssub.s32 $0x2, s6;
	s6 =	sshll.u32 s6, $0x7;
	_ =	strace $0x80000047  }
0xd: {  	vm0 =	vmmov $0x1;
	v1 =	vimm.s32 $0x0;
	s9 =	sshrl.u32 s7, $0x1;
	s6 =	sor.u32 s6, s8;
	s8 =	simm.s32 $0x80  }
0xe: {  	v1 =	vsel vm0, $0xFFFFFFFF, v1;
	s7 =	ssub.s32 s7, s9;
	s4 =	sadd.s32 s4, s6;
	s5 =	sadd.s32 s5, s6  }
0xf: {  	v0 =	vimm.s32 $0x0;
	[tilespmem:$0x1FFF0] =	vst v1;
	s9 =	simm.s32 $0x400;
	s6 =	smax.u32 s7, $0x1;
	s7 =	simm.s32 $0x2  }
.LBB2_1:
0x10: {  	[tilespmem:s3], [sflag:$0x2] =	stream.linear.gather [hbm4b:s4+s3], $0x400, $0x38;
	[tilespmem:$0xC00] =	vst v63  }
0x11: {  	_ =	swait.ge [sflag:s7], $0x400  }
0x12: {  	[sflag:s7] =	ssyncset.done $0x0  }
0x13: {  	[sflag:s7] =	ssyncadd.s32 $0xFFFFFC00  }
0x14: {  	[tilespmem:s9], [sflag:$0x1] =	stream.indirect.gather [hbm4b:s1+s8], $0x1, s3, s8, $0xb8;
	[tilespmem:$0xC00] =	vst v63  }
0x15: {  	_ = 	snop  }
0x16: {  	[tilespmem:s10], [sflag:$0x1] =	stream.indirect.gather [hbm4b:s1+s8], $0x1, s8, s8, $0xb8;
	[tilespmem:$0xC00] =	vst v63  }
0x17: {  	_ = 	snop  }
0x18: {  	[tilespmem:s12], [sflag:$0x1] =	stream.indirect.gather [hbm4b:s1+s8], $0x1, s11, s8, $0xb8;
	[tilespmem:$0xC00] =	vst v63  }
0x19: {  	_ = 	snop  }
0x1a: {  	[tilespmem:s14], [sflag:$0x1] =	stream.indirect.gather [hbm4b:s1+s8], $0x1, s13, s8, $0xb8;
	[tilespmem:$0xC00] =	vst v63  }
0x1b: {  	_ = 	snop  }
0x1c: {  	[tilespmem:s16], [sflag:$0x1] =	stream.indirect.gather [hbm4b:s1+s8], $0x1, s15, s8, $0xb8;
	[tilespmem:$0xC00] =	vst v63  }
0x1d: {  	_ = 	snop  }
0x1e: {  	[tilespmem:s18], [sflag:$0x1] =	stream.indirect.gather [hbm4b:s1+s8], $0x1, s17, s8, $0xb8;
	[tilespmem:$0xC00] =	vst v63  }
0x1f: {  	_ = 	snop  }
0x20: {  	[tilespmem:s20], [sflag:$0x1] =	stream.indirect.gather [hbm4b:s1+s8], $0x1, s19, s8, $0xb8;
	[tilespmem:$0xC00] =	vst v63  }
0x21: {  	_ = 	snop  }
0x22: {  	[tilespmem:s22], [sflag:$0x1] =	stream.indirect.gather [hbm4b:s1+s8], $0x1, s21, s8, $0xb8;
	[tilespmem:$0xC00] =	vst v63  }
0x23: {  	_ =	swait.ge [sflag:s23], $0x80  }
0x24: {  	[sflag:s23] =	ssyncset.done $0x0  }
0x25: {  	[sflag:s23] =	ssyncadd.s32 $0xFFFFFF80  }
0x26: {  	_ =	swait.ge [sflag:s23], $0x80  }
0x27: {  	[sflag:s23] =	ssyncset.done $0x0  }
0x28: {  	[sflag:s23] =	ssyncadd.s32 $0xFFFFFF80  }
0x29: {  	_ =	swait.ge [sflag:s23], $0x80  }
0x2a: {  	[sflag:s23] =	ssyncset.done $0x0  }
0x2b: {  	[sflag:s23] =	ssyncadd.s32 $0xFFFFFF80  }
0x2c: {  	_ =	swait.ge [sflag:s23], $0x80  }
0x2d: {  	[sflag:s23] =	ssyncset.done $0x0  }
0x2e: {  	[sflag:s23] =	ssyncadd.s32 $0xFFFFFF80  }
0x2f: {  	_ =	swait.ge [sflag:s23], $0x80  }
0x30: {  	[sflag:s23] =	ssyncset.done $0x0  }
0x31: {  	[sflag:s23] =	ssyncadd.s32 $0xFFFFFF80  }
0x32: {  	_ =	swait.ge [sflag:s23], $0x80  }
0x33: {  	[sflag:s23] =	ssyncset.done $0x0  }
0x34: {  	[sflag:s23] =	ssyncadd.s32 $0xFFFFFF80  }
0x35: {  	_ =	swait.ge [sflag:s23], $0x80  }
0x36: {  	[sflag:s23] =	ssyncset.done $0x0  }
0x37: {  	[sflag:s23] =	ssyncadd.s32 $0xFFFFFF80  }
0x38: {  	_ =	swait.ge [sflag:s23], $0x80  }
0x39: {  	[sflag:s23] =	ssyncset.done $0x0  }
0x3a: {  	s26 =	simm.s32 $0x0;
	[sflag:s23] =	ssyncadd.s32 $0xFFFFFF80  }
0x3b: {  	v2 =	vld [tilespmem:s26+$0x410];
	_ =	sdelay $0x4  }
0x3c: {  	v34 =	vbroadcast v2, $0x5  }
0x3d: {  	v1 =	vld [tilespmem:s26+$0x400];
	v30 =	vbroadcast v2, $0x6;
	v32 =	vbroadcast v2, $0x4  }
0x3e: {  	v5 =	vbroadcast v2, $0x2;
	v47 =	vbroadcast v2, $0x7  }
0x3f: {  	v4 =	vbroadcast v2, $0x1;
	v26 =	vbroadcast v2, $0x8  }
0x40: {  	v6 =	vbroadcast v2, $0x0;
	v24 =	vbroadcast v2, $0x9  }
0x41: {  	v7 =	vbroadcast v2, $0xA;
	v15 =	vbroadcast v2, $0xB  }
0x42: {  	v18 =	vbroadcast v1, $0xA;
	v22 =	vbroadcast v1, $0xB  }
0x43: {  	v45 =	vbroadcast v1, $0x9;
	v12 =	vbroadcast v2, $0xC  }
0x44: {  	v46 =	vbroadcast v1, $0x8;
	v31 =	vbroadcast v1, $0xC  }
0x45: {  	v48 =	vbroadcast v1, $0x7;
	v29 =	vbroadcast v2, $0xD  }
0x46: {  	v37 =	vbroadcast v1, $0x6;
	v43 =	vbroadcast v1, $0xD  }
0x47: {  	v49 =	vbroadcast v1, $0x5;
	v9 =	vbroadcast v2, $0xF  }
0x48: {  	v50 =	vbroadcast v1, $0x4;
	v42 =	vbroadcast v1, $0xF  }
0x49: {  	v33 =	vbroadcast v1, $0x3;
	v23 =	vbroadcast v2, $0xE  }
0x4a: {  	v36 =	vbroadcast v1, $0x2;
	v44 =	vbroadcast v1, $0xE  }
0x4b: {  	v8 =	vimm.s32 $0x0;
	v39 =	vbroadcast v1, $0x0;
	v40 =	vbroadcast v1, $0x1  }
0x4c: {  	vm2 =	veq.s32 v1, v29;
	vm3 =	veq.s32 v1, v23;
	vm4 =	veq.s32 v1, v9  }
0x4d: {  	vm6 =	veq.s32 v1, v7;
	vm7 =	veq.s32 v1, v15;
	vm8 =	veq.s32 v1, v12  }
0x4e: {  	vm9 =	veq.s32 v1, v26;
	vm10 =	veq.s32 v1, v24;
	vm11 =	veq.s32 v1, v30  }
0x4f: {  	vm12 =	veq.s32 v1, v47;
	vm13 =	veq.s32 v1, v34;
	vm0 =	veq.s32 v2, v4  }
0x50: {  	vm14 =	veq.s32 v1, v32;
	vm5 =	veq.s32 v2, v6;
	vm1 =	veq.s32 v1, v6  }
0x51: {  	v8 =	vsel vm0, $0xFFFFFFFF, v8;
	vm0 =	veq.s32 v2, v5;
	v62 =	vsel vm4, $0x1, v0  }
0x52: {  	vm4 =	veq.s32 v1, v4;
	v63 =	vsel vm3, $0x1, v0;
	vm3 =	veq.s32 v2, v18  }
0x53: {  	v11 =	vsel vm10, $0x1, v0;
	v4 =	vimm.s32 $0x0;
	v13 =	vsel vm9, $0x1, v0  }
0x54: {  	vm9 =	veq.s32 v2, v46;
	v14 =	vsel vm12, $0x1, v0;
	v16 =	vsel vm11, $0x1, v0  }
0x55: {  	v17 =	vsel vm13, $0x1, v0;
	vm10 =	veq.s32 v2, v36;
	v19 =	vsel vm14, $0x1, v0  }
0x56: {  	vm11 =	veq.s32 v2, v9;
	vm12 =	veq.s32 v1, v42;
	v25 =	vsel vm1, $0x1, v0  }
0x57: {  	vm1 =	veq.s32 v2, v40;
	vm14 =	vcmask $0x3B38;
	vm13 =	vcmask $0x3F3C  }
0x58: {  	[tilespmem:$0x1FDC0] =	vst v8;
	v8 =	vimm.s32 $0x0;
	v52 =	vsel vm1, $0x1, v0;
	v27 =	vsel vm12, $0x1, v0  }
0x59: {  	v53 =	vsel vm10, $0x1, v0;
	v61 =	vsel vm3, $0x1, v0;
	v8 =	vsel vm0, $0xFFFFFFFF, v8  }
0x5a: {  	vm0 =	veq.s32 v1, v5;
	v5 =	vsel vm2, $0x1, v0;
	vm2 =	veq.s32 v2, v7  }
0x5b: {  	v7 =	vsel vm11, $0x1, v0;
	[tilespmem:$0x1FE10] =	vst v8;
	v8 =	vsel vm7, $0x1, v0;
	v4 =	vsel vm2, $0xFFFFFFFF, v4  }
0x5c: {  	vm7 =	veq.s32 v2, v45;
	vm2 =	veq.s32 v2, v49;
	v21 =	vsel vm0, $0x1, v0  }
0x5d: {  	vm0 =	veq.s32 v2, v23;
	v23 =	vsel vm4, $0x1, v0;
	vm4 =	veq.s32 v2, v39  }
0x5e: {  	v51 =	vsel vm4, $0x1, v0;
	vm4 =	vmor vm4, vm1;
	vm1 =	vmneg vm0  }
0x5f: {  	v9 =	vsel vm0, $0x1, v0;
	vm0 =	vmand vm0, vm14;
	v56 =	vsel vm2, $0x1, v0  }
0x60: {  	[tilespmem:$0x1FFE0] =	vst v4;
	v4 =	vimm.s32 $0x0;
	vm1 =	vmand vm11, vm1;
	vm11 =	veq.s32 v1, v44  }
0x61: {  	v60 =	vsel vm7, $0x1, v0;
	vm4 =	vmor vm4, vm10;
	vm10 =	vmneg vm11  }
0x62: {  	vm1 =	vmand vm1, vm13;
	vm10 =	vmand vm12, vm10;
	vm12 =	veq.s32 v2, v33  }
0x63: {  	vm0 =	vmor vm0, vm1;
	vm1 =	veq.s32 v2, v29;
	v29 =	vsel vm11, $0x1, v0  }
0x64: {  	vm11 =	vmand vm11, vm14;
	vm14 =	veq.s32 v1, v18;
	v54 =	vsel vm12, $0x1, v0  }
0x65: {  	vm4 =	vmor vm4, vm12;
	vm12 =	veq.s32 v2, v50;
	vm10 =	vmand vm10, vm13  }
0x66: {  	vm13 =	vcmask $0x3734;
	v55 =	vsel vm12, $0x1, v0;
	vm4 =	vmor vm4, vm12  }
0x67: {  	vm12 =	veq.s32 v1, v43;
	vm10 =	vmor vm11, vm10;
	vm11 =	vmneg vm1  }
0x68: {  	v4 =	vsel vm14, $0xFFFFFFFF, v4;
	vm0 =	vmand vm11, vm0;
	vm11 =	vmneg vm12  }
0x69: {  	vm2 =	vmor vm4, vm2;
	vm4 =	veq.s32 v2, v37;
	v35 =	vsel vm12, $0x1, v0  }
0x6a: {  	vm12 =	vmand vm12, vm13;
	vm10 =	vmand vm11, vm10;
	vm11 =	veq.s32 v2, v48  }
0x6b: {  	v57 =	vsel vm4, $0x1, v0;
	vm2 =	vmor vm2, vm4;
	vm4 =	veq.s32 v2, v12  }
0x6c: {  	v12 =	vsel vm1, $0x1, v0;
	vm1 =	vmand vm1, vm13;
	vm10 =	vmor vm12, vm10  }
0x6d: {  	vm12 =	veq.s32 v1, v31;
	vm0 =	vmor vm1, vm0;
	vm1 =	vmneg vm4  }
0x6e: {  	v58 =	vsel vm11, $0x1, v0;
	vm2 =	vmor vm2, vm11;
	vm11 =	veq.s32 v2, v15  }
0x6f: {  	v15 =	vsel vm4, $0x1, v0;
	vm0 =	vmand vm1, vm0;
	vm1 =	vmneg vm12  }
0x70: {  	v38 =	vsel vm12, $0x1, v0;
	vm2 =	vmor vm2, vm9;
	v18 =	vsel vm11, $0x1, v0  }
0x71: {  	[tilespmem:$0x1FF70] =	vst v4;
	v4 =	vld [tilespmem:$0x1FFF0];
	vm1 =	vmand vm1, vm10;
	vm10 =	vcmask $0x3330;
	vm7 =	vmor vm2, vm7  }
0x72: {  	vm4 =	vmand vm4, vm10;
	vm12 =	vmand vm12, vm10;
	vm10 =	vcmask $0x2F2C  }
0x73: {  	vm0 =	vmor vm4, vm0;
	vm1 =	vmor vm12, vm1;
	vm12 =	vmneg vm11  }
0x74: {  	vm4 =	veq.s32 v1, v22;
	vm11 =	vmand vm11, vm10;
	vm0 =	vmand vm12, vm0  }
0x75: {  	vm2 =	vmneg vm4;
	vm0 =	vmor vm11, vm0;
	vm11 =	veq.s32 v1, v40  }
0x76: {  	v40 =	vsel vm4, $0x1, v0;
	vm4 =	vmand vm4, vm10;
	vm10 =	vnez.u8 v4  }
0x77: {  	vm7 =	vmor vm7, vm3;
	v4 =	vimm.s32 $0x0;
	vm3 =	vmand vm5, vm10  }
0x78: {  	v4 =	vsel vm3, $0xFFFFFFFF, v4  }
0x79: {  	[tilespmem:$0x1FD80] =	vst v4;
	v4 =	vld [tilespmem:$0x1FFE0];
	_ =	sdelay $0x4  }
0x7a: {  	vm12 =	vnez.u8 v4  }
0x7b: {  	vm13 =	veq.s32 v1, v39;
	vm3 =	vmneg vm12  }
0x7c: {  	v4 =	vimm.s32 $0x0;
	vm3 =	vmand vm3, vm0;
	vm0 =	vmand vm13, vm10  }
0x7d: {  	v4 =	vsel vm0, $0xFFFFFFFF, v4  }
0x7e: {  	vm0 =	vmneg vm5;
	[tilespmem:$0x1FD90] =	vst v4;
	v4 =	vimm.s32 $0x0  }
0x7f: {  	v4 =	vsel vm0, $0xFFFFFFFF, v4  }
0x80: {  	vm0 =	vmneg vm13;
	[tilespmem:$0x1FDA0] =	vst v4;
	v4 =	vimm.s32 $0x0  }
0x81: {  	v4 =	vsel vm0, $0xFFFFFFFF, v4  }
0x82: {  	[tilespmem:$0x1FDB0] =	vst v4;
	v4 =	vld [tilespmem:$0x1FDC0]  }
0x83: {  	v10 =	vsel vm6, $0x1, v0  }
0x84: {  	vm6 =	veq.s32 v2, v22;
	v59 =	vsel vm9, $0x1, v0;
	vm1 =	vmand vm2, vm1  }
0x85: {  	v41 =	vsel vm6, $0x1, v0;
	vm1 =	vmor vm4, vm1;
	vm4 =	vmneg vm14  }
0x86: {  	vm9 =	veq.s32 v1, v33;
	v33 =	vsel vm5, $0x1, v0;
	vm5 =	vmand vm4, vm1  }
0x87: {  	vm1 =	vcmask $0x704;
	vm0 =	vmor vm7, vm6;
	vm6 =	vnez.u8 v4  }
0x88: {  	v4 =	vimm.s32 $0x0;
	vm4 =	vmand vm6, vm1  }
0x89: {  	v6 =	vsel vm8, $0x1, v0;
	vm8 =	veq.s32 v2, v31;
	v4 =	vsel vm4, $0xFFFFFFFF, v4  }
0x8a: {  	vm4 =	vmor vm0, vm8;
	vm0 =	vmand vm11, vm1;
	[tilespmem:$0x1FDD0] =	vst v4;
	v4 =	vimm.s32 $0x0  }
0x8b: {  	v4 =	vsel vm0, $0xFFFFFFFF, v4  }
0x8c: {  	vm0 =	vmneg vm6;
	[tilespmem:$0x1FDE0] =	vst v4;
	v4 =	vimm.s32 $0x0  }
0x8d: {  	v4 =	vsel vm0, $0xFFFFFFFF, v4  }
0x8e: {  	vm0 =	vmneg vm11;
	[tilespmem:$0x1FDF0] =	vst v4;
	v4 =	vimm.s32 $0x0  }
0x8f: {  	v4 =	vsel vm0, $0xFFFFFFFF, v4  }
0x90: {  	[tilespmem:$0x1FE00] =	vst v4;
	v4 =	vld [tilespmem:$0x1FE10]  }
0x91: {  	v3 =	vbroadcast v2, $0x3;
	v31 =	vadd.s32 v52, v51  }
0x92: {  	v22 =	vsel vm13, $0x1, v0;
	vm2 =	veq.s32 v1, v36;
	v52 =	vsel vm11, $0x1, v0  }
0x93: {  	vm15 =	veq.s32 v1, v3;
	v51 =	vsel vm2, $0x1, v0;
	v22 =	vadd.s32 v52, v22  }
0x94: {  	v39 =	vsel vm8, $0x1, v0;
	v22 =	vadd.s32 v51, v22;
	v51 =	vsel vm9, $0x1, v0  }
0x95: {  	v36 =	vsel vm6, $0x1, v0;
	vm0 =	vcmask $0xB08;
	vm6 =	vnez.u8 v4  }
0x96: {  	v51 =	vadd.s32 v51, v22;
	v4 =	vimm.s32 $0x0;
	vm1 =	vmand vm6, vm0  }
0x97: {  	v22 =	vsel vm12, $0x1, v0;
	vm10 =	vcmask $0xF0C;
	v4 =	vsel vm1, $0xFFFFFFFF, v4  }
0x98: {  	vm8 =	veq.s32 v2, v3;
	vm1 =	vmneg vm6;
	[tilespmem:$0x1FE20] =	vst v4;
	v4 =	vimm.s32 $0x0  }
0x99: {  	v3 =	vimm.s32 $0x0;
	vm12 =	vmand vm8, vm10;
	v4 =	vsel vm1, $0xFFFFFFFF, v4  }
0x9a: {  	v3 =	vsel vm12, $0xFFFFFFFF, v3;
	vm0 =	vmand vm2, vm0;
	[tilespmem:$0x1FE30] =	vst v4;
	v4 =	vimm.s32 $0x0  }
0x9b: {  	[tilespmem:$0x1FE60] =	vst v3;
	v3 =	vimm.s32 $0x0;
	v4 =	vsel vm0, $0xFFFFFFFF, v4;
	vm0 =	vmneg vm2  }
0x9c: {  	vm2 =	veq.s32 v1, v37;
	v37 =	vsel vm8, $0x1, v0;
	vm8 =	vmneg vm8  }
0x9d: {  	v3 =	vsel vm8, $0xFFFFFFFF, v3  }
0x9e: {  	vm8 =	vmand vm9, vm10;
	[tilespmem:$0x1FE70] =	vst v3;
	v3 =	vimm.s32 $0x0  }
0x9f: {  	v3 =	vsel vm8, $0xFFFFFFFF, v3  }
0xa0: {  	vm8 =	vmneg vm9;
	[tilespmem:$0x1FE80] =	vst v3;
	v3 =	vimm.s32 $0x0  }
0xa1: {  	vm9 =	vcmask $0x1310;
	v3 =	vsel vm8, $0xFFFFFFFF, v3;
	vm8 =	veq.s32 v2, v32  }
0xa2: {  	[tilespmem:$0x1FE90] =	vst v3;
	vm10 =	vmand vm8, vm9;
	v3 =	vimm.s32 $0x0  }
0xa3: {  	v3 =	vsel vm10, $0xFFFFFFFF, v3  }
0xa4: {  	v32 =	vsel vm8, $0x1, v0;
	vm8 =	vmneg vm8;
	[tilespmem:$0x1FEA0] =	vst v3;
	v3 =	vimm.s32 $0x0  }
0xa5: {  	v31 =	vadd.s32 v53, v31;
	vm11 =	veq.s32 v1, v50;
	v3 =	vsel vm8, $0xFFFFFFFF, v3  }
0xa6: {  	v52 =	vadd.s32 v54, v31;
	vm8 =	vmand vm11, vm9;
	[tilespmem:$0x1FEB0] =	vst v3;
	v3 =	vimm.s32 $0x0  }
0xa7: {  	v50 =	vadd.s32 v55, v52;
	v3 =	vsel vm8, $0xFFFFFFFF, v3  }
0xa8: {  	v52 =	vsel vm11, $0x1, v0;
	vm8 =	vmneg vm11;
	[tilespmem:$0x1FEC0] =	vst v3;
	v3 =	vimm.s32 $0x0  }
0xa9: {  	vm9 =	vcmask $0x1714;
	vm11 =	veq.s32 v2, v34;
	v3 =	vsel vm8, $0xFFFFFFFF, v3  }
0xaa: {  	vm14 =	vmand vm11, vm9;
	[tilespmem:$0x1FED0] =	vst v3;
	v3 =	vimm.s32 $0x0  }
0xab: {  	v3 =	vsel vm14, $0xFFFFFFFF, v3  }
0xac: {  	v34 =	vsel vm11, $0x1, v0;
	vm11 =	vmneg vm11;
	[tilespmem:$0x1FEE0] =	vst v3;
	v3 =	vimm.s32 $0x0  }
0xad: {  	v31 =	vsel vm6, $0x1, v0;
	vm6 =	veq.s32 v1, v49;
	v3 =	vsel vm11, $0xFFFFFFFF, v3  }
0xae: {  	vm9 =	vmand vm6, vm9;
	[tilespmem:$0x1FEF0] =	vst v3;
	v3 =	vimm.s32 $0x0  }
0xaf: {  	v51 =	vadd.s32 v52, v51;
	v3 =	vsel vm9, $0xFFFFFFFF, v3  }
0xb0: {  	v52 =	vsel vm6, $0x1, v0;
	vm6 =	vmneg vm6;
	[tilespmem:$0x1FF00] =	vst v3;
	v3 =	vimm.s32 $0x0  }
0xb1: {  	vm13 =	veq.s32 v2, v30;
	v3 =	vsel vm6, $0xFFFFFFFF, v3;
	vm6 =	vcmask $0x1B18  }
0xb2: {  	[tilespmem:$0x1FF10] =	vst v3;
	vm9 =	vmand vm13, vm6;
	v3 =	vimm.s32 $0x0  }
0xb3: {  	v3 =	vsel vm9, $0xFFFFFFFF, v3  }
0xb4: {  	vm9 =	vmneg vm13;
	[tilespmem:$0x1FF20] =	vst v3;
	v3 =	vimm.s32 $0x0  }
0xb5: {  	v3 =	vsel vm9, $0xFFFFFFFF, v3  }
0xb6: {  	vm6 =	vmand vm2, vm6;
	[tilespmem:$0x1FF30] =	vst v3;
	v3 =	vimm.s32 $0x0  }
0xb7: {  	v3 =	vsel vm6, $0xFFFFFFFF, v3  }
0xb8: {  	v54 =	vsel vm2, $0x1, v0;
	vm2 =	vmneg vm2;
	[tilespmem:$0x1FF40] =	vst v3;
	v3 =	vimm.s32 $0x0  }
0xb9: {  	vm7 =	veq.s32 v2, v47;
	v3 =	vsel vm2, $0xFFFFFFFF, v3  }
0xba: {  	vm6 =	vmneg vm7;
	[tilespmem:$0x1FF50] =	vst v3;
	v3 =	vimm.s32 $0x0  }
0xbb: {  	v3 =	vsel vm6, $0xFFFFFFFF, v3  }
0xbc: {  	[tilespmem:$0x1FF60] =	vst v3;
	v3 =	vld [tilespmem:$0x1FF70]  }
0xbd: {  	v20 =	vsel vm15, $0x1, v0  }
0xbe: {  	v30 =	vsel vm13, $0x1, v0;
	v28 =	vsel vm7, $0x1, v0;
	vm12 =	veq.s32 v1, v48  }
0xbf: {  	v56 =	vadd.s32 v56, v50;
	vm1 =	veq.s32 v2, v26;
	vm2 =	vcmask $0x1F1C  }
0xc0: {  	vm9 =	vmand vm7, vm2;
	vm14 =	vmand vm12, vm2;
	vm2 =	vcmask $0x2320  }
0xc1: {  	vm6 =	vmand vm1, vm2;
	vm7 =	vnez.u8 v3;
	v3 =	vimm.s32 $0x0  }
0xc2: {  	v48 =	vsel vm12, $0x1, v0;
	v55 =	vadd.s32 v57, v56;
	v3 =	vsel vm6, $0xFFFFFFFF, v3  }
0xc3: {  	v26 =	vsel vm1, $0x1, v0;
	vm1 =	vmneg vm1;
	[tilespmem:$0x1FF80] =	vst v3;
	v3 =	vimm.s32 $0x0  }
0xc4: {  	[tilespmem:$0x1FE40] =	vst v4;
	v4 =	vimm.s32 $0x0;
	vm8 =	veq.s32 v1, v46;
	v3 =	vsel vm1, $0xFFFFFFFF, v3  }
0xc5: {  	v4 =	vsel vm0, $0xFFFFFFFF, v4;
	vm1 =	vmand vm8, vm2;
	[tilespmem:$0x1FF90] =	vst v3;
	v3 =	vimm.s32 $0x0  }
0xc6: {  	vm0 =	veq.s32 v2, v24;
	v3 =	vsel vm1, $0xFFFFFFFF, v3;
	vm1 =	vcmask $0x2724  }
0xc7: {  	v47 =	vadd.s32 v58, v55;
	[tilespmem:$0x1FFA0] =	vst v3;
	vm2 =	vmand vm0, vm1;
	v3 =	vimm.s32 $0x0  }
0xc8: {  	vm15 =	vmneg vm12;
	v56 =	vadd.s32 v59, v47;
	v3 =	vsel vm2, $0xFFFFFFFF, v3  }
0xc9: {  	v24 =	vsel vm0, $0x1, v0;
	vm0 =	vmneg vm0;
	[tilespmem:$0x1FFB0] =	vst v3;
	v3 =	vimm.s32 $0x0  }
0xca: {  	v53 =	vadd.s32 v52, v51;
	vm10 =	veq.s32 v1, v45;
	v3 =	vsel vm0, $0xFFFFFFFF, v3  }
0xcb: {  	v50 =	vadd.s32 v54, v53;
	vm0 =	vmand vm10, vm1;
	[tilespmem:$0x1FFC0] =	vst v3;
	v3 =	vimm.s32 $0x0  }
0xcc: {  	v48 =	vadd.s32 v48, v50;
	v57 =	vsel vm8, $0x1, v0;
	v3 =	vsel vm0, $0xFFFFFFFF, v3  }
0xcd: {  	v60 =	vadd.s32 v60, v56;
	v59 =	vsel vm10, $0x1, v0;
	v58 =	vadd.s32 v57, v48;
	[tilespmem:$0x1FFD0] =	vst v3;
	v3 =	vld [tilespmem:$0x1FFE0]  }
0xce: {  	v45 =	vadd.s32 v61, v60;
	v47 =	vadd.s32 v59, v58;
	vm11 =	veq.s32 v2, v42  }
0xcf: {  	v42 =	vsel vm11, $0x1, v0;
	vm13 =	veq.s32 v2, v43;
	vm12 =	veq.s32 v2, v44  }
0xd0: {  	v43 =	vsel vm13, $0x1, v0;
	v44 =	vsel vm12, $0x1, v0;
	v61 =	vsel vm7, $0x1, v0  }
0xd1: {  	vm6 =	vne.s32 v1, $0x1390;
	v46 =	vadd.s32 v61, v47;
	vm8 =	vmneg vm8  }
0xd2: {  	vm10 =	vmneg vm10;
	vm0 =	vcmask $0x2B28;
	vm1 =	vnez.u8 v3  }
0xd3: {  	s28 =	simm.s32 $0x80;
	[tilespmem:$0x1FE50] =	vst v4;
	vm1 =	vmand vm1, vm0;
	vm0 =	vmand vm7, vm0;
	vm7 =	vne.s32 v2, $0x1390  }
.LBB2_2:
0xd4: {  	v3 =	vld [tilespmem:$0x1FFC0];
	_ =	sdelay $0x4  }
0xd5: {  	vm2 =	vmor vm1, vm3;
	vm1 =	vnez.u8 v3;
	v3 =	vld [tilespmem:$0x1FFB0];
	_ =	sdelay $0x4  }
0xd6: {  	vm3 =	vnez.u8 v3;
	v3 =	vld [tilespmem:$0x1FFD0];
	_ =	sdelay $0x3  }
0xd7: {  	vm1 =	vmand vm1, vm2  }
0xd8: {  	vm1 =	vmor vm3, vm1;
	vm3 =	vnez.u8 v3;
	v3 =	vld [tilespmem:$0x1FF90];
	_ =	sdelay $0x1  }
0xd9: {  	vm0 =	vmor vm0, vm5  }
0xda: {  	vm0 =	vmand vm10, vm0  }
0xdb: {  	vm0 =	vmor vm3, vm0  }
0xdc: {  	vm3 =	vmand vm8, vm0;
	vm0 =	vnez.u8 v3;
	v3 =	vld [tilespmem:$0x1FF80];
	_ =	sdelay $0x4  }
0xdd: {  	vm0 =	vmand vm0, vm1;
	vm1 =	vnez.u8 v3;
	v3 =	vld [tilespmem:$0x1FFA0];
	_ =	sdelay $0x1  }
0xde: {  	vm2 =	vmor vm4, vm13  }
0xdf: {  	vm2 =	vmor vm2, vm12  }
0xe0: {  	vm2 =	vmor vm2, vm11  }
0xe1: {  	vm1 =	vmor vm1, vm0;
	vm0 =	vmneg vm2;
	vm2 =	vnez.u8 v3;
	v3 =	vld [tilespmem:$0x1FF60];
	_ =	sdelay $0x4  }
0xe2: {  	vm2 =	vmor vm2, vm3;
	vm3 =	vnez.u8 v3;
	v3 =	vld [tilespmem:$0x1FF30];
	_ =	sdelay $0x4  }
0xe3: {  	vm1 =	vmand vm3, vm1;
	vm3 =	vnez.u8 v3;
	v3 =	vld [tilespmem:$0x1FF50];
	_ =	sdelay $0x3  }
0xe4: {  	vm1 =	vmor vm9, vm1  }
0xe5: {  	vm1 =	vmand vm3, vm1;
	vm3 =	vnez.u8 v3;
	v3 =	vld [tilespmem:$0x1FF40];
	_ =	sdelay $0x2  }
0xe6: {  	vm2 =	vmand vm15, vm2  }
0xe7: {  	vm2 =	vmor vm14, vm2  }
0xe8: {  	vm2 =	vmand vm3, vm2;
	vm3 =	vnez.u8 v3;
	v3 =	vld [tilespmem:$0x1FF20];
	_ =	sdelay $0x4  }
0xe9: {  	vm2 =	vmor vm3, vm2;
	vm3 =	vnez.u8 v3;
	v3 =	vld [tilespmem:$0x1FEF0];
	_ =	sdelay $0x4  }
0xea: {  	vm1 =	vmor vm3, vm1;
	vm3 =	vnez.u8 v3;
	v3 =	vld [tilespmem:$0x1FF10];
	_ =	sdelay $0x4  }
0xeb: {  	vm1 =	vmand vm3, vm1;
	vm3 =	vnez.u8 v3;
	v3 =	vld [tilespmem:$0x1FEE0];
	_ =	sdelay $0x4  }
0xec: {  	vm2 =	vmand vm3, vm2;
	vm3 =	vnez.u8 v3;
	v3 =	vld [tilespmem:$0x1FF00];
	_ =	sdelay $0x4  }
0xed: {  	vm1 =	vmor vm3, vm1;
	vm3 =	vnez.u8 v3;
	v3 =	vld [tilespmem:$0x1FED0];
	_ =	sdelay $0x4  }
0xee: {  	vm2 =	vmor vm3, vm2;
	vm3 =	vnez.u8 v3;
	v3 =	vld [tilespmem:$0x1FEB0];
	_ =	sdelay $0x4  }
0xef: {  	vm2 =	vmand vm3, vm2;
	vm3 =	vnez.u8 v3;
	v3 =	vld [tilespmem:$0x1FEA0];
	_ =	sdelay $0x4  }
0xf0: {  	vm1 =	vmand vm3, vm1;
	vm3 =	vnez.u8 v3;
	v3 =	vld [tilespmem:$0x1FEC0];
	_ =	sdelay $0x4  }
0xf1: {  	vm1 =	vmor vm3, vm1;
	vm3 =	vnez.u8 v3;
	v3 =	vld [tilespmem:$0x1FE90];
	_ =	sdelay $0x4  }
0xf2: {  	vm2 =	vmor vm3, vm2;
	vm3 =	vnez.u8 v3;
	v3 =	vld [tilespmem:$0x1FE70];
	_ =	sdelay $0x4  }
0xf3: {  	vm2 =	vmand vm3, vm2;
	vm3 =	vnez.u8 v3;
	v3 =	vld [tilespmem:$0x1FE60];
	_ =	sdelay $0x4  }
0xf4: {  	vm1 =	vmand vm3, vm1;
	vm3 =	vnez.u8 v3;
	v3 =	vld [tilespmem:$0x1FE80];
	_ =	sdelay $0x4  }
0xf5: {  	vm1 =	vmor vm3, vm1;
	vm3 =	vnez.u8 v3;
	v3 =	vld [tilespmem:$0x1FE30];
	_ =	sdelay $0x4  }
0xf6: {  	vm2 =	vmor vm3, vm2;
	vm3 =	vnez.u8 v3;
	v3 =	vld [tilespmem:$0x1FE20];
	_ =	sdelay $0x4  }
0xf7: {  	vm1 =	vmand vm3, vm1;
	vm3 =	vnez.u8 v3;
	v3 =	vld [tilespmem:$0x1FE50];
	_ =	sdelay $0x4  }
0xf8: {  	vm1 =	vmor vm3, vm1;
	vm3 =	vnez.u8 v3;
	v3 =	vld [tilespmem:$0x1FDF0];
	_ =	sdelay $0x4  }
0xf9: {  	vm2 =	vmand vm3, vm2;
	vm3 =	vnez.u8 v3;
	v3 =	vld [tilespmem:$0x1FDD0];
	_ =	sdelay $0x4  }
0xfa: {  	vm1 =	vmand vm3, vm1;
	vm3 =	vnez.u8 v3;
	v3 =	vld [tilespmem:$0x1FE40];
	_ =	sdelay $0x1  }
0xfb: {  	v41 =	vadd.s32 v41, v45;
	v40 =	vadd.s32 v40, v46  }
0xfc: {  	v38 =	vadd.s32 v38, v40;
	v39 =	vadd.s32 v39, v41  }
0xfd: {  	v39 =	vadd.s32 v43, v39;
	v35 =	vadd.s32 v35, v38  }
0xfe: {  	v29 =	vadd.s32 v29, v35;
	vm1 =	vmor vm3, vm1;
	vm3 =	vnez.u8 v3;
	v3 =	vld [tilespmem:$0x1FDA0]  }
0xff: {  	v53 =	vadd.s32 v44, v39;
	v27 =	vadd.s32 v27, v29  }
0x100: {  	v29 =	vadd.s32 v42, v53;
	v25 =	vadd.s32 v25, v27  }
0x101: {  	v29 =	vadd.s32 v33, v29;
	v23 =	vadd.s32 v23, v25  }
0x102: {  	v27 =	vadd.s32 v36, v29;
	v21 =	vadd.s32 v21, v23  }
0x103: {  	v23 =	vadd.s32 v31, v27;
	vm2 =	vmor vm3, vm2;
	vm3 =	vnez.u8 v3;
	v3 =	vld [tilespmem:$0x1FD80]  }
0x104: {  	v23 =	vadd.s32 v37, v23;
	v20 =	vadd.s32 v20, v21  }
0x105: {  	v21 =	vadd.s32 v32, v23;
	v19 =	vadd.s32 v19, v20  }
0x106: {  	v17 =	vadd.s32 v17, v19;
	v19 =	vadd.s32 v34, v21  }
0x107: {  	v19 =	vadd.s32 v30, v19;
	v16 =	vadd.s32 v16, v17  }
0x108: {  	v17 =	vadd.s32 v28, v19;
	vm1 =	vmand vm3, vm1;
	vm3 =	vnez.u8 v3;
	v3 =	vld [tilespmem:$0x1FE00]  }
0x109: {  	v14 =	vadd.s32 v14, v16;
	v16 =	vadd.s32 v26, v17  }
0x10a: {  	v16 =	vadd.s32 v24, v16  }
0x10b: {  	v13 =	vadd.s32 v13, v14;
	v14 =	vadd.s32 v22, v16  }
0x10c: {  	v11 =	vadd.s32 v11, v13;
	v14 =	vadd.s32 v18, v14  }
0x10d: {  	v13 =	vadd.s32 v15, v14;
	vm1 =	vmor vm3, vm1;
	vm3 =	vnez.u8 v3;
	v3 =	vld [tilespmem:$0x1FDE0]  }
0x10e: {  	v12 =	vadd.s32 v12, v13  }
0x10f: {  	v9 =	vadd.s32 v9, v12  }
0x110: {  	v7 =	vadd.s32 v7, v9  }
0x111: {  	v10 =	vadd.s32 v10, v11;
	v7 =	vshll.u32 v7, $0xD  }
0x112: {  	v2 =	vsub.s32 v7, v2;
	vm0 =	vmand vm0, vm1;
	vm1 =	vnez.u8 v3;
	v3 =	vld [tilespmem:$0x1FDB0]  }
0x113: {  	v8 =	vadd.s32 v8, v10;
	v2 =	vadd.s32 $0x1FFF, v2;
	vm0 =	vmand vm7, vm0  }
0x114: {  	v6 =	vadd.s32 v6, v8;
	v17 =	vnsel vm0, $0x0, v2  }
0x115: {  	v5 =	vadd.s32 v5, v6;
	v4 =	vbroadcast v17, $0xF  }
0x116: {  	v2 =	vadd.s32 v63, v5;
	v6 =	vbroadcast v17, $0xD;
	v5 =	vbroadcast v17, $0xE  }
0x117: {  	v9 =	vadd.s32 v62, v2;
	v2 =	vbroadcast v17, $0xB;
	vm0 =	vnez.u8 v3;
	v3 =	vld [tilespmem:$0x1FD90]  }
0x118: {  	v8 =	vbroadcast v17, $0x9;
	v7 =	vbroadcast v17, $0xA  }
0x119: {  	v10 =	vbroadcast v17, $0x7;
	v12 =	vbroadcast v17, $0x5  }
0x11a: {  	v27 =	vbroadcast v17, $0x3;
	v13 =	vbroadcast v17, $0x4;
	vm2 =	vmand vm3, vm2  }
0x11b: {  	v28 =	vbroadcast v17, $0x1;
	v14 =	vbroadcast v17, $0x2;
	vm1 =	vmor vm1, vm2  }
0x11c: {  	v11 =	vshll.u32 v9, $0xD;
	vm0 =	vmand vm0, vm1;
	vm1 =	vnez.u8 v3  }
0x11d: {  	v15 =	vbroadcast v17, $0x0;
	v1 =	vsub.s32 v11, v1;
	vm0 =	vmor vm1, vm0  }
0x11e: {  	v9 =	vbroadcast v17, $0x8;
	v1 =	vadd.s32 $0x1FFF, v1;
	vm0 =	vmand vm6, vm0  }
0x11f: {  	v11 =	vbroadcast v17, $0x6;
	v3 =	vbroadcast v17, $0xC;
	v1 =	vnsel vm0, $0x0, v1  }
0x120: {  	v29 =	vbroadcast v1, $0xF;
	v30 =	vbroadcast v1, $0xD  }
0x121: {  	v16 =	vbroadcast v1, $0xE;
	v31 =	vbroadcast v1, $0xB  }
0x122: {  	v18 =	vbroadcast v1, $0xC;
	v54 =	vbroadcast v1, $0x9  }
0x123: {  	v19 =	vbroadcast v1, $0xA;
	v55 =	vbroadcast v1, $0x7  }
0x124: {  	v20 =	vbroadcast v1, $0x8;
	v56 =	vbroadcast v1, $0x5  }
0x125: {  	v21 =	vbroadcast v1, $0x6;
	v26 =	vbroadcast v1, $0x0  }
0x126: {  	vm0 =	vgt.s32 v27, v1;
	v25 =	vbroadcast v1, $0x1;
	v24 =	vbroadcast v1, $0x2  }
0x127: {  	vm1 =	vgt.s32 v28, v1;
	v22 =	vbroadcast v1, $0x4;
	v23 =	vbroadcast v1, $0x3  }
0x128: {  	vm2 =	vgt.s32 v29, v1;
	vm3 =	vgt.s32 v30, v1;
	vm4 =	vgt.s32 v31, v1  }
0x129: {  	vm5 =	vgt.s32 v54, v1;
	vm8 =	vgt.s32 v26, v17;
	vm9 =	vgt.s32 v25, v17  }
0x12a: {  	v57 =	vsel vm8, $0x1, v0;
	v58 =	vsel vm9, $0x1, v0;
	vm8 =	vgt.s32 v24, v17  }
0x12b: {  	v35 =	vadd.s32 v58, v57;
	v59 =	vsel vm8, $0x1, v0;
	vm8 =	vgt.s32 v23, v17  }
0x12c: {  	v35 =	vadd.s32 v59, v35;
	v60 =	vsel vm8, $0x1, v0;
	vm8 =	vgt.s32 v22, v17  }
0x12d: {  	v35 =	vadd.s32 v60, v35;
	v61 =	vsel vm8, $0x1, v0;
	vm8 =	vgt.s32 v56, v17  }
0x12e: {  	v62 =	vadd.s32 v61, v35;
	v63 =	vsel vm8, $0x1, v0;
	vm8 =	vgt.s32 v21, v17  }
0x12f: {  	v34 =	vadd.s32 v63, v62;
	v36 =	vsel vm8, $0x1, v0;
	vm8 =	vgt.s32 v55, v17  }
0x130: {  	v37 =	vadd.s32 v36, v34;
	v38 =	vsel vm8, $0x1, v0;
	vm8 =	vgt.s32 v20, v17  }
0x131: {  	v33 =	vadd.s32 v38, v37;
	v39 =	vsel vm8, $0x1, v0;
	vm8 =	vgt.s32 v54, v17  }
0x132: {  	v40 =	vadd.s32 v39, v33;
	v41 =	vsel vm8, $0x1, v0;
	vm8 =	vgt.s32 v19, v17  }
0x133: {  	v32 =	vadd.s32 v41, v40;
	v42 =	vsel vm8, $0x1, v0;
	vm8 =	vgt.s32 v31, v17  }
0x134: {  	v31 =	vadd.s32 v42, v32;
	v43 =	vsel vm8, $0x1, v0;
	vm8 =	vgt.s32 v18, v17  }
0x135: {  	v31 =	vadd.s32 v43, v31;
	v44 =	vsel vm8, $0x1, v0;
	vm8 =	vgt.s32 v30, v17  }
0x136: {  	v30 =	vadd.s32 v44, v31;
	v31 =	vsel vm8, $0x1, v0;
	vm8 =	vgt.s32 v16, v17  }
0x137: {  	v30 =	vadd.s32 v31, v30;
	v31 =	vsel vm8, $0x1, v0;
	vm8 =	vgt.s32 v29, v17  }
0x138: {  	v29 =	vadd.s32 v31, v30;
	v30 =	vsel vm8, $0x1, v0;
	vm8 =	vgt.s32 v15, v17  }
0x139: {  	v29 =	vadd.s32 v30, v29;
	v30 =	vsel vm8, $0x1, v0;
	vm8 =	vgt.s32 v28, v17  }
0x13a: {  	v28 =	vadd.s32 v30, v29;
	v29 =	vsel vm8, $0x1, v0;
	vm8 =	vgt.s32 v14, v17  }
0x13b: {  	vm6 =	vgt.s32 v55, v1;
	v28 =	vadd.s32 v29, v28;
	v29 =	vsel vm8, $0x1, v0  }
0x13c: {  	vm9 =	vgt.s32 v26, v1;
	vm8 =	vgt.s32 v27, v17;
	v27 =	vadd.s32 v29, v28  }
0x13d: {  	v28 =	vsel vm8, $0x1, v0;
	vm8 =	vgt.s32 v13, v17;
	v29 =	vand.u32 $0x1FFF, v17  }
0x13e: {  	v27 =	vadd.s32 v28, v27;
	v28 =	vsel vm8, $0x1, v0;
	vm8 =	vgt.s32 v12, v17  }
0x13f: {  	v27 =	vadd.s32 v28, v27;
	v28 =	vsel vm8, $0x1, v0;
	vm8 =	vgt.s32 v11, v17  }
0x140: {  	v27 =	vadd.s32 v28, v27;
	v28 =	vsel vm8, $0x1, v0;
	vm8 =	vgt.s32 v10, v17  }
0x141: {  	v27 =	vadd.s32 v28, v27;
	v28 =	vsel vm8, $0x1, v0;
	vm8 =	vgt.s32 v9, v17  }
0x142: {  	v27 =	vadd.s32 v28, v27;
	v28 =	vsel vm8, $0x1, v0;
	vm8 =	vgt.s32 v8, v17  }
0x143: {  	v27 =	vadd.s32 v28, v27;
	v28 =	vsel vm8, $0x1, v0;
	vm8 =	vgt.s32 v7, v17  }
0x144: {  	v27 =	vadd.s32 v28, v27;
	v28 =	vsel vm8, $0x1, v0;
	vm8 =	vgt.s32 v2, v17  }
0x145: {  	v27 =	vadd.s32 v28, v27;
	v28 =	vsel vm8, $0x1, v0;
	vm8 =	vgt.s32 v3, v17  }
0x146: {  	v27 =	vadd.s32 v28, v27;
	v28 =	vsel vm8, $0x1, v0;
	vm8 =	vgt.s32 v6, v17  }
0x147: {  	v27 =	vadd.s32 v28, v27;
	v28 =	vsel vm8, $0x1, v0;
	vm8 =	vgt.s32 v5, v17  }
0x148: {  	v27 =	vadd.s32 v28, v27;
	v28 =	vsel vm8, $0x1, v0;
	vm8 =	vgt.s32 v4, v17  }
0x149: {  	v26 =	vadd.s32 v28, v27;
	v27 =	vsel vm8, $0x1, v0;
	v28 =	vsel vm9, $0x1, v0  }
0x14a: {  	vm8 =	vgt.s32 v25, v1;
	vm9 =	vgt.s32 v17, $0x3FFF;
	v25 =	vadd.s32 v27, v26  }
0x14b: {  	v26 =	vsel vm8, $0x1, v0;
	vm8 =	vgt.s32 v24, v1;
	v27 =	vshll.u32 v25, $0xD  }
0x14c: {  	v26 =	vadd.s32 v26, v28;
	vm10 =	vlt.u32 v25, $0x5;
	v24 =	vor.u32 v29, v27  }
0x14d: {  	v17 =	vxor.u32 $0x1FFF, v24;
	v24 =	vsel vm8, $0x1, v0;
	vm8 =	vmand vm9, vm10  }
0x14e: {  	vm9 =	vgt.s32 v23, v1;
	v17 =	vadd.s32 $0x1, v17;
	v24 =	vadd.s32 v24, v26  }
0x14f: {  	v23 =	vsel vm9, $0x1, v0;
	v17 =	vnsel vm8, $0x0, v17;
	vm8 =	vgt.s32 v22, v1  }
0x150: {  	vm7 =	vgt.s32 v56, v1;
	[tilespmem:s26+$0x810] =	vst v17;
	v17 =	vadd.s32 v23, v24;
	v23 =	vsel vm8, $0x1, v0  }
0x151: {  	v22 =	vsel vm7, $0x1, v0;
	vm7 =	vgt.s32 v21, v1;
	v17 =	vadd.s32 v23, v17  }
0x152: {  	v21 =	vsel vm7, $0x1, v0;
	v23 =	vsel vm6, $0x1, v0;
	v17 =	vadd.s32 v22, v17  }
0x153: {  	vm6 =	vgt.s32 v20, v1;
	v20 =	vsel vm5, $0x1, v0;
	v17 =	vadd.s32 v21, v17  }
0x154: {  	vm5 =	vgt.s32 v19, v1;
	v21 =	vsel vm6, $0x1, v0;
	v17 =	vadd.s32 v23, v17  }
0x155: {  	v19 =	vsel vm5, $0x1, v0;
	v17 =	vadd.s32 v21, v17  }
0x156: {  	v22 =	vsel vm4, $0x1, v0;
	vm4 =	vgt.s32 v18, v1;
	v17 =	vadd.s32 v20, v17  }
0x157: {  	v18 =	vsel vm3, $0x1, v0;
	vm3 =	vgt.s32 v16, v1;
	v16 =	vadd.s32 v19, v17  }
0x158: {  	v20 =	vsel vm4, $0x1, v0;
	v17 =	vsel vm3, $0x1, v0;
	v16 =	vadd.s32 v22, v16  }
0x159: {  	v19 =	vsel vm2, $0x1, v0;
	vm2 =	vgt.s32 v15, v1;
	v16 =	vadd.s32 v20, v16  }
0x15a: {  	v15 =	vsel vm1, $0x1, v0;
	vm1 =	vgt.s32 v14, v1;
	v14 =	vadd.s32 v18, v16  }
0x15b: {  	v20 =	vsel vm2, $0x1, v0;
	v14 =	vadd.s32 v17, v14  }
0x15c: {  	v16 =	vsel vm1, $0x1, v0;
	vm1 =	vgt.s32 v12, v1;
	v12 =	vadd.s32 v19, v14  }
0x15d: {  	v18 =	vsel vm0, $0x1, v0;
	vm0 =	vgt.s32 v13, v1;
	v12 =	vadd.s32 v20, v12  }
0x15e: {  	v14 =	vsel vm1, $0x1, v0;
	vm1 =	vgt.s32 v10, v1;
	v10 =	vadd.s32 v15, v12  }
0x15f: {  	v13 =	vsel vm0, $0x1, v0;
	vm0 =	vgt.s32 v11, v1;
	v10 =	vadd.s32 v16, v10  }
0x160: {  	v12 =	vsel vm1, $0x1, v0;
	vm1 =	vgt.s32 v8, v1;
	v8 =	vadd.s32 v18, v10  }
0x161: {  	v11 =	vsel vm0, $0x1, v0;
	vm0 =	vgt.s32 v9, v1;
	v8 =	vadd.s32 v13, v8  }
0x162: {  	v9 =	vsel vm0, $0x1, v0;
	vm0 =	vgt.s32 v7, v1;
	v7 =	vadd.s32 v14, v8  }
0x163: {  	v46 =	vimm.s32 $0x0;
	v49 =	vimm.s32 $0x0;
	v7 =	vadd.s32 v11, v7  }
0x164: {  	v8 =	vsel vm0, $0x1, v0;
	vm0 =	vgt.s32 v3, v1;
	v3 =	vadd.s32 v12, v7  }
0x165: {  	v50 =	vimm.s32 $0x0;
	v10 =	vsel vm1, $0x1, v0;
	v3 =	vadd.s32 v9, v3  }
0x166: {  	v51 =	vimm.s32 $0x0;
	vm1 =	vgt.s32 v2, v1;
	v3 =	vadd.s32 v10, v3  }
0x167: {  	v52 =	vimm.s32 $0x0;
	v13 =	vsel vm1, $0x1, v0;
	v3 =	vadd.s32 v8, v3  }
0x168: {  	vm1 =	vgt.s32 v6, v1;
	v6 =	vsel vm0, $0x1, v0;
	v3 =	vadd.s32 v13, v3  }
0x169: {  	vm0 =	vgt.s32 v5, v1;
	v7 =	vsel vm1, $0x1, v0;
	v3 =	vadd.s32 v6, v3  }
0x16a: {  	s29 =	sshra.s32 s28, $0x2;
	vm1 =	vgt.s32 v4, v1;
	v4 =	vsel vm0, $0x1, v0;
	v3 =	vadd.s32 v7, v3  }
0x16b: {  	v53 =	vimm.s32 $0x0;
	v2 =	vld [tilespmem:s29+$0x410];
	v5 =	vsel vm1, $0x1, v0;
	v3 =	vadd.s32 v4, v3  }
0x16c: {  	v57 =	vimm.s32 $0x0;
	v58 =	vimm.s32 $0x0;
	v3 =	vadd.s32 v5, v3  }
0x16d: {  	vm0 =	vgt.s32 v1, $0x3FFF;
	v8 =	vand.u32 $0x1FFF, v1;
	v1 =	vld [tilespmem:s29+$0x400];
	v17 =	vshll.u32 v3, $0xD  }
0x16e: {  	v56 =	vimm.s32 $0x0;
	v55 =	vimm.s32 $0x0;
	v8 =	vor.u32 v8, v17  }
0x16f: {  	v54 =	vimm.s32 $0x0;
	vm1 =	vlt.u32 v3, $0x5;
	v8 =	vxor.u32 $0x1FFF, v8  }
0x170: {  	v9 =	vbroadcast v2, $0x5;
	vm0 =	vmand vm0, vm1;
	v8 =	vadd.s32 $0x1, v8  }
0x171: {  	v23 =	vbroadcast v2, $0xD;
	v8 =	vnsel vm0, $0x0, v8;
	vm0 =	vne.s32 v2, $0x1390  }
0x172: {  	v30 =	vbroadcast v2, $0xE;
	v33 =	vsel vm0, $0xFFFFFFFF, v46;
	vm0 =	vne.s32 v1, $0x1390  }
0x173: {  	v27 =	vbroadcast v2, $0xF;
	v35 =	vsel vm0, $0xFFFFFFFF, v49;
	vm0 =	veq.s32 v1, v23  }
0x174: {  	v5 =	vbroadcast v2, $0xA;
	[tilespmem:$0x1FC70] =	vst v35;
	v35 =	vsel vm0, $0xFFFFFFFF, v50;
	vm0 =	veq.s32 v1, v30  }
0x175: {  	v16 =	vbroadcast v2, $0xB;
	[tilespmem:$0x1F850] =	vst v35;
	v35 =	vsel vm0, $0xFFFFFFFF, v51;
	vm0 =	veq.s32 v1, v27  }
0x176: {  	v20 =	vbroadcast v2, $0xC;
	[tilespmem:$0x1F840] =	vst v35;
	v35 =	vsel vm0, $0xFFFFFFFF, v52;
	vm0 =	veq.s32 v1, v5  }
0x177: {  	v14 =	vbroadcast v2, $0x8;
	[tilespmem:$0x1F830] =	vst v35;
	v35 =	vsel vm0, $0xFFFFFFFF, v53;
	vm0 =	veq.s32 v1, v16  }
0x178: {  	v15 =	vbroadcast v2, $0x9;
	[tilespmem:$0x1F8A0] =	vst v35;
	v35 =	vsel vm0, $0xFFFFFFFF, v54;
	vm0 =	veq.s32 v1, v20  }
0x179: {  	v10 =	vbroadcast v2, $0x6;
	[tilespmem:$0x1F880] =	vst v35;
	v35 =	vsel vm0, $0xFFFFFFFF, v55;
	vm0 =	veq.s32 v1, v14  }
0x17a: {  	v13 =	vbroadcast v2, $0x7;
	[tilespmem:$0x1F860] =	vst v35;
	v35 =	vsel vm0, $0xFFFFFFFF, v56;
	vm0 =	veq.s32 v1, v15  }
0x17b: {  	v59 =	vimm.s32 $0x0;
	[tilespmem:$0x1F8E0] =	vst v35;
	v35 =	vsel vm0, $0xFFFFFFFF, v57;
	vm0 =	veq.s32 v1, v10  }
0x17c: {  	vm15 =	veq.s32 v2, v9;
	[tilespmem:$0x1F8C0] =	vst v35;
	v35 =	vsel vm0, $0xFFFFFFFF, v58;
	vm0 =	veq.s32 v1, v13  }
0x17d: {  	[tilespmem:$0x1F900] =	vst v35;
	v35 =	vsel vm0, $0xFFFFFFFF, v59;
	vm0 =	veq.s32 v1, v9;
	v9 =	vimm.s32 $0x0  }
0x17e: {  	v9 =	vsel vm0, $0xFFFFFFFF, v9  }
0x17f: {  	v7 =	vbroadcast v2, $0x1;
	vm0 =	veq.s32 v2, v10;
	[tilespmem:$0x1F910] =	vst v9;
	v9 =	vimm.s32 $0x0  }
0x180: {  	v9 =	vsel vm0, $0xFFFFFFFF, v9  }
0x181: {  	v12 =	vbroadcast v2, $0x4;
	vm0 =	veq.s32 v2, v7;
	[tilespmem:$0x1F8D0] =	vst v9;
	v9 =	vimm.s32 $0x0  }
0x182: {  	v9 =	vsel vm0, $0xFFFFFFFF, v9  }
0x183: {  	v11 =	vbroadcast v2, $0x3;
	vm0 =	veq.s32 v1, v12;
	[tilespmem:$0x1F960] =	vst v9;
	v9 =	vimm.s32 $0x0  }
0x184: {  	v6 =	vbroadcast v2, $0x2;
	v9 =	vsel vm0, $0xFFFFFFFF, v9  }
0x185: {  	vm0 =	veq.s32 v1, v11;
	[tilespmem:$0x1F930] =	vst v9;
	v9 =	vimm.s32 $0x0  }
0x186: {  	v4 =	vbroadcast v2, $0x0;
	vm12 =	veq.s32 v2, v6;
	v9 =	vsel vm0, $0xFFFFFFFF, v9  }
0x187: {  	v45 =	vbroadcast v1, $0xE;
	vm0 =	veq.s32 v2, v13;
	[tilespmem:$0x1F970] =	vst v9;
	v9 =	vimm.s32 $0x0  }
0x188: {  	v9 =	vsel vm0, $0xFFFFFFFF, v9;
	vm0 =	veq.s32 v1, v7;
	v7 =	vimm.s32 $0x0  }
0x189: {  	v7 =	vsel vm0, $0xFFFFFFFF, v7;
	vm0 =	veq.s32 v1, v6;
	v6 =	vimm.s32 $0x0  }
0x18a: {  	v6 =	vsel vm0, $0xFFFFFFFF, v6  }
0x18b: {  	vm14 =	veq.s32 v2, v4;
	vm0 =	veq.s32 v2, v45;
	[tilespmem:$0x1F9A0] =	vst v6;
	v6 =	vimm.s32 $0x0  }
0x18c: {  	v6 =	vsel vm0, $0xFFFFFFFF, v6;
	vm0 =	veq.s32 v1, v4;
	v4 =	vimm.s32 $0x0  }
0x18d: {  	v4 =	vsel vm0, $0xFFFFFFFF, v4  }
0x18e: {  	v22 =	vbroadcast v1, $0xC;
	vm0 =	veq.s32 v2, v14;
	[tilespmem:$0x1F9D0] =	vst v4;
	v4 =	vimm.s32 $0x0  }
0x18f: {  	v4 =	vsel vm0, $0xFFFFFFFF, v4  }
0x190: {  	v25 =	vbroadcast v1, $0xD;
	vm9 =	veq.s32 v2, v22;
	[tilespmem:$0x1F890] =	vst v4;
	v4 =	vimm.s32 $0x0  }
0x191: {  	v4 =	vsel vm9, $0xFFFFFFFF, v4  }
0x192: {  	vm9 =	veq.s32 v2, v25;
	[tilespmem:$0x1FD60] =	vst v4;
	v4 =	vimm.s32 $0x0  }
0x193: {  	v4 =	vsel vm9, $0xFFFFFFFF, v4  }
0x194: {  	v18 =	vbroadcast v1, $0xA;
	vm0 =	veq.s32 v2, v15;
	[tilespmem:$0x1FC20] =	vst v4;
	v4 =	vimm.s32 $0x0  }
0x195: {  	v4 =	vsel vm0, $0xFFFFFFFF, v4  }
0x196: {  	v19 =	vbroadcast v1, $0xB;
	vm9 =	veq.s32 v2, v18;
	[tilespmem:$0x1F870] =	vst v4;
	v4 =	vimm.s32 $0x0  }
0x197: {  	v4 =	vsel vm9, $0xFFFFFFFF, v4  }
0x198: {  	v21 =	vbroadcast v1, $0x8;
	vm9 =	veq.s32 v2, v19;
	[tilespmem:$0x1FD10] =	vst v4;
	v4 =	vimm.s32 $0x0  }
0x199: {  	v4 =	vsel vm9, $0xFFFFFFFF, v4  }
0x19a: {  	v17 =	vbroadcast v1, $0x9;
	vm0 =	veq.s32 v2, v21;
	[tilespmem:$0x1FD40] =	vst v4;
	v4 =	vimm.s32 $0x0  }
0x19b: {  	v29 =	vbroadcast v1, $0xF;
	v4 =	vsel vm0, $0xFFFFFFFF, v4  }
0x19c: {  	v3 =	vbroadcast v1, $0x7;
	vm9 =	veq.s32 v2, v17;
	[tilespmem:$0x1FA50] =	vst v4;
	v4 =	vimm.s32 $0x0  }
0x19d: {  	vm7 =	veq.s32 v2, v29;
	[tilespmem:$0x1F8B0] =	vst v9;
	v9 =	vimm.s32 $0x0;
	v4 =	vsel vm9, $0xFFFFFFFF, v4  }
0x19e: {  	v9 =	vsel vm7, $0xFFFFFFFF, v9;
	vm7 =	veq.s32 v2, v16;
	[tilespmem:$0x1FCB0] =	vst v4;
	v4 =	vimm.s32 $0x0  }
0x19f: {  	v4 =	vsel vm7, $0xFFFFFFFF, v4  }
0x1a0: {  	vm0 =	veq.s32 v2, v3;
	[tilespmem:$0x1FA30] =	vst v4;
	v4 =	vimm.s32 $0x0  }
0x1a1: {  	v4 =	vsel vm0, $0xFFFFFFFF, v4  }
0x1a2: {  	vm0 =	veq.s32 v1, v18;
	[tilespmem:$0x1FA60] =	vst v4;
	v4 =	vimm.s32 $0x0  }
0x1a3: {  	v4 =	vsel vm0, $0xFFFFFFFF, v4  }
0x1a4: {  	v24 =	vbroadcast v1, $0x6;
	vm0 =	veq.s32 v1, v19;
	[tilespmem:$0x1FA10] =	vst v4;
	v4 =	vimm.s32 $0x0  }
0x1a5: {  	v4 =	vsel vm0, $0xFFFFFFFF, v4  }
0x1a6: {  	vm0 =	veq.s32 v2, v24;
	[tilespmem:$0x1FA40] =	vst v4;
	v4 =	vimm.s32 $0x0  }
0x1a7: {  	v4 =	vsel vm0, $0xFFFFFFFF, v4  }
0x1a8: {  	vm0 =	veq.s32 v1, v17;
	[tilespmem:$0x1FA80] =	vst v4;
	v4 =	vimm.s32 $0x0  }
0x1a9: {  	v4 =	vsel vm0, $0xFFFFFFFF, v4  }
0x1aa: {  	vm5 =	veq.s32 v2, v20;
	v26 =	vbroadcast v1, $0x5;
	[tilespmem:$0x1F9E0] =	vst v4;
	v4 =	vimm.s32 $0x0  }
0x1ab: {  	v4 =	vsel vm5, $0xFFFFFFFF, v4  }
0x1ac: {  	vm0 =	veq.s32 v2, v26;
	[tilespmem:$0x1FA70] =	vst v4;
	v4 =	vimm.s32 $0x0  }
0x1ad: {  	v4 =	vsel vm0, $0xFFFFFFFF, v4  }
0x1ae: {  	vm0 =	veq.s32 v1, v21;
	[tilespmem:$0x1FAA0] =	vst v4;
	v4 =	vimm.s32 $0x0  }
0x1af: {  	v4 =	vsel vm0, $0xFFFFFFFF, v4  }
0x1b0: {  	v28 =	vbroadcast v1, $0x4;
	vm0 =	veq.s32 v1, v22;
	[tilespmem:$0x1F9C0] =	vst v4;
	v4 =	vimm.s32 $0x0  }
0x1b1: {  	v4 =	vsel vm0, $0xFFFFFFFF, v4  }
0x1b2: {  	vm0 =	veq.s32 v2, v28;
	[tilespmem:$0x1FA20] =	vst v4;
	v4 =	vimm.s32 $0x0  }
0x1b3: {  	v4 =	vsel vm0, $0xFFFFFFFF, v4;
	vm0 =	veq.s32 v1, v3;
	v3 =	vimm.s32 $0x0  }
0x1b4: {  	[tilespmem:s26+$0x800] =	vst v8;
	v3 =	vsel vm0, $0xFFFFFFFF, v3  }
0x1b5: {  	vm3 =	veq.s32 v2, v23;
	v8 =	vbroadcast v1, $0x3;
	[tilespmem:$0x1F980] =	vst v3;
	v3 =	vimm.s32 $0x0  }
0x1b6: {  	v3 =	vsel vm3, $0xFFFFFFFF, v3  }
0x1b7: {  	vm0 =	veq.s32 v2, v8;
	[tilespmem:$0x1FA90] =	vst v3;
	v3 =	vimm.s32 $0x0  }
0x1b8: {  	v3 =	vsel vm0, $0xFFFFFFFF, v3  }
0x1b9: {  	vm0 =	veq.s32 v1, v24;
	[tilespmem:$0x1FAC0] =	vst v3;
	v3 =	vimm.s32 $0x0  }
0x1ba: {  	v3 =	vsel vm0, $0xFFFFFFFF, v3  }
0x1bb: {  	v31 =	vbroadcast v1, $0x2;
	vm0 =	veq.s32 v1, v25;
	[tilespmem:$0x1F920] =	vst v3;
	v3 =	vimm.s32 $0x0  }
0x1bc: {  	v3 =	vsel vm0, $0xFFFFFFFF, v3  }
0x1bd: {  	vm0 =	veq.s32 v2, v31;
	[tilespmem:$0x1FA00] =	vst v3;
	v3 =	vimm.s32 $0x0  }
0x1be: {  	v3 =	vsel vm0, $0xFFFFFFFF, v3  }
0x1bf: {  	vm0 =	veq.s32 v1, v26;
	[tilespmem:$0x1FAE0] =	vst v3;
	v3 =	vimm.s32 $0x0  }
0x1c0: {  	v3 =	vsel vm0, $0xFFFFFFFF, v3  }
0x1c1: {  	vm9 =	veq.s32 v2, v27;
	[tilespmem:$0x1FAF0] =	vst v3;
	v3 =	vimm.s32 $0x0  }
0x1c2: {  	v3 =	vsel vm9, $0xFFFFFFFF, v3  }
0x1c3: {  	vm0 =	veq.s32 v1, v28;
	[tilespmem:$0x1FB60] =	vst v3;
	v3 =	vimm.s32 $0x0  }
0x1c4: {  	v3 =	vsel vm0, $0xFFFFFFFF, v3  }
0x1c5: {  	vm0 =	veq.s32 v1, v29;
	[tilespmem:$0x1FB00] =	vst v3;
	v3 =	vimm.s32 $0x0  }
0x1c6: {  	v3 =	vsel vm0, $0xFFFFFFFF, v3  }
0x1c7: {  	v47 =	vbroadcast v1, $0x0;
	vm1 =	veq.s32 v2, v30;
	[tilespmem:$0x1FB90] =	vst v3;
	v3 =	vimm.s32 $0x0  }
0x1c8: {  	v3 =	vsel vm1, $0xFFFFFFFF, v3  }
0x1c9: {  	v48 =	vbroadcast v1, $0x1;
	vm0 =	veq.s32 v2, v47;
	[tilespmem:$0x1FAD0] =	vst v3;
	v3 =	vimm.s32 $0x0  }
0x1ca: {  	v3 =	vsel vm0, $0xFFFFFFFF, v3  }
0x1cb: {  	vm0 =	veq.s32 v2, v48;
	[tilespmem:$0x1F950] =	vst v3;
	v3 =	vimm.s32 $0x0  }
0x1cc: {  	v3 =	vsel vm0, $0xFFFFFFFF, v3  }
0x1cd: {  	vm0 =	veq.s32 v1, v45;
	[tilespmem:$0x1F940] =	vst v3;
	v3 =	vimm.s32 $0x0  }
0x1ce: {  	v3 =	vsel vm0, $0xFFFFFFFF, v3  }
0x1cf: {  	[tilespmem:$0x1F9F0] =	vst v3;
	v3 =	vsel vm9, $0x1, v0  }
0x1d0: {  	[tilespmem:$0x1FBC0] =	vst v3;
	v3 =	vld [tilespmem:$0x1FFF0];
	_ =	sdelay $0x4  }
0x1d1: {  	vm9 =	vnez.u8 v3;
	v3 =	vimm.s32 $0x0  }
0x1d2: {  	v3 =	vsel vm14, $0xFFFFFFFF, v3  }
0x1d3: {  	vm0 =	vmmov vm14;
	vm14 =	vmand vm14, vm9;
	[tilespmem:$0x1F990] =	vst v3;
	v3 =	vimm.s32 $0x0  }
0x1d4: {  	v3 =	vsel vm14, $0xFFFFFFFF, v3  }
0x1d5: {  	[tilespmem:$0x1FD80] =	vst v3;
	v3 =	vsel vm1, $0x1, v0  }
0x1d6: {  	vm2 =	veq.s32 v1, v47;
	[tilespmem:$0x1FB50] =	vst v3;
	v3 =	vimm.s32 $0x0  }
0x1d7: {  	v3 =	vsel vm2, $0xFFFFFFFF, v3  }
0x1d8: {  	vm9 =	vmand vm2, vm9;
	[tilespmem:$0x1FB20] =	vst v3;
	v3 =	vimm.s32 $0x0  }
0x1d9: {  	v3 =	vsel vm9, $0xFFFFFFFF, v3  }
0x1da: {  	vm9 =	vmneg vm0;
	[tilespmem:$0x1FD90] =	vst v3;
	v3 =	vimm.s32 $0x0  }
0x1db: {  	v3 =	vsel vm9, $0xFFFFFFFF, v3  }
0x1dc: {  	vm9 =	vmneg vm2;
	[tilespmem:$0x1FDA0] =	vst v3;
	v3 =	vimm.s32 $0x0  }
0x1dd: {  	v3 =	vsel vm9, $0xFFFFFFFF, v3  }
0x1de: {  	[tilespmem:$0x1FDB0] =	vst v3;
	v3 =	vld [tilespmem:$0x1F960];
	_ =	sdelay $0x4  }
0x1df: {  	vm9 =	vcmask $0x704;
	vm0 =	vnez.u8 v3  }
0x1e0: {  	v3 =	vimm.s32 $0x0;
	vm14 =	vmand vm0, vm9  }
0x1e1: {  	v3 =	vsel vm14, $0xFFFFFFFF, v3  }
0x1e2: {  	[tilespmem:$0x1FDD0] =	vst v3;
	v3 =	vld [tilespmem:$0x1F830];
	_ =	sdelay $0x4  }
0x1e3: {  	vm4 =	veq.s32 v1, v48;
	vm1 =	vnez.u8 v3;
	v3 =	vimm.s32 $0x0  }
0x1e4: {  	v3 =	vsel vm4, $0xFFFFFFFF, v3  }
0x1e5: {  	vm9 =	vmand vm4, vm9;
	[tilespmem:$0x1FB30] =	vst v3;
	v3 =	vimm.s32 $0x0  }
0x1e6: {  	v3 =	vsel vm9, $0xFFFFFFFF, v3  }
0x1e7: {  	vm9 =	vmneg vm0;
	[tilespmem:$0x1FDE0] =	vst v3;
	v3 =	vimm.s32 $0x0  }
0x1e8: {  	v3 =	vsel vm9, $0xFFFFFFFF, v3  }
0x1e9: {  	[tilespmem:$0x1FDF0] =	vst v3;
	v3 =	vld [tilespmem:$0x1F840];
	_ =	sdelay $0x4  }
0x1ea: {  	vm0 =	vnez.u8 v3  }
0x1eb: {  	v3 =	vsel vm0, $0x1, v0  }
0x1ec: {  	vm9 =	vmneg vm4;
	[tilespmem:$0x1FBB0] =	vst v3;
	v3 =	vimm.s32 $0x0  }
0x1ed: {  	v3 =	vsel vm9, $0xFFFFFFFF, v3  }
0x1ee: {  	[tilespmem:$0x1FE00] =	vst v3;
	v3 =	vld [tilespmem:$0x1F850];
	_ =	sdelay $0x3  }
0x1ef: {  	vm9 =	vcmask $0xB08  }
0x1f0: {  	vm14 =	vmand vm12, vm9;
	vm0 =	vnez.u8 v3;
	v3 =	vimm.s32 $0x0  }
0x1f1: {  	v3 =	vsel vm14, $0xFFFFFFFF, v3  }
0x1f2: {  	vm6 =	veq.s32 v1, v31;
	[tilespmem:$0x1FE20] =	vst v3;
	v3 =	vimm.s32 $0x0  }
0x1f3: {  	v3 =	vsel vm6, $0xFFFFFFFF, v3  }
0x1f4: {  	vm9 =	vmand vm6, vm9;
	[tilespmem:$0x1FB40] =	vst v3;
	v3 =	vimm.s32 $0x0  }
0x1f5: {  	v3 =	vsel vm9, $0xFFFFFFFF, v3  }
0x1f6: {  	vm9 =	vmneg vm12;
	[tilespmem:$0x1FE40] =	vst v3;
	v3 =	vimm.s32 $0x0  }
0x1f7: {  	v3 =	vsel vm9, $0xFFFFFFFF, v3  }
0x1f8: {  	[tilespmem:$0x1FE30] =	vst v3;
	v3 =	vld [tilespmem:$0x1F860];
	_ =	sdelay $0x3  }
0x1f9: {  	[tilespmem:$0x1F9B0] =	vst v7;
	v7 =	vsel vm0, $0x1, v0  }
0x1fa: {  	vm9 =	vmneg vm6;
	vm0 =	vnez.u8 v3;
	v3 =	vimm.s32 $0x0  }
0x1fb: {  	vm13 =	veq.s32 v2, v11;
	v3 =	vsel vm9, $0xFFFFFFFF, v3;
	vm9 =	vcmask $0xF0C  }
0x1fc: {  	[tilespmem:$0x1FE50] =	vst v3;
	vm14 =	vmand vm13, vm9;
	v3 =	vimm.s32 $0x0  }
0x1fd: {  	v3 =	vsel vm14, $0xFFFFFFFF, v3  }
0x1fe: {  	[tilespmem:$0x1FE60] =	vst v3;
	v3 =	vld [tilespmem:$0x1F870];
	_ =	sdelay $0x4  }
0x1ff: {  	v15 =	vsel vm5, $0x1, v0;
	vm5 =	vnez.u8 v3;
	v3 =	vld [tilespmem:$0x1F880];
	_ =	sdelay $0x3  }
0x200: {  	vm10 =	veq.s32 v1, v8  }
0x201: {  	[tilespmem:$0x1FBA0] =	vst v6;
	v6 =	vsel vm0, $0x1, v0;
	vm0 =	vnez.u8 v3;
	v3 =	vimm.s32 $0x0  }
0x202: {  	v3 =	vsel vm10, $0xFFFFFFFF, v3  }
0x203: {  	vm9 =	vmand vm10, vm9;
	[tilespmem:$0x1FB10] =	vst v3;
	v3 =	vimm.s32 $0x0  }
0x204: {  	v3 =	vsel vm9, $0xFFFFFFFF, v3  }
0x205: {  	[tilespmem:$0x1FE80] =	vst v3;
	v3 =	vld [tilespmem:$0x1F890];
	_ =	sdelay $0x4  }
0x206: {  	v18 =	vsel vm7, $0x1, v0;
	vm7 =	vnez.u8 v3;
	v3 =	vld [tilespmem:$0x1F8A0];
	_ =	sdelay $0x3  }
0x207: {  	v8 =	vsel vm0, $0x1, v0  }
0x208: {  	vm9 =	vmneg vm13;
	vm0 =	vnez.u8 v3;
	v3 =	vimm.s32 $0x0  }
0x209: {  	v3 =	vsel vm9, $0xFFFFFFFF, v3  }
0x20a: {  	[tilespmem:$0x1FE70] =	vst v3;
	v3 =	vld [tilespmem:$0x1F8B0];
	_ =	sdelay $0x4  }
0x20b: {  	vm9 =	vmneg vm10;
	vm4 =	vnez.u8 v3;
	v3 =	vimm.s32 $0x0  }
0x20c: {  	vm11 =	veq.s32 v2, v12;
	v3 =	vsel vm9, $0xFFFFFFFF, v3;
	vm9 =	vcmask $0x1310  }
0x20d: {  	[tilespmem:$0x1FE90] =	vst v3;
	vm14 =	vmand vm11, vm9;
	v3 =	vimm.s32 $0x0  }
0x20e: {  	v3 =	vsel vm14, $0xFFFFFFFF, v3  }
0x20f: {  	[tilespmem:$0x1FEA0] =	vst v3;
	v3 =	vld [tilespmem:$0x1F8C0];
	_ =	sdelay $0x4  }
0x210: {  	v10 =	vsel vm0, $0x1, v0;
	vm0 =	vnez.u8 v3;
	v3 =	vld [tilespmem:$0x1FB00];
	_ =	sdelay $0x4  }
0x211: {  	[tilespmem:$0x1FBD0] =	vst v9;
	v9 =	vsel vm1, $0x1, v0;
	vm1 =	vnez.u8 v3  }
0x212: {  	v3 =	vimm.s32 $0x0;
	vm9 =	vmand vm1, vm9  }
0x213: {  	v3 =	vsel vm9, $0xFFFFFFFF, v3  }
0x214: {  	vm9 =	vmneg vm11;
	[tilespmem:$0x1FEC0] =	vst v3;
	v3 =	vimm.s32 $0x0  }
0x215: {  	v3 =	vsel vm9, $0xFFFFFFFF, v3  }
0x216: {  	[tilespmem:$0x1FEB0] =	vst v3;
	v3 =	vld [tilespmem:$0x1F8D0];
	_ =	sdelay $0x4  }
0x217: {  	vm2 =	vnez.u8 v3;
	v3 =	vld [tilespmem:$0x1F8E0];
	_ =	sdelay $0x3  }
0x218: {  	v11 =	vsel vm0, $0x1, v0  }
0x219: {  	vm9 =	vmneg vm1;
	vm0 =	vnez.u8 v3;
	v3 =	vimm.s32 $0x0  }
0x21a: {  	[tilespmem:$0x1F8F0] =	vst v35;
	v3 =	vsel vm9, $0xFFFFFFFF, v3  }
0x21b: {  	[tilespmem:$0x1FED0] =	vst v3;
	v3 =	vld [tilespmem:$0x1F8F0];
	_ =	sdelay $0x3  }
0x21c: {  	v13 =	vsel vm0, $0x1, v0;
	vm9 =	vcmask $0x1714  }
0x21d: {  	vm14 =	vmand vm15, vm9;
	vm0 =	vnez.u8 v3;
	v3 =	vimm.s32 $0x0  }
0x21e: {  	v3 =	vsel vm14, $0xFFFFFFFF, v3  }
0x21f: {  	[tilespmem:$0x1FEE0] =	vst v3;
	v3 =	vld [tilespmem:$0x1FAF0];
	_ =	sdelay $0x4  }
0x220: {  	vm1 =	vnez.u8 v3  }
0x221: {  	v14 =	vsel vm0, $0x1, v0;
	v3 =	vimm.s32 $0x0;
	vm0 =	vmand vm1, vm9  }
0x222: {  	v3 =	vsel vm0, $0xFFFFFFFF, v3  }
0x223: {  	vm0 =	vmneg vm15;
	[tilespmem:$0x1FF00] =	vst v3;
	v3 =	vimm.s32 $0x0  }
0x224: {  	v3 =	vsel vm0, $0xFFFFFFFF, v3  }
0x225: {  	[tilespmem:$0x1FEF0] =	vst v3;
	v3 =	vld [tilespmem:$0x1F900];
	_ =	sdelay $0x4  }
0x226: {  	vm0 =	vnez.u8 v3  }
0x227: {  	v3 =	vimm.s32 $0x0;
	v16 =	vsel vm0, $0x1, v0;
	vm0 =	vmneg vm1  }
0x228: {  	v3 =	vsel vm0, $0xFFFFFFFF, v3;
	vm0 =	vcmask $0x1B18  }
0x229: {  	v12 =	vsel vm3, $0x1, v0;
	[tilespmem:$0x1FF10] =	vst v3;
	vm3 =	vmand vm2, vm0;
	v3 =	vimm.s32 $0x0  }
0x22a: {  	v3 =	vsel vm3, $0xFFFFFFFF, v3  }
0x22b: {  	[tilespmem:$0x1FF20] =	vst v3;
	v3 =	vld [tilespmem:$0x1F910];
	_ =	sdelay $0x4  }
0x22c: {  	vm1 =	vnez.u8 v3;
	v3 =	vld [tilespmem:$0x1F920];
	_ =	sdelay $0x4  }
0x22d: {  	vm6 =	vnez.u8 v3  }
0x22e: {  	v3 =	vimm.s32 $0x0;
	vm0 =	vmand vm6, vm0  }
0x22f: {  	v3 =	vsel vm0, $0xFFFFFFFF, v3  }
0x230: {  	[tilespmem:$0x1FF40] =	vst v3;
	v3 =	vld [tilespmem:$0x1F930];
	_ =	sdelay $0x4  }
0x231: {  	vm0 =	vnez.u8 v3  }
0x232: {  	v3 =	vimm.s32 $0x0;
	v19 =	vsel vm0, $0x1, v0;
	vm0 =	vmneg vm2  }
0x233: {  	v3 =	vsel vm0, $0xFFFFFFFF, v3  }
0x234: {  	vm0 =	vmneg vm6;
	[tilespmem:$0x1FF30] =	vst v3;
	v3 =	vimm.s32 $0x0  }
0x235: {  	v3 =	vsel vm0, $0xFFFFFFFF, v3;
	vm0 =	vcmask $0x1F1C  }
0x236: {  	v17 =	vsel vm1, $0x1, v0;
	[tilespmem:$0x1FF50] =	vst v3;
	vm1 =	vmand vm4, vm0;
	v3 =	vimm.s32 $0x0  }
0x237: {  	v3 =	vsel vm1, $0xFFFFFFFF, v3  }
0x238: {  	[tilespmem:$0x1FCD0] =	vst v3;
	v3 =	vld [tilespmem:$0x1F940];
	_ =	sdelay $0x3  }
0x239: {  	v28 =	vsel vm4, $0x1, v0  }
0x23a: {  	v30 =	vsel vm2, $0x1, v0;
	vm2 =	vmmov vm4;
	vm4 =	vnez.u8 v3;
	v3 =	vld [tilespmem:$0x1F950];
	_ =	sdelay $0x4  }
0x23b: {  	v32 =	vsel vm11, $0x1, v0;
	vm11 =	vnez.u8 v3  }
0x23c: {  	v3 =	vimm.s32 $0x0;
	vm1 =	vmor vm11, vm4  }
0x23d: {  	v3 =	vsel vm1, $0xFFFFFFFF, v3  }
0x23e: {  	[tilespmem:$0x1FB80] =	vst v3;
	v3 =	vld [tilespmem:$0x1F960];
	_ =	sdelay $0x4  }
0x23f: {  	vm1 =	vnez.u8 v3;
	v3 =	vld [tilespmem:$0x1F970];
	_ =	sdelay $0x4  }
0x240: {  	v36 =	vsel vm1, $0x1, v0;
	vm1 =	vnez.u8 v3;
	v3 =	vld [tilespmem:$0x1F980];
	_ =	sdelay $0x4  }
0x241: {  	vm10 =	vnez.u8 v3  }
0x242: {  	v3 =	vimm.s32 $0x0;
	vm0 =	vmand vm10, vm0  }
0x243: {  	v3 =	vsel vm0, $0xFFFFFFFF, v3  }
0x244: {  	[tilespmem:$0x1FC90] =	vst v3;
	v3 =	vld [tilespmem:$0x1F990];
	_ =	sdelay $0x4  }
0x245: {  	vm0 =	vnez.u8 v3;
	v3 =	vld [tilespmem:$0x1F9A0];
	_ =	sdelay $0x4  }
0x246: {  	[tilespmem:$0x1FBF0] =	vst v33;
	v33 =	vsel vm0, $0x1, v0;
	vm0 =	vnez.u8 v3  }
0x247: {  	v3 =	vimm.s32 $0x0;
	v21 =	vsel vm0, $0x1, v0;
	vm0 =	vmneg vm2  }
0x248: {  	v3 =	vsel vm0, $0xFFFFFFFF, v3  }
0x249: {  	[tilespmem:$0x1FF60] =	vst v3;
	v3 =	vld [tilespmem:$0x1FBD0];
	_ =	sdelay $0x4  }
0x24a: {  	vm0 =	vnez.u8 v3  }
0x24b: {  	v3 =	vimm.s32 $0x0;
	v42 =	vsel vm0, $0x1, v0;
	vm0 =	vmneg vm10  }
0x24c: {  	v3 =	vsel vm0, $0xFFFFFFFF, v3;
	vm0 =	vcmask $0x2320  }
0x24d: {  	v20 =	vsel vm1, $0x1, v0;
	[tilespmem:$0x1FC00] =	vst v3;
	vm1 =	vmand vm7, vm0;
	v3 =	vimm.s32 $0x0  }
0x24e: {  	v3 =	vsel vm1, $0xFFFFFFFF, v3  }
0x24f: {  	[tilespmem:$0x1FF80] =	vst v3;
	v3 =	vld [tilespmem:$0x1F9B0];
	_ =	sdelay $0x4  }
0x250: {  	vm1 =	vnez.u8 v3;
	v3 =	vld [tilespmem:$0x1F9C0];
	_ =	sdelay $0x4  }
0x251: {  	vm2 =	vnez.u8 v3  }
0x252: {  	v3 =	vimm.s32 $0x0;
	vm0 =	vmand vm2, vm0  }
0x253: {  	v3 =	vsel vm0, $0xFFFFFFFF, v3  }
0x254: {  	vm0 =	vmneg vm7;
	[tilespmem:$0x1FFA0] =	vst v3;
	v3 =	vimm.s32 $0x0  }
0x255: {  	v3 =	vsel vm0, $0xFFFFFFFF, v3  }
0x256: {  	[tilespmem:$0x1FF90] =	vst v3;
	v3 =	vld [tilespmem:$0x1FBA0];
	_ =	sdelay $0x4  }
0x257: {  	vm0 =	vnez.u8 v3;
	v3 =	vld [tilespmem:$0x1F9D0];
	_ =	sdelay $0x4  }
0x258: {  	v44 =	vsel vm0, $0x1, v0;
	vm0 =	vnez.u8 v3  }
0x259: {  	v3 =	vimm.s32 $0x0;
	v25 =	vsel vm0, $0x1, v0;
	vm0 =	vmneg vm2  }
0x25a: {  	v3 =	vsel vm0, $0xFFFFFFFF, v3  }
0x25b: {  	[tilespmem:$0x1FC50] =	vst v3;
	v3 =	vld [tilespmem:$0x1FC20];
	_ =	sdelay $0x4  }
0x25c: {  	vm0 =	vnez.u8 v3;
	v3 =	vld [tilespmem:$0x1FB90];
	_ =	sdelay $0x4  }
0x25d: {  	v43 =	vsel vm0, $0x1, v0;
	vm0 =	vnez.u8 v3  }
0x25e: {  	v27 =	vsel vm0, $0x1, v0;
	vm0 =	vcmask $0x2724  }
0x25f: {  	v23 =	vsel vm1, $0x1, v0;
	v3 =	vimm.s32 $0x0;
	vm1 =	vmand vm5, vm0  }
0x260: {  	v3 =	vsel vm1, $0xFFFFFFFF, v3  }
0x261: {  	[tilespmem:$0x1FFB0] =	vst v3;
	v3 =	vld [tilespmem:$0x1FD60];
	_ =	sdelay $0x4  }
0x262: {  	vm1 =	vnez.u8 v3;
	v3 =	vld [tilespmem:$0x1F9E0];
	_ =	sdelay $0x4  }
0x263: {  	v26 =	vsel vm7, $0x1, v0;
	vm7 =	vnez.u8 v3  }
0x264: {  	v3 =	vimm.s32 $0x0;
	vm0 =	vmand vm7, vm0  }
0x265: {  	v3 =	vsel vm0, $0xFFFFFFFF, v3  }
0x266: {  	vm0 =	vmneg vm5;
	[tilespmem:$0x1FFD0] =	vst v3;
	v3 =	vimm.s32 $0x0  }
0x267: {  	v3 =	vsel vm0, $0xFFFFFFFF, v3  }
0x268: {  	[tilespmem:$0x1FFC0] =	vst v3;
	v3 =	vld [tilespmem:$0x1F9F0];
	_ =	sdelay $0x4  }
0x269: {  	vm0 =	vmneg vm7;
	vm9 =	vnez.u8 v3;
	v3 =	vimm.s32 $0x0  }
0x26a: {  	vm8 =	veq.s32 v2, v5;
	v3 =	vsel vm0, $0xFFFFFFFF, v3;
	vm0 =	vcmask $0x2B28  }
0x26b: {  	v39 =	vsel vm1, $0x1, v0;
	[tilespmem:$0x1FBE0] =	vst v3;
	vm1 =	vmand vm8, vm0;
	v3 =	vimm.s32 $0x0  }
0x26c: {  	v3 =	vsel vm1, $0xFFFFFFFF, v3  }
0x26d: {  	[tilespmem:$0x1FD70] =	vst v3;
	v3 =	vld [tilespmem:$0x1FD40];
	_ =	sdelay $0x4  }
0x26e: {  	vm1 =	vnez.u8 v3;
	v3 =	vld [tilespmem:$0x1FA00];
	_ =	sdelay $0x4  }
0x26f: {  	v24 =	vsel vm5, $0x1, v0;
	vm5 =	vnez.u8 v3;
	v3 =	vld [tilespmem:$0x1FA10];
	_ =	sdelay $0x3  }
0x270: {  	v22 =	vsel vm8, $0x1, v0  }
0x271: {  	v31 =	vsel vm12, $0x1, v0;
	vm12 =	vmmov vm8;
	vm8 =	vnez.u8 v3  }
0x272: {  	v3 =	vimm.s32 $0x0;
	vm0 =	vmand vm8, vm0  }
0x273: {  	v3 =	vsel vm0, $0xFFFFFFFF, v3  }
0x274: {  	[tilespmem:$0x1FCC0] =	vst v3;
	v3 =	vld [tilespmem:$0x1FD10];
	_ =	sdelay $0x4  }
0x275: {  	v41 =	vsel vm1, $0x1, v0;
	vm1 =	vnez.u8 v3;
	v3 =	vld [tilespmem:$0x1FA20];
	_ =	sdelay $0x4  }
0x276: {  	vm0 =	vmneg vm12;
	vm3 =	vnez.u8 v3;
	v3 =	vimm.s32 $0x0  }
0x277: {  	v3 =	vsel vm0, $0xFFFFFFFF, v3  }
0x278: {  	[tilespmem:$0x1FD30] =	vst v3;
	v3 =	vld [tilespmem:$0x1FCB0];
	_ =	sdelay $0x4  }
0x279: {  	vm0 =	vnez.u8 v3  }
0x27a: {  	v3 =	vimm.s32 $0x0;
	v46 =	vsel vm0, $0x1, v0;
	vm0 =	vmneg vm8  }
0x27b: {  	v3 =	vsel vm0, $0xFFFFFFFF, v3  }
0x27c: {  	[tilespmem:$0x1FD50] =	vst v3;
	v3 =	vld [tilespmem:$0x1FA30];
	_ =	sdelay $0x4  }
0x27d: {  	v45 =	vsel vm1, $0x1, v0;
	vm1 =	vcmask $0x2F2C;
	vm12 =	vnez.u8 v3  }
0x27e: {  	v3 =	vimm.s32 $0x0;
	vm0 =	vmand vm12, vm1  }
0x27f: {  	v3 =	vsel vm0, $0xFFFFFFFF, v3  }
0x280: {  	[tilespmem:$0x1FD00] =	vst v3;
	v3 =	vld [tilespmem:$0x1FA40];
	_ =	sdelay $0x4  }
0x281: {  	vm0 =	vnez.u8 v3  }
0x282: {  	v3 =	vimm.s32 $0x0;
	vm1 =	vmand vm0, vm1  }
0x283: {  	v3 =	vsel vm1, $0xFFFFFFFF, v3  }
0x284: {  	vm1 =	vmneg vm12;
	[tilespmem:$0x1FD20] =	vst v3;
	v3 =	vimm.s32 $0x0  }
0x285: {  	v3 =	vsel vm1, $0xFFFFFFFF, v3  }
0x286: {  	[tilespmem:$0x1FCF0] =	vst v3;
	v3 =	vld [tilespmem:$0x1FA50];
	_ =	sdelay $0x3  }
0x287: {  	v40 =	vsel vm0, $0x1, v0  }
0x288: {  	vm0 =	vmneg vm0;
	vm14 =	vnez.u8 v3;
	v3 =	vimm.s32 $0x0  }
0x289: {  	v3 =	vsel vm0, $0xFFFFFFFF, v3  }
0x28a: {  	[tilespmem:$0x1FCE0] =	vst v3;
	v3 =	vld [tilespmem:$0x1FA60];
	_ =	sdelay $0x4  }
0x28b: {  	v48 =	vsel vm8, $0x1, v0;
	vm8 =	vnez.u8 v3;
	v3 =	vld [tilespmem:$0x1FA70];
	_ =	sdelay $0x4  }
0x28c: {  	vm1 =	vcmask $0x3330;
	vm0 =	vnez.u8 v3  }
0x28d: {  	v50 =	vsel vm7, $0x1, v0;
	v3 =	vimm.s32 $0x0;
	vm7 =	vmand vm0, vm1  }
0x28e: {  	v3 =	vsel vm7, $0xFFFFFFFF, v3  }
0x28f: {  	[tilespmem:$0x1FC80] =	vst v3;
	v3 =	vld [tilespmem:$0x1FA80];
	_ =	sdelay $0x3  }
0x290: {  	v34 =	vsel vm15, $0x1, v0  }
0x291: {  	vm1 =	vmand vm3, vm1;
	vm15 =	vnez.u8 v3;
	v3 =	vimm.s32 $0x0  }
0x292: {  	v3 =	vsel vm1, $0xFFFFFFFF, v3  }
0x293: {  	vm0 =	vmneg vm0;
	[tilespmem:$0x1FCA0] =	vst v3;
	v3 =	vimm.s32 $0x0  }
0x294: {  	v3 =	vsel vm0, $0xFFFFFFFF, v3  }
0x295: {  	vm0 =	vmneg vm3;
	[tilespmem:$0x1FC40] =	vst v3;
	v3 =	vimm.s32 $0x0  }
0x296: {  	v3 =	vsel vm0, $0xFFFFFFFF, v3  }
0x297: {  	[tilespmem:$0x1FC60] =	vst v3;
	v3 =	vld [tilespmem:$0x1FA90];
	_ =	sdelay $0x4  }
0x298: {  	v38 =	vsel vm3, $0x1, v0;
	vm1 =	vcmask $0x3734;
	vm3 =	vnez.u8 v3  }
0x299: {  	v3 =	vimm.s32 $0x0;
	vm0 =	vmand vm3, vm1  }
0x29a: {  	v3 =	vsel vm0, $0xFFFFFFFF, v3  }
0x29b: {  	[tilespmem:$0x1FC30] =	vst v3;
	v3 =	vld [tilespmem:$0x1FAA0];
	_ =	sdelay $0x3  }
0x29c: {  	v52 =	vsel vm2, $0x1, v0  }
0x29d: {  	vm0 =	vmand vm5, vm1;
	vm2 =	vnez.u8 v3;
	v3 =	vimm.s32 $0x0  }
0x29e: {  	[tilespmem:$0x1FAB0] =	vst v4;
	v3 =	vsel vm0, $0xFFFFFFFF, v3  }
0x29f: {  	[tilespmem:$0x1FC10] =	vst v3;
	v3 =	vld [tilespmem:$0x1FAB0];
	_ =	sdelay $0x4  }
0x2a0: {  	vm0 =	vnez.u8 v3;
	v3 =	vld [tilespmem:$0x1FAC0];
	_ =	sdelay $0x4  }
0x2a1: {  	v35 =	vsel vm5, $0x1, v0;
	vm1 =	vmmov vm5;
	vm5 =	vnez.u8 v3;
	v3 =	vld [tilespmem:$0x1FAD0];
	_ =	sdelay $0x4  }
0x2a2: {  	v54 =	vsel vm10, $0x1, v0;
	vm10 =	vnez.u8 v3;
	v3 =	vld [tilespmem:$0x1FAE0];
	_ =	sdelay $0x4  }
0x2a3: {  	vm12 =	vnez.u8 v3;
	v3 =	vld [tilespmem:$0x1FAF0];
	_ =	sdelay $0x4  }
0x2a4: {  	v37 =	vsel vm13, $0x1, v0;
	vm13 =	vnez.u8 v3;
	v3 =	vld [tilespmem:$0x1FB00];
	_ =	sdelay $0x4  }
0x2a5: {  	v60 =	vsel vm11, $0x1, v0;
	vm11 =	vnez.u8 v3;
	v3 =	vld [tilespmem:$0x1FB10]  }
0x2a6: {  	v62 =	vsel vm4, $0x1, v0  }
0x2a7: {  	v4 =	vld [tilespmem:$0x1FB30]  }
0x2a8: {  	v5 =	vld [tilespmem:$0x1FB40]  }
0x2a9: {  	v60 =	vadd.s32 v62, v60;
	v62 =	vmov v9;
	v9 =	vld [tilespmem:$0x1FB50]  }
0x2aa: {  	vm4 =	vnez.u8 v3;
	v3 =	vld [tilespmem:$0x1FB20];
	[tilespmem:$0x1FB70] =	vst v1  }
0x2ab: {  	v1 =	vld [tilespmem:$0x1FB60];
	_ =	sdelay $0x2  }
0x2ac: {  	v56 =	vsel vm6, $0x1, v0;
	v29 =	vsel vm9, $0x1, v0;
	vm7 =	vcmask $0x3B38  }
0x2ad: {  	vm6 =	vmneg vm1;
	vm1 =	vmand vm10, vm7;
	vm7 =	vmand vm9, vm7  }
0x2ae: {  	v61 =	vsel vm11, $0x1, v0;
	vm11 =	vmneg vm9;
	vm9 =	vnez.u8 v1;
	v1 =	vld [tilespmem:$0x1FB70];
	_ =	sdelay $0x4  }
0x2af: {  	[tilespmem:$0x1FB70] =	vst v1  }
0x2b0: {  	v1 =	vld [tilespmem:$0x1FB80];
	_ =	sdelay $0x1  }
0x2b1: {  	v63 =	vsel vm4, $0x1, v0;
	vm4 =	vnez.u8 v3  }
0x2b2: {  	v3 =	vsel vm4, $0x1, v0;
	vm4 =	vnez.u8 v4  }
0x2b3: {  	v4 =	vsel vm4, $0x1, v0;
	vm4 =	vnez.u8 v5  }
0x2b4: {  	v5 =	vsel vm4, $0x1, v0;
	vm4 =	vnez.u8 v1;
	v1 =	vld [tilespmem:$0x1FB70]  }
0x2b5: {  	v3 =	vadd.s32 v4, v3;
	v4 =	vld [tilespmem:$0x1FB90];
	_ =	sdelay $0x3  }
0x2b6: {  	v58 =	vsel vm12, $0x1, v0  }
0x2b7: {  	vm12 =	vmor vm4, vm12;
	vm4 =	vnez.u8 v4;
	v4 =	vadd.s32 v58, v60;
	v60 =	vld [tilespmem:$0x1FBD0]  }
0x2b8: {  	v3 =	vadd.s32 v5, v3  }
0x2b9: {  	v57 =	vsel vm5, $0x1, v0;
	vm10 =	vmneg vm10;
	v3 =	vadd.s32 v63, v3  }
0x2ba: {  	vm12 =	vmor vm12, vm5;
	vm5 =	vcmask $0x3F3C;
	v58 =	vld [tilespmem:$0x1FBE0];
	vm11 =	vmand vm4, vm11  }
0x2bb: {  	v59 =	vsel vm13, $0x1, v0;
	v3 =	vadd.s32 v61, v3;
	v61 =	vld [tilespmem:$0x1FC00];
	vm11 =	vmand vm11, vm5  }
0x2bc: {  	vm10 =	vmand vm9, vm10;
	vm7 =	vmor vm7, vm11;
	vm11 =	vnez.u8 v60;
	v60 =	vld [tilespmem:$0x1FBF0]  }
0x2bd: {  	v53 =	vsel vm2, $0x1, v0;
	v3 =	vadd.s32 v59, v3;
	v59 =	vld [tilespmem:$0x1FC70];
	vm10 =	vmand vm10, vm5  }
0x2be: {  	vm1 =	vmor vm1, vm10;
	vm10 =	vmor vm12, vm0;
	v4 =	vadd.s32 v57, v4;
	v57 =	vld [tilespmem:$0x1FC10]  }
0x2bf: {  	v3 =	vadd.s32 v56, v3;
	vm2 =	vmor vm10, vm2;
	vm10 =	vnez.u8 v58;
	v58 =	vld [tilespmem:$0x1FC20]  }
0x2c0: {  	v3 =	vadd.s32 v54, v3;
	v54 =	vld [tilespmem:$0x1FCB0]  }
0x2c1: {  	vm6 =	vmand vm6, vm7;
	vm7 =	vnez.u8 v60;
	v60 =	vld [tilespmem:$0x1FC30]  }
0x2c2: {  	v51 =	vsel vm15, $0x1, v0;
	vm2 =	vmor vm2, vm15;
	vm15 =	vnez.u8 v61;
	v61 =	vld [tilespmem:$0x1FC40]  }
0x2c3: {  	v55 =	vsel vm0, $0x1, v0;
	vm0 =	vnez.u8 v57;
	v57 =	vld [tilespmem:$0x1FC50]  }
0x2c4: {  	v4 =	vadd.s32 v55, v4;
	vm13 =	vnez.u8 v58;
	v58 =	vld [tilespmem:$0x1FC60]  }
0x2c5: {  	v47 =	vsel vm14, $0x1, v0;
	vm3 =	vmneg vm3;
	v4 =	vadd.s32 v53, v4;
	v53 =	vld [tilespmem:$0x1FCA0]  }
0x2c6: {  	vm1 =	vmand vm3, vm1;
	vm6 =	vmor vm0, vm6;
	vm0 =	vnez.u8 v60;
	v60 =	vld [tilespmem:$0x1FC80]  }
0x2c7: {  	v49 =	vsel vm8, $0x1, v0;
	vm1 =	vmor vm0, vm1;
	vm0 =	vnez.u8 v61;
	v61 =	vld [tilespmem:$0x1FC90]  }
0x2c8: {  	vm2 =	vmor vm2, vm8;
	v4 =	vadd.s32 v51, v4;
	vm8 =	vnez.u8 v57;
	v57 =	vld [tilespmem:$0x1FCE0]  }
0x2c9: {  	v4 =	vadd.s32 v49, v4;
	vm1 =	vmand vm0, vm1;
	vm0 =	vnez.u8 v58;
	v58 =	vld [tilespmem:$0x1FCF0]  }
0x2ca: {  	v4 =	vadd.s32 v47, v4;
	vm3 =	vmand vm0, vm6;
	vm6 =	vnez.u8 v59;
	v59 =	vld [tilespmem:$0x1FD00]  }
0x2cb: {  	vm2 =	vmor vm2, vm14;
	v4 =	vadd.s32 v46, v4;
	vm0 =	vnez.u8 v60;
	v60 =	vld [tilespmem:$0x1FD10]  }
0x2cc: {  	vm1 =	vmor vm0, vm1;
	vm14 =	vnez.u8 v61;
	vm0 =	vnez.u8 v53;
	v61 =	vld [tilespmem:$0x1FD20]  }
0x2cd: {  	v45 =	vadd.s32 v45, v4;
	v4 =	vld [tilespmem:$0x1FD30];
	vm4 =	vnez.u8 v57;
	vm3 =	vmor vm0, vm3  }
0x2ce: {  	vm3 =	vmand vm4, vm3;
	vm4 =	vnez.u8 v58  }
0x2cf: {  	vm0 =	vnez.u8 v54;
	vm1 =	vmand vm4, vm1;
	vm4 =	vnez.u8 v59  }
0x2d0: {  	vm2 =	vmor vm2, vm0;
	vm1 =	vmor vm4, vm1;
	vm4 =	vnez.u8 v60  }
0x2d1: {  	v3 =	vadd.s32 v52, v3;
	vm2 =	vmor vm2, vm4;
	vm4 =	vnez.u8 v61  }
0x2d2: {  	v3 =	vadd.s32 v50, v3;
	vm4 =	vmor vm4, vm3;
	vm3 =	vnez.u8 v4;
	v4 =	vld [tilespmem:$0x1FD40]  }
0x2d3: {  	v46 =	vadd.s32 v48, v3;
	v3 =	vld [tilespmem:$0x1FD50];
	_ =	sdelay $0x3  }
0x2d4: {  	vm3 =	vmand vm3, vm1;
	vm1 =	vnez.u8 v4  }
0x2d5: {  	vm1 =	vmor vm2, vm1;
	vm2 =	vnez.u8 v3;
	v3 =	vld [tilespmem:$0x1FD60];
	_ =	sdelay $0x1  }
0x2d6: {  	v5 =	vmov v7;
	v7 =	vld [tilespmem:$0x1FBA0]  }
0x2d7: {  	v56 =	vld [tilespmem:$0x1FCD0]  }
0x2d8: {  	v55 =	vld [tilespmem:$0x1FCC0]  }
0x2d9: {  	p0 =	sne.s32 s28, $0xF80;
	vm5 =	vmand vm2, vm4;
	vm2 =	vnez.u8 v3;
	v3 =	vld [tilespmem:$0x1FD70]  }
.Ltmp0:
0x2da: {  	_ = 	snop;
	(pc) =	sbr.rel @p0 .LBB2_2-.Ltmp0, $3  }
0x2db: {  	_ =	sdelay $0x1  }
0x2dc: {  	v63 =	vld [tilespmem:$0x1FBB0];
	vm12 =	vnez.u8 v7;
	vm9 =	vnez.u8 v56  }
0x2dd: {  	s28 =	sadd.s32 $0x80, s28;
	s26 =	smov.u32 s29;
	v7 =	vld [tilespmem:$0x1FBC0];
	vm0 =	vnez.u8 v55;
	vm4 =	vmor vm1, vm2;
	vm1 =	vnez.u8 v3  }
0x2de: {  	v3 =	vld [tilespmem:$0x1FFC0];
	_ =	sdelay $0x4  }
0x2df: {  	vm2 =	vnez.u8 v3;
	v3 =	vld [tilespmem:$0x1FFD0];
	_ =	sdelay $0x3  }
0x2e0: {  	vm0 =	vmor vm0, vm5  }
0x2e1: {  	vm0 =	vmand vm10, vm0;
	vm10 =	vnez.u8 v3;
	v3 =	vld [tilespmem:$0x1FFB0];
	_ =	sdelay $0x4  }
0x2e2: {  	vm5 =	vnez.u8 v3;
	v3 =	vld [tilespmem:$0x1FF90];
	_ =	sdelay $0x4  }
0x2e3: {  	vm0 =	vmor vm10, vm0;
	vm10 =	vnez.u8 v3;
	v3 =	vld [tilespmem:$0x1FFA0];
	_ =	sdelay $0x2  }
0x2e4: {  	vm1 =	vmor vm1, vm3  }
0x2e5: {  	vm1 =	vmand vm2, vm1  }
0x2e6: {  	vm1 =	vmor vm5, vm1;
	vm5 =	vnez.u8 v3;
	v3 =	vld [tilespmem:$0x1FF80];
	_ =	sdelay $0x4  }
0x2e7: {  	vm0 =	vmand vm8, vm0;
	vm8 =	vnez.u8 v3;
	v3 =	vld [tilespmem:$0x1FF60];
	_ =	sdelay $0x4  }
0x2e8: {  	vm1 =	vmand vm10, vm1;
	vm10 =	vnez.u8 v3;
	v3 =	vld [tilespmem:$0x1FF50];
	_ =	sdelay $0x2  }
0x2e9: {  	vm0 =	vmor vm5, vm0  }
0x2ea: {  	vm0 =	vmand vm15, vm0  }
0x2eb: {  	vm0 =	vmor vm14, vm0;
	vm14 =	vnez.u8 v3;
	v3 =	vld [tilespmem:$0x1FF30];
	_ =	sdelay $0x3  }
0x2ec: {  	v4 =	vld [tilespmem:$0x1FEE0]  }
0x2ed: {  	vm15 =	vnez.u8 v3;
	v3 =	vld [tilespmem:$0x1FF40];
	_ =	sdelay $0x2  }
0x2ee: {  	vm13 =	vmor vm4, vm13  }
0x2ef: {  	v59 =	vadd.s32 v40, v46;
	vm2 =	vmor vm13, vm12;
	vm13 =	vnez.u8 v4  }
0x2f0: {  	v4 =	vadd.s32 v38, v59;
	vm1 =	vmor vm8, vm1;
	vm8 =	vnez.u8 v3;
	v3 =	vld [tilespmem:$0x1FF20]  }
0x2f1: {  	v4 =	vadd.s32 v35, v4  }
0x2f2: {  	v4 =	vadd.s32 v29, v4  }
0x2f3: {  	v4 =	vadd.s32 v27, v4  }
0x2f4: {  	v4 =	vadd.s32 v25, v4;
	vm1 =	vmand vm10, vm1  }
0x2f5: {  	v4 =	vadd.s32 v23, v4;
	vm1 =	vmor vm9, vm1;
	vm9 =	vnez.u8 v3;
	v3 =	vld [tilespmem:$0x1FF10]  }
0x2f6: {  	v4 =	vadd.s32 v21, v4  }
0x2f7: {  	v4 =	vadd.s32 v20, v4  }
0x2f8: {  	v4 =	vadd.s32 v19, v4  }
0x2f9: {  	v4 =	vadd.s32 v17, v4  }
0x2fa: {  	v4 =	vadd.s32 v16, v4;
	vm10 =	vnez.u8 v3;
	v3 =	vld [tilespmem:$0x1FEF0]  }
0x2fb: {  	v4 =	vadd.s32 v14, v4  }
0x2fc: {  	v57 =	vld [tilespmem:$0x1FED0];
	v4 =	vadd.s32 v13, v4  }
0x2fd: {  	v53 =	vld [tilespmem:$0x1FDB0];
	v4 =	vadd.s32 v11, v4  }
0x2fe: {  	v54 =	vld [tilespmem:$0x1FD90];
	v4 =	vadd.s32 v10, v4;
	vm0 =	vmand vm14, vm0  }
0x2ff: {  	vm3 =	vmor vm8, vm0;
	vm0 =	vmor vm2, vm11;
	vm11 =	vnez.u8 v3;
	v3 =	vld [tilespmem:$0x1FF00]  }
0x300: {  	v58 =	vld [tilespmem:$0x1FEB0];
	v4 =	vadd.s32 v8, v4  }
0x301: {  	v60 =	vld [tilespmem:$0x1FEA0];
	v4 =	vadd.s32 v6, v4  }
0x302: {  	v4 =	vadd.s32 v5, v4  }
0x303: {  	v61 =	vld [tilespmem:$0x1FEC0];
	vm4 =	vnez.u8 v53;
	v4 =	vadd.s32 v63, v4  }
0x304: {  	v40 =	vld [tilespmem:$0x1FE70];
	vm5 =	vnez.u8 v54;
	vm12 =	vnez.u8 v3;
	v3 =	vadd.s32 v41, v45  }
0x305: {  	v46 =	vld [tilespmem:$0x1FDF0];
	vm14 =	vnez.u8 v57;
	vm1 =	vmand vm15, vm1;
	v3 =	vadd.s32 v39, v3  }
0x306: {  	v47 =	vld [tilespmem:$0x1FDD0];
	vm15 =	vnez.u8 v58;
	vm8 =	vnez.u8 v60;
	v3 =	vadd.s32 v43, v3  }
0x307: {  	v48 =	vld [tilespmem:$0x1FE40];
	vm0 =	vmneg vm0;
	vm1 =	vmor vm9, vm1;
	v3 =	vadd.s32 v44, v3  }
0x308: {  	vm9 =	vnez.u8 v61;
	vm1 =	vmand vm11, vm1;
	v41 =	vld [tilespmem:$0x1FE60];
	v3 =	vadd.s32 v42, v3  }
0x309: {  	vm2 =	vmand vm10, vm3;
	vm1 =	vmor vm13, vm1;
	v45 =	vld [tilespmem:$0x1FE50];
	v3 =	vadd.s32 v33, v3  }
0x30a: {  	vm11 =	vnez.u8 v40;
	vm1 =	vmand vm15, vm1;
	v39 =	vld [tilespmem:$0x1FE90];
	v3 =	vadd.s32 v36, v3  }
0x30b: {  	v49 =	vld [tilespmem:$0x1FDA0];
	vm1 =	vmor vm8, vm1;
	vm2 =	vmor vm12, vm2;
	v3 =	vadd.s32 v31, v3  }
0x30c: {  	vm1 =	vmand vm11, vm1;
	vm2 =	vmand vm14, vm2;
	v43 =	vld [tilespmem:$0x1FE30];
	v3 =	vadd.s32 v37, v3  }
0x30d: {  	v51 =	vld [tilespmem:$0x1FE00];
	vm11 =	vnez.u8 v48;
	vm2 =	vmor vm9, vm2;
	v3 =	vadd.s32 v32, v3  }
0x30e: {  	v44 =	vld [tilespmem:$0x1FE20];
	vm9 =	vnez.u8 v46;
	vm12 =	vnez.u8 v41;
	v3 =	vadd.s32 v34, v3  }
0x30f: {  	v42 =	vld [tilespmem:$0x1FE80];
	vm8 =	vnez.u8 v45;
	vm10 =	vnez.u8 v39;
	v3 =	vadd.s32 v30, v3  }
0x310: {  	v52 =	vld [tilespmem:$0x1FDE0];
	vm1 =	vmor vm12, vm1;
	vm12 =	vnez.u8 v49;
	v3 =	vadd.s32 v28, v3  }
0x311: {  	v50 =	vld [tilespmem:$0x1FD80];
	vm2 =	vmand vm10, vm2;
	vm14 =	vnez.u8 v43;
	v3 =	vadd.s32 v26, v3  }
0x312: {  	vm10 =	vnez.u8 v47;
	vm1 =	vmand vm14, vm1;
	v3 =	vadd.s32 v24, v3  }
0x313: {  	vm15 =	vnez.u8 v44;
	vm14 =	vnez.u8 v51;
	v3 =	vadd.s32 v22, v3  }
0x314: {  	vm13 =	vnez.u8 v42;
	vm1 =	vmor vm15, vm1;
	v3 =	vadd.s32 v18, v3  }
0x315: {  	vm15 =	vnez.u8 v52;
	vm2 =	vmor vm13, vm2;
	v3 =	vadd.s32 v15, v3  }
0x316: {  	vm1 =	vmand vm9, vm1;
	vm13 =	vnez.u8 v50;
	v3 =	vadd.s32 v12, v3  }
0x317: {  	vm2 =	vmand vm8, vm2;
	vm1 =	vmor vm10, vm1;
	v3 =	vadd.s32 v9, v3  }
0x318: {  	vm2 =	vmor vm11, vm2;
	vm1 =	vmand vm12, vm1;
	v3 =	vadd.s32 v7, v3  }
0x319: {  	vm1 =	vmor vm13, vm1;
	vm2 =	vmand vm14, vm2;
	v3 =	vshll.u32 v3, $0xD  }
0x31a: {  	vm0 =	vmand vm0, vm1;
	vm1 =	vmor vm15, vm2;
	v2 =	vsub.s32 v3, v2  }
0x31b: {  	vm0 =	vmand vm7, vm0;
	vm1 =	vmand vm4, vm1;
	v2 =	vadd.s32 $0x1FFF, v2  }
0x31c: {  	vm1 =	vmor vm5, vm1;
	v3 =	vadd.s32 v62, v4;
	v2 =	vnsel vm0, $0x0, v2  }
0x31d: {  	vm6 =	vmand vm6, vm1;
	v3 =	vshll.u32 v3, $0xD;
	v4 =	vbroadcast v2, $0x3  }
0x31e: {  	v1 =	vsub.s32 v3, v1;
	v3 =	vbroadcast v2, $0x4;
	v6 =	vbroadcast v2, $0x1  }
0x31f: {  	v1 =	vadd.s32 $0x1FFF, v1;
	v5 =	vbroadcast v2, $0x2;
	v7 =	vbroadcast v2, $0x0  }
0x320: {  	v47 =	vbroadcast v2, $0x5;
	v48 =	vbroadcast v2, $0x6;
	v1 =	vnsel vm6, $0x0, v1  }
0x321: {  	v8 =	vbroadcast v1, $0xF;
	v10 =	vbroadcast v1, $0xD  }
0x322: {  	v9 =	vbroadcast v1, $0xE;
	v11 =	vbroadcast v1, $0xB  }
0x323: {  	v12 =	vbroadcast v1, $0xC;
	v13 =	vbroadcast v1, $0x9  }
0x324: {  	v14 =	vbroadcast v1, $0xA;
	v15 =	vbroadcast v1, $0x7  }
0x325: {  	v16 =	vbroadcast v1, $0x8;
	v55 =	vbroadcast v1, $0x5  }
0x326: {  	v56 =	vbroadcast v1, $0x6;
	v57 =	vbroadcast v1, $0x0  }
0x327: {  	v58 =	vbroadcast v1, $0x1;
	v59 =	vbroadcast v1, $0x2  }
0x328: {  	v60 =	vbroadcast v1, $0x4;
	v61 =	vbroadcast v1, $0x3  }
0x329: {  	vm7 =	vgt.s32 v57, v2;
	vm8 =	vgt.s32 v58, v2;
	vm9 =	vgt.s32 v59, v2  }
0x32a: {  	vm10 =	vgt.s32 v61, v2;
	vm11 =	vgt.s32 v60, v2;
	vm12 =	vgt.s32 v55, v2  }
0x32b: {  	vm13 =	vgt.s32 v56, v2;
	vm14 =	vgt.s32 v15, v2;
	vm15 =	vgt.s32 v16, v2  }
0x32c: {  	vm4 =	vgt.s32 v13, v2;
	vm5 =	vgt.s32 v14, v2;
	vm6 =	vgt.s32 v11, v2  }
0x32d: {  	v62 =	vsel vm7, $0x1, v0;
	v63 =	vsel vm8, $0x1, v0;
	v28 =	vsel vm9, $0x1, v0  }
0x32e: {  	v29 =	vsel vm10, $0x1, v0;
	v30 =	vsel vm11, $0x1, v0;
	v31 =	vsel vm12, $0x1, v0  }
0x32f: {  	v32 =	vsel vm13, $0x1, v0;
	v33 =	vsel vm14, $0x1, v0;
	v34 =	vsel vm15, $0x1, v0  }
0x330: {  	v35 =	vsel vm4, $0x1, v0;
	v36 =	vsel vm5, $0x1, v0;
	v37 =	vsel vm6, $0x1, v0  }
0x331: {  	vm7 =	vgt.s32 v12, v2;
	vm8 =	vgt.s32 v10, v2;
	vm9 =	vgt.s32 v9, v2  }
0x332: {  	vm10 =	vgt.s32 v8, v2;
	vm11 =	vgt.s32 v7, v2;
	vm12 =	vgt.s32 v6, v2  }
0x333: {  	vm13 =	vgt.s32 v5, v2;
	vm14 =	vgt.s32 v4, v2;
	vm15 =	vgt.s32 v3, v2  }
0x334: {  	vm4 =	vgt.s32 v57, v1;
	vm5 =	vgt.s32 v58, v1;
	vm6 =	vgt.s32 v59, v1  }
0x335: {  	v24 =	vadd.s32 v63, v62;
	v38 =	vsel vm7, $0x1, v0;
	v39 =	vsel vm8, $0x1, v0  }
0x336: {  	v40 =	vsel vm9, $0x1, v0;
	v41 =	vsel vm10, $0x1, v0;
	v42 =	vsel vm11, $0x1, v0  }
0x337: {  	v43 =	vsel vm12, $0x1, v0;
	v44 =	vsel vm13, $0x1, v0;
	v45 =	vsel vm14, $0x1, v0  }
0x338: {  	v46 =	vsel vm15, $0x1, v0;
	v19 =	vsel vm4, $0x1, v0;
	v20 =	vsel vm5, $0x1, v0  }
0x339: {  	v21 =	vsel vm6, $0x1, v0;
	vm7 =	vgt.s32 v47, v2;
	vm8 =	vgt.s32 v61, v1  }
0x33a: {  	vm9 =	vgt.s32 v60, v1;
	vm10 =	vgt.s32 v55, v1;
	vm11 =	vgt.s32 v48, v2  }
0x33b: {  	vm12 =	vgt.s32 v56, v1;
	v55 =	vbroadcast v2, $0x7;
	vm13 =	vgt.s32 v15, v1  }
0x33c: {  	vm14 =	vgt.s32 v13, v1;
	vm15 =	vgt.s32 v16, v1;
	vm5 =	vgt.s32 v14, v1  }
0x33d: {  	v60 =	vbroadcast v2, $0x8;
	vm6 =	vgt.s32 v11, v1;
	v62 =	vbroadcast v2, $0x9  }
0x33e: {  	v24 =	vadd.s32 v28, v24;
	v19 =	vadd.s32 v20, v19;
	v49 =	vsel vm7, $0x1, v0  }
0x33f: {  	v23 =	vsel vm8, $0x1, v0;
	v22 =	vsel vm9, $0x1, v0;
	v51 =	vsel vm11, $0x1, v0  }
0x340: {  	v52 =	vsel vm10, $0x1, v0;
	v54 =	vsel vm12, $0x1, v0;
	v56 =	vsel vm13, $0x1, v0  }
0x341: {  	v57 =	vsel vm15, $0x1, v0;
	v59 =	vsel vm14, $0x1, v0;
	v61 =	vsel vm5, $0x1, v0  }
0x342: {  	v63 =	vsel vm6, $0x1, v0;
	vm8 =	vgt.s32 v12, v1;
	vm9 =	vgt.s32 v10, v1  }
0x343: {  	vm11 =	vgt.s32 v9, v1;
	vm12 =	vgt.s32 v8, v1;
	vm14 =	vgt.s32 v7, v1  }
0x344: {  	vm15 =	vgt.s32 v6, v1;
	vm5 =	vgt.s32 v4, v1;
	v24 =	vadd.s32 v29, v24  }
0x345: {  	v19 =	vadd.s32 v21, v19;
	vm4 =	vgt.s32 v55, v2;
	vm7 =	vgt.s32 v60, v2  }
0x346: {  	v12 =	vsel vm8, $0x1, v0;
	vm10 =	vgt.s32 v62, v2;
	v26 =	vsel vm11, $0x1, v0  }
0x347: {  	v28 =	vsel vm12, $0x1, v0;
	vm12 =	vgt.s32 v55, v1;
	v24 =	vadd.s32 v30, v24  }
0x348: {  	v19 =	vadd.s32 v23, v19;
	v58 =	vsel vm4, $0x1, v0;
	v24 =	vadd.s32 v31, v24  }
0x349: {  	v18 =	vsel vm7, $0x1, v0;
	v23 =	vbroadcast v2, $0xA;
	v24 =	vadd.s32 v32, v24  }
0x34a: {  	vm4 =	vgt.s32 v5, v1;
	vm7 =	vgt.s32 v3, v1;
	v24 =	vadd.s32 v33, v24  }
0x34b: {  	v50 =	vadd.s32 v22, v19;
	v31 =	vsel vm14, $0x1, v0;
	v24 =	vadd.s32 v34, v24  }
0x34c: {  	vm14 =	vgt.s32 v62, v1;
	v62 =	vand.u32 $0x1FFF, v1;
	v24 =	vadd.s32 v35, v24  }
0x34d: {  	v17 =	vadd.s32 v52, v50;
	vm13 =	vgt.s32 v23, v2;
	v24 =	vadd.s32 v36, v24  }
0x34e: {  	v50 =	vbroadcast v2, $0xF;
	v17 =	vadd.s32 v54, v17;
	v24 =	vadd.s32 v37, v24  }
0x34f: {  	v30 =	vsel vm13, $0x1, v0;
	v33 =	vbroadcast v2, $0xB;
	v24 =	vadd.s32 v38, v24  }
0x350: {  	vm13 =	vgt.s32 v60, v1;
	v13 =	vadd.s32 v56, v17;
	v24 =	vadd.s32 v39, v24  }
0x351: {  	v34 =	vsel vm15, $0x1, v0;
	v13 =	vadd.s32 v57, v13;
	v24 =	vadd.s32 v40, v24  }
0x352: {  	vm6 =	vgt.s32 v33, v2;
	v13 =	vadd.s32 v59, v13;
	v24 =	vadd.s32 v41, v24  }
0x353: {  	v36 =	vbroadcast v2, $0xC;
	v59 =	vand.u32 $0x1FFF, v2;
	v24 =	vadd.s32 v42, v24  }
0x354: {  	v11 =	vadd.s32 v61, v13;
	v37 =	vsel vm4, $0x1, v0;
	v24 =	vadd.s32 v43, v24  }
0x355: {  	vm4 =	vgt.s32 v23, v1;
	v11 =	vadd.s32 v63, v11;
	v24 =	vadd.s32 v44, v24  }
0x356: {  	vm8 =	vgt.s32 v36, v2;
	v11 =	vadd.s32 v12, v11;
	v24 =	vadd.s32 v45, v24  }
0x357: {  	v39 =	vsel vm6, $0x1, v0;
	vm6 =	vgt.s32 v50, v2;
	v24 =	vadd.s32 v46, v24  }
0x358: {  	v40 =	vsel vm5, $0x1, v0;
	vm5 =	vgt.s32 v33, v1;
	v21 =	vadd.s32 v49, v24  }
0x359: {  	v55 =	vsel vm6, $0x1, v0;
	v53 =	vadd.s32 v51, v21;
	v21 =	vsel vm9, $0x1, v0  }
0x35a: {  	v41 =	vsel vm7, $0x1, v0;
	v54 =	vsel vm5, $0x1, v0;
	v22 =	vadd.s32 v21, v11  }
0x35b: {  	vm7 =	vgt.s32 v36, v1;
	v42 =	vbroadcast v2, $0xD;
	v27 =	vadd.s32 v26, v22  }
0x35c: {  	v56 =	vsel vm7, $0x1, v0;
	v43 =	vsel vm8, $0x1, v0;
	v29 =	vadd.s32 v28, v27  }
0x35d: {  	vm11 =	vgt.s32 v42, v2;
	vm8 =	vgt.s32 v42, v1;
	v32 =	vadd.s32 v31, v29  }
0x35e: {  	v57 =	vsel vm8, $0x1, v0;
	v46 =	vsel vm11, $0x1, v0;
	v35 =	vadd.s32 v34, v32  }
0x35f: {  	vm11 =	vgt.s32 v2, $0x3FFF;
	v24 =	vsel vm10, $0x1, v0;
	v38 =	vadd.s32 v37, v35  }
0x360: {  	vm10 =	vgt.s32 v48, v1;
	vm9 =	vgt.s32 v47, v1;
	v4 =	vadd.s32 v40, v38  }
0x361: {  	v48 =	vbroadcast v2, $0xE;
	v44 =	vsel vm9, $0x1, v0;
	v4 =	vadd.s32 v41, v4  }
0x362: {  	v49 =	vsel vm13, $0x1, v0;
	v45 =	vsel vm10, $0x1, v0;
	v4 =	vadd.s32 v44, v4  }
0x363: {  	v47 =	vsel vm12, $0x1, v0;
	v15 =	vadd.s32 v58, v53;
	v4 =	vadd.s32 v45, v4  }
0x364: {  	v51 =	vsel vm14, $0x1, v0;
	v10 =	vadd.s32 v18, v15;
	v4 =	vadd.s32 v47, v4  }
0x365: {  	vm10 =	vgt.s32 v50, v1;
	v10 =	vadd.s32 v24, v10;
	v4 =	vadd.s32 v49, v4  }
0x366: {  	v53 =	vsel vm4, $0x1, v0;
	v8 =	vadd.s32 v30, v10;
	v4 =	vadd.s32 v51, v4  }
0x367: {  	vm15 =	vgt.s32 v48, v2;
	v3 =	vadd.s32 v39, v8;
	v4 =	vadd.s32 v53, v4  }
0x368: {  	vm9 =	vgt.s32 v48, v1;
	v3 =	vadd.s32 v43, v3;
	v4 =	vadd.s32 v54, v4  }
0x369: {  	v52 =	vsel vm15, $0x1, v0;
	v3 =	vadd.s32 v46, v3;
	v4 =	vadd.s32 v56, v4  }
0x36a: {  	v60 =	vsel vm9, $0x1, v0;
	v3 =	vadd.s32 v52, v3;
	v4 =	vadd.s32 v57, v4  }
0x36b: {  	v61 =	vsel vm10, $0x1, v0;
	v3 =	vadd.s32 v55, v3;
	v4 =	vadd.s32 v60, v4  }
0x36c: {  	vm13 =	vgt.s32 v1, $0x3FFF;
	v58 =	vshll.u32 v3, $0xD;
	v2 =	vadd.s32 v61, v4  }
0x36d: {  	vm12 =	vlt.u32 v3, $0x5;
	v5 =	vor.u32 v59, v58;
	v63 =	vshll.u32 v2, $0xD  }
0x36e: {  	vm0 =	vmand vm11, vm12;
	v3 =	vxor.u32 $0x1FFF, v5;
	v4 =	vor.u32 v62, v63  }
0x36f: {  	v3 =	vadd.s32 $0x1, v3;
	vm14 =	vlt.u32 v2, $0x5;
	v1 =	vxor.u32 $0x1FFF, v4  }
0x370: {  	s25 =	sadd.s32 $0x1, s25;
	v2 =	vnsel vm0, $0x0, v3;
	vm15 =	vmand vm13, vm14;
	v1 =	vadd.s32 $0x1, v1  }
0x371: {  	p0 =	sne.s32 s25, s6;
	[tilespmem:s26+$0x810] =	vst v2;
	v1 =	vnsel vm15, $0x0, v1  }
.Ltmp1:
0x372: {  	[tilespmem:s26+$0x800] =	vst v1;
	(pc) =	sbr.rel @p0 .LBB2_1-.Ltmp1, $4  }
0x373: {  	[hbm4b:s5+s3] =	stream.linear.scatter [tilespmem:s24], [sflag:$0x2], $0x400, $0x38;
	[tilespmem:$0xC00] =	vst v63  }
0x374: {  	_ =	swait.ge [sflag:s7], $0x400  }
0x375: {  	[sflag:s7] =	ssyncset.done $0x0  }
0x376: {  	[sflag:s7] =	ssyncadd.s32 $0xFFFFFC00  }
0x377: {  	_ =	sfence.sel $0x180000  }
0x378: {  	[bflag:$0x0] =	sbarrier.arrive $0xFFFF  }
0x379: {  	p0 =	sne.s32 s2, $0x0;
	_ =	strace $0x90000047  }
0x37a: {  	s0 =	sadd.s32 @!p0 $0x100000, s0;
	[bflag:$0x2] =	sbarrier.arrive $0xFFFF  }
0x37b: {  	[sflag:s0] =	ssyncadd.tile.s32 @!p0 $0x1;
	_ =	shalt  }
.Lfunc_end2:
_tile_overlayer_lowered:
.L_overlay_start_2:
0x37c: {  	(tag) =	ssettag $0x2  }
0x37d: {  	s0 =	rddreg [dreg:$0x0];
	s2 =	stileid.u32  }
0x37e: {  	s1 =	rddreg [dreg:$0x1];
	p0 =	sne.s32 s2, $0x0  }
0x37f: {  	s3 =	rddreg [dreg:$0x2];
	[bflag:$0x3] =	sbarrier.arrive $0xFFFF;
	s2 =	simm.s32 @!p0 $0x1C02  }
0x380: {  	[timem:s3], [sflag:s2] =	dma.local @!p0 [hbm:s0], s1  }
0x381: {  	s0 =	simm.s32 @!p0 $0x2  }
0x382: {  	_ =	swait.ge @!p0 [sflag:s0], s1  }
0x383: {  	s1 =	ssub.s32 @!p0 $0x0, s1;
	[sflag:s0] =	ssyncset.done @!p0 $0x0  }
0x384: {  	[sflag:s0] =	ssyncadd.s32 @!p0 s1  }
0x385: {  	[bflag:$0x3] =	sbarrier.arrive $0xFFFF  }
0x386: {  	_ =	shalt  }

</sc_bundles>
